<compile_context>
chip_gen: v7x
topology: tpu7x:2x2x1
jax: 0.10.2.dev20260603
libtpu: 0.0.44.dev20260713+nightly
codegen_flags: <defaults>
</compile_context>

<pallas_src>
import functools

import jax
import jax.numpy as jnp
from jax import lax
from jax.experimental import pallas as pl
from jax.experimental.pallas import tpu as pltpu
from jax.experimental.pallas import tpu_sc as plsc

N = 10000
D = 128
DH = 64
K = 50
ALPHA = 0.1
E = 320000
E2 = 327680
NP_ = 10240
ROWS_PW = NP_ // 16
NCHUNK = ROWS_PW // 128

EPW2 = E2 // 16
NJ2 = EPW2 // 128
EPW1 = E2 // 32
NJ1 = EPW1 // 128

_MESH = plsc.VectorSubcoreMesh(core_axis_name="c", subcore_axis_name="s")
_SC_PARAMS = pltpu.CompilerParams(use_tc_tiling_on_sc=False)


def _zero_vmem_2d(ref, rows, lanes):
    z = jnp.zeros((16,), jnp.float32)

    def body(r, _):
        for cc in range(lanes // 16):
            ref[r, pl.ds(cc * 16, 16)] = z
        return 0

    lax.fori_loop(0, rows, body, 0)


@functools.partial(
    pl.kernel,
    out_type=jax.ShapeDtypeStruct((2 * NP_, 16), jnp.float32),
    mesh=_MESH,
    compiler_params=_SC_PARAMS,
    scratch_types=[
        pltpu.VMEM((NJ1, 128), jnp.int32),
        pltpu.VMEM((128, 16), jnp.float32),
        pltpu.VMEM((128, 16), jnp.float32),
        pltpu.VMEM((128, 16), jnp.float32),
        pltpu.VMEM_SHARED((NP_, 16), jnp.float32),
    ],
)
def _deg_kernel(idst_hbm, ones_hbm, degp_hbm, vdst, onesv, zbuf, obuf, accd):
    c = lax.axis_index("c")
    s = lax.axis_index("s")
    w = c * 16 + s
    row0 = s * ROWS_PW
    coff = c * NP_

    pltpu.sync_copy(idst_hbm.at[w], vdst)
    pltpu.sync_copy(ones_hbm, onesv)
    _zero_vmem_2d(zbuf, 128, 16)
    for t in range(NCHUNK):
        pltpu.sync_copy(zbuf, accd.at[pl.ds(row0 + t * 128, 128)])
    plsc.subcore_barrier()

    def ch(j, _):
        pltpu.sync_copy(onesv, accd.at[vdst.at[j]], add=True)
        return 0

    lax.fori_loop(0, NJ1, ch, 0)
    plsc.subcore_barrier()

    for t in range(NCHUNK):
        pltpu.sync_copy(accd.at[pl.ds(row0 + t * 128, 128)], obuf)
        pltpu.sync_copy(obuf, degp_hbm.at[pl.ds(coff + row0 + t * 128, 128)])


@functools.partial(
    pl.kernel,
    out_type=jax.ShapeDtypeStruct((2 * NP_, DH), jnp.float32),
    mesh=_MESH,
    compiler_params=_SC_PARAMS,
    scratch_types=[
        [pltpu.VMEM((5, 128), jnp.int32)] * 2,
        [pltpu.VMEM((5, 128), jnp.int32)] * 2,
        [pltpu.VMEM((128, DH), jnp.float32)] * 5,
        pltpu.VMEM_SHARED((NP_, DH), jnp.float32),
        pltpu.VMEM_SHARED((NP_, DH), jnp.float32),
        pltpu.SemaphoreType.DMA((5,)),
        pltpu.SemaphoreType.DMA((5,)),
        pltpu.SemaphoreType.DMA((4,)),
    ],
)
def _prop_kernel(y0_hbm, hq_hbm, s0_hbm, isrc_hbm, idst_hbm,
                 yout_hbm,
                 visrc, vidst, gb, ybuf_s, pbuf_s, gsem, ssem, isem):
    c = lax.axis_index("c")
    s = lax.axis_index("s")
    row0 = s * ROWS_PW
    coff = c * NP_
    BLK = 5

    for t in range(NCHUNK):
        r0 = row0 + t * 128
        pltpu.sync_copy(y0_hbm.at[pl.ds(coff + r0, 128)], gb[0])
        pltpu.sync_copy(gb[0], ybuf_s.at[pl.ds(r0, 128)])
        pltpu.sync_copy(hq_hbm.at[pl.ds(coff + r0, 128)], gb[1])

        def irow(r, _):
            for cc in range(DH // 16):
                sl = pl.ds(cc * 16, 16)
                gb[2][r, sl] = gb[0][r, sl] + gb[1][r, sl]
            return 0

        lax.fori_loop(0, 128, irow, 0)
        pltpu.sync_copy(gb[2], pbuf_s.at[pl.ds(r0, 128)])
    plsc.subcore_barrier()

    def do_block(vs, vd):
        gd = [
            pltpu.async_copy(ybuf_s.at[vs.at[b]], gb[b], gsem.at[b])
            for b in range(BLK)
        ]
        sd = []
        for b in range(BLK):
            gd[b].wait()
            sd.append(pltpu.async_copy(
                gb[b], pbuf_s.at[vd.at[b]], ssem.at[b], add=True))
        for d in sd:
            d.wait()

    def one_round(k, _):
        pltpu.sync_copy(isrc_hbm.at[s, pl.ds(0, BLK)], visrc[0])
        pltpu.sync_copy(idst_hbm.at[s, pl.ds(0, BLK)], vidst[0])

        def block_pair(pp, _):
            j0 = pp * (2 * BLK)
            ib = [
                pltpu.async_copy(isrc_hbm.at[s, pl.ds(j0 + BLK, BLK)],
                                 visrc[1], isem.at[0]),
                pltpu.async_copy(idst_hbm.at[s, pl.ds(j0 + BLK, BLK)],
                                 vidst[1], isem.at[1]),
            ]
            do_block(visrc[0], vidst[0])
            for d in ib:
                d.wait()
            ia = [
                pltpu.async_copy(isrc_hbm.at[s, pl.ds(j0 + 2 * BLK, BLK)],
                                 visrc[0], isem.at[2]),
                pltpu.async_copy(idst_hbm.at[s, pl.ds(j0 + 2 * BLK, BLK)],
                                 vidst[0], isem.at[3]),
            ]
            do_block(visrc[1], vidst[1])
            for d in ia:
                d.wait()
            return 0

        lax.fori_loop(0, NJ2 // (2 * BLK), block_pair, 0)
        plsc.subcore_barrier()

        def comb(t, _):
            r0 = row0 + t * 128
            ld = [
                pltpu.async_copy(pbuf_s.at[pl.ds(r0, 128)], gb[0],
                                 gsem.at[0]),
                pltpu.async_copy(s0_hbm.at[pl.ds(coff + r0, 128)], gb[1],
                                 gsem.at[1]),
                pltpu.async_copy(hq_hbm.at[pl.ds(coff + r0, 128)], gb[2],
                                 gsem.at[2]),
            ]
            for d in ld:
                d.wait()

            def row(r, _):
                for cc in range(DH // 16):
                    sl = pl.ds(cc * 16, 16)
                    yv = gb[0][r, sl] * gb[1][r, sl]
                    gb[3][r, sl] = yv
                    gb[4][r, sl] = yv + gb[2][r, sl]
                return 0

            lax.fori_loop(0, 128, row, 0)
            st = [
                pltpu.async_copy(gb[3], ybuf_s.at[pl.ds(r0, 128)],
                                 ssem.at[0]),
                pltpu.async_copy(gb[4], pbuf_s.at[pl.ds(r0, 128)],
                                 ssem.at[1]),
            ]
            for d in st:
                d.wait()
            return 0

        lax.fori_loop(0, NCHUNK, comb, 0)
        plsc.subcore_barrier()
        return 0

    lax.fori_loop(0, K, one_round, 0)

    for t in range(NCHUNK):
        r0 = row0 + t * 128
        pltpu.sync_copy(ybuf_s.at[pl.ds(r0, 128)], gb[0])
        pltpu.sync_copy(gb[0], yout_hbm.at[pl.ds(coff + r0, 128)])


def _lin_body(x_ref, w_ref, b_ref, o_ref):
    o_ref[...] = jnp.maximum(
        jnp.dot(x_ref[...], w_ref[...], preferred_element_type=jnp.float32)
        + b_ref[...],
        0.0,
    )


def _linear_relu(x, W, b):
    return pl.pallas_call(
        _lin_body,
        grid=(10,),
        in_specs=[
            pl.BlockSpec((1000, D), lambda i: (i, 0)),
            pl.BlockSpec((D, D), lambda i: (0, 0)),
            pl.BlockSpec((1, D), lambda i: (0, 0)),
        ],
        out_specs=pl.BlockSpec((1000, D), lambda i: (i, 0)),
        out_shape=jax.ShapeDtypeStruct((N, D), jnp.float32),
    )(x, W, b.reshape(1, D))


@jax.jit
def kernel(x, edge_index, W, b):
    h = _linear_relu(x, W, b)

    src = edge_index[0].astype(jnp.int32)
    dst = edge_index[1].astype(jnp.int32)
    pad = E2 - E
    srcp = jnp.concatenate([src, jnp.full((pad,), N, jnp.int32)])
    dstp = jnp.concatenate([dst, jnp.full((pad,), N, jnp.int32)])

    idst1 = dstp.reshape(32, NJ1, 128)
    zpadc = jnp.zeros((16, 8, 128), jnp.int32)
    isrc2 = jnp.concatenate([srcp.reshape(16, NJ2, 128), zpadc], axis=1)
    idst2 = jnp.concatenate([dstp.reshape(16, NJ2, 128), zpadc], axis=1)

    ones = jnp.ones((128, 16), jnp.float32)
    degp = _deg_kernel(idst1, ones)
    deg = degp[:NP_, 0][:N] + degp[NP_:, 0][:N] + 1.0

    dinv = lax.rsqrt(deg)
    sq = jnp.sqrt(deg)
    y0 = h * dinv[:, None]
    y0p = jnp.zeros((NP_, D), jnp.float32).at[:N].set(y0)
    y0f = jnp.concatenate([y0p[:, :DH], y0p[:, DH:]], axis=0)
    hq = (ALPHA / (1.0 - ALPHA)) * sq[:, None] * h
    hqp = jnp.zeros((NP_, D), jnp.float32).at[:N].set(hq)
    hqf = jnp.concatenate([hqp[:, :DH], hqp[:, DH:]], axis=0)
    s0 = jnp.zeros((NP_,), jnp.float32).at[:N].set((1.0 - ALPHA) / deg)
    s0f = jnp.tile(s0[:, None], (2, DH))

    ya = _prop_kernel(y0f, hqf, s0f, isrc2, idst2)
    yfin = jnp.concatenate([ya[:N], ya[NP_:NP_ + N]], axis=1)
    return yfin * sq[:, None]

# --- scband reference (transcript-rebuilt; emitter-appended) ---
"""Pipeline reference for scband-appnpmodel-82566451298751 (READ-ONLY COPY).

The authoritative reference and input builder live on the scoring server;
editing this copy changes nothing except your own understanding.
"""

import jax, jax.numpy as jnp
import numpy as np

N_NODES = 10000
N_EDGES = 320000
D_IN = 128
D_OUT = 128
K_ITERS = 50
ALPHA = 0.1


def setup_inputs(seed: int = 0) -> dict:
    key = jax.random.key(seed)
    k1, k2, k3 = jax.random.split(key, 3)
    x = jax.random.normal(k1, (N_NODES, D_IN), dtype=jnp.float32)
    edge_index = jax.random.randint(k2, (2, N_EDGES), 0, N_NODES).astype(jnp.int32)
    # Linear layer parameters (in_channels=128 -> out_channels=128, num_layers=1)
    W = jax.random.normal(k3, (D_IN, D_OUT), dtype=jnp.float32) * (1.0 / np.sqrt(D_IN))
    b = jnp.zeros((D_OUT,), dtype=jnp.float32)
    return {"x": x, "edge_index": edge_index, "W": W, "b": b}


def reference(x, edge_index, W, b):
    # Linear stack (num_layers=1): dropout is identity in eval mode / p=0.0
    h = jax.nn.relu(x @ W + b)

    # APPNP propagation with GCN normalization + self loops
    N = h.shape[0]
    src = edge_index[0]
    dst = edge_index[1]
    loop = jnp.arange(N, dtype=src.dtype)
    src = jnp.concatenate([src, loop])
    dst = jnp.concatenate([dst, loop])
    w = jnp.ones(src.shape[0], dtype=h.dtype)
    deg = jnp.zeros((N,), dtype=h.dtype).at[dst].add(w)
    dinv = jnp.where(deg > 0, jax.lax.rsqrt(jnp.maximum(deg, 1e-12)), 0.0)
    w = dinv[src] * w * dinv[dst]

    out = h
    for _ in range(K_ITERS):
        msg = out[src] * w[:, None]                      # gather (memory bound)
        agg = jax.ops.segment_sum(msg, dst, num_segments=N)  # scatter-add
        out = (1.0 - ALPHA) * agg + ALPHA * h
    return out

if __name__ == "__main__":
    import jax
    _d = setup_inputs()
    print(jax.jit(kernel)(*tuple(_d.values())))

</pallas_src>

<mosaic_0001>
#map = affine_map<(d0, d1) -> (0, 0)>
#map1 = affine_map<(d0, d1) -> (0, 0, 0)>
module attributes {stable_mosaic.version = 14 : i64} {
  func.func @_prop_kernel(%arg0: i32, %arg1: i32, %arg2: memref<20480x64xf32, #tpu.memory_space<hbm>>, %arg3: memref<20480x64xf32, #tpu.memory_space<hbm>>, %arg4: memref<20480x64xf32, #tpu.memory_space<hbm>>, %arg5: memref<16x168x128xi32, #tpu.memory_space<hbm>>, %arg6: memref<16x168x128xi32, #tpu.memory_space<hbm>>, %arg7: memref<20480x64xf32, #tpu.memory_space<hbm>>, %arg8: memref<5x128xi32, #tpu.memory_space<vmem>>, %arg9: memref<5x128xi32, #tpu.memory_space<vmem>>, %arg10: memref<5x128xi32, #tpu.memory_space<vmem>>, %arg11: memref<5x128xi32, #tpu.memory_space<vmem>>, %arg12: memref<128x64xf32, #tpu.memory_space<vmem>>, %arg13: memref<128x64xf32, #tpu.memory_space<vmem>>, %arg14: memref<128x64xf32, #tpu.memory_space<vmem>>, %arg15: memref<128x64xf32, #tpu.memory_space<vmem>>, %arg16: memref<128x64xf32, #tpu.memory_space<vmem>>, %arg17: memref<10240x64xf32, #tpu.memory_space<vmem_shared>>, %arg18: memref<10240x64xf32, #tpu.memory_space<vmem_shared>>, %arg19: memref<5x!tpu.dma_semaphore, #tpu.memory_space<semaphore_mem>>, %arg20: memref<5x!tpu.dma_semaphore, #tpu.memory_space<semaphore_mem>>, %arg21: memref<4x!tpu.dma_semaphore, #tpu.memory_space<semaphore_mem>>) attributes {dimension_semantics = [#tpu.dimension_semantics<core_parallel>, #tpu.dimension_semantics<subcore_parallel>], iteration_bounds = array<i64: 2, 16>, scalar_prefetch = 0 : i64, scratch_operands = 14 : i64, tpu.core_type = #tpu.core_type<sc_vector_subcore>, window_params = [{transform_indices = #map}, {transform_indices = #map}, {transform_indices = #map}, {transform_indices = #map1}, {transform_indices = #map1}, {transform_indices = #map}]} {
    %mul3A = arith.constant 640 : i32
    %mul3A_0 = arith.muli %arg1, %mul3A : i32
    %mul3A_1 = arith.constant 10240 : i32
    %mul3A_2 = arith.muli %arg0, %mul3A_1 : i32
    %add3A = arith.constant 0 : i32
    %add3A_3 = arith.addi %mul3A_0, %add3A : i32
    %add3A_4 = arith.addi %mul3A_2, %add3A_3 : i32
    "tpu.region"() ({
      %run_scoped3A = tpu.sem_alloc : memref<!tpu.dma_semaphore, #tpu.memory_space<semaphore_mem>>
      %dma_start3A = arith.constant 0 : i32
      %dma_start3A_78 = tpu.memref_slice %arg2[%add3A_4, %dma_start3A] : memref<20480x64xf32, #tpu.memory_space<hbm>> -> memref<128x64xf32, #tpu.memory_space<hbm>>
      %dma_start3A_79 = arith.constant 0 : i32
      %dma_start3A_80 = tpu.memref_slice %arg2[%add3A_4, %dma_start3A_79] : memref<20480x64xf32, #tpu.memory_space<hbm>> -> memref<128x64xf32, #tpu.memory_space<hbm>>
      tpu.enqueue_dma source(%dma_start3A_80 : memref<128x64xf32, #tpu.memory_space<hbm>>) target(%arg12 : memref<128x64xf32, #tpu.memory_space<vmem>>) target_semaphore(%run_scoped3A : memref<!tpu.dma_semaphore, #tpu.memory_space<semaphore_mem>>)
      %dma_wait3A = arith.constant 0 : i32
      %dma_wait3A_81 = tpu.memref_slice %arg2[%add3A_4, %dma_wait3A] : memref<20480x64xf32, #tpu.memory_space<hbm>> -> memref<128x64xf32, #tpu.memory_space<hbm>>
      %dma_wait3A_82 = arith.constant 0 : i32
      %dma_wait3A_83 = tpu.memref_slice %arg2[%add3A_4, %dma_wait3A_82] : memref<20480x64xf32, #tpu.memory_space<hbm>> -> memref<128x64xf32, #tpu.memory_space<hbm>>
      tpu.wait_dma2 semaphore(%run_scoped3A : memref<!tpu.dma_semaphore, #tpu.memory_space<semaphore_mem>>) src(%dma_wait3A_83 : memref<128x64xf32, #tpu.memory_space<hbm>>) dst(%arg12 : memref<128x64xf32, #tpu.memory_space<vmem>>)
      tpu.yield
    }) : () -> ()
    "tpu.region"() ({
      %run_scoped3A = tpu.sem_alloc : memref<!tpu.dma_semaphore, #tpu.memory_space<semaphore_mem>>
      %dma_start3A = arith.constant 0 : i32
      %dma_start3A_78 = tpu.memref_slice %arg17[%add3A_3, %dma_start3A] : memref<10240x64xf32, #tpu.memory_space<vmem_shared>> -> memref<128x64xf32, #tpu.memory_space<vmem_shared>>
      %dma_start3A_79 = arith.constant 0 : i32
      %dma_start3A_80 = tpu.memref_slice %arg17[%add3A_3, %dma_start3A_79] : memref<10240x64xf32, #tpu.memory_space<vmem_shared>> -> memref<128x64xf32, #tpu.memory_space<vmem_shared>>
      tpu.enqueue_dma source(%arg12 : memref<128x64xf32, #tpu.memory_space<vmem>>) target(%dma_start3A_80 : memref<128x64xf32, #tpu.memory_space<vmem_shared>>) target_semaphore(%run_scoped3A : memref<!tpu.dma_semaphore, #tpu.memory_space<semaphore_mem>>)
      %dma_wait3A = arith.constant 0 : i32
      %dma_wait3A_81 = tpu.memref_slice %arg17[%add3A_3, %dma_wait3A] : memref<10240x64xf32, #tpu.memory_space<vmem_shared>> -> memref<128x64xf32, #tpu.memory_space<vmem_shared>>
      %dma_wait3A_82 = arith.constant 0 : i32
      %dma_wait3A_83 = tpu.memref_slice %arg17[%add3A_3, %dma_wait3A_82] : memref<10240x64xf32, #tpu.memory_space<vmem_shared>> -> memref<128x64xf32, #tpu.memory_space<vmem_shared>>
      tpu.wait_dma2 semaphore(%run_scoped3A : memref<!tpu.dma_semaphore, #tpu.memory_space<semaphore_mem>>) src(%arg12 : memref<128x64xf32, #tpu.memory_space<vmem>>) dst(%dma_wait3A_83 : memref<128x64xf32, #tpu.memory_space<vmem_shared>>)
      tpu.yield
    }) : () -> ()
    %add3A_5 = arith.addi %mul3A_2, %add3A_3 : i32
    "tpu.region"() ({
      %run_scoped3A = tpu.sem_alloc : memref<!tpu.dma_semaphore, #tpu.memory_space<semaphore_mem>>
      %dma_start3A = arith.constant 0 : i32
      %dma_start3A_78 = tpu.memref_slice %arg3[%add3A_5, %dma_start3A] : memref<20480x64xf32, #tpu.memory_space<hbm>> -> memref<128x64xf32, #tpu.memory_space<hbm>>
      %dma_start3A_79 = arith.constant 0 : i32
      %dma_start3A_80 = tpu.memref_slice %arg3[%add3A_5, %dma_start3A_79] : memref<20480x64xf32, #tpu.memory_space<hbm>> -> memref<128x64xf32, #tpu.memory_space<hbm>>
      tpu.enqueue_dma source(%dma_start3A_80 : memref<128x64xf32, #tpu.memory_space<hbm>>) target(%arg13 : memref<128x64xf32, #tpu.memory_space<vmem>>) target_semaphore(%run_scoped3A : memref<!tpu.dma_semaphore, #tpu.memory_space<semaphore_mem>>)
      %dma_wait3A = arith.constant 0 : i32
      %dma_wait3A_81 = tpu.memref_slice %arg3[%add3A_5, %dma_wait3A] : memref<20480x64xf32, #tpu.memory_space<hbm>> -> memref<128x64xf32, #tpu.memory_space<hbm>>
      %dma_wait3A_82 = arith.constant 0 : i32
      %dma_wait3A_83 = tpu.memref_slice %arg3[%add3A_5, %dma_wait3A_82] : memref<20480x64xf32, #tpu.memory_space<hbm>> -> memref<128x64xf32, #tpu.memory_space<hbm>>
      tpu.wait_dma2 semaphore(%run_scoped3A : memref<!tpu.dma_semaphore, #tpu.memory_space<semaphore_mem>>) src(%dma_wait3A_83 : memref<128x64xf32, #tpu.memory_space<hbm>>) dst(%arg13 : memref<128x64xf32, #tpu.memory_space<vmem>>)
      tpu.yield
    }) : () -> ()
    %scan3A = arith.constant 0 : i32
    %scan3A_6 = arith.constant 0 : i32
    %scan3A_7 = arith.constant 128 : i32
    %scan3A_8 = arith.addi %scan3A_6, %scan3A_7 : i32
    %scan3A_9 = arith.constant 1 : i32
    %scan3A_10 = scf.for %scan3A_78 = %scan3A_6 to %scan3A_8 step %scan3A_9 iter_args(%scan3A_79 = %scan3A) -> (i32)  : i32 {
      %get3A = arith.index_cast %scan3A_78 : i32 to index
      %get3A_80 = arith.constant 0 : index
      %get3A_81 = tpu.vector_load %arg12[%get3A, %get3A_80] {strides = array<i32>} : memref<128x64xf32, #tpu.memory_space<vmem>>, vector<1x16xf32>,
      %get3A_82 = vector.shape_cast %get3A_81 : vector<1x16xf32> to vector<16xf32>
      %get3A_83 = arith.index_cast %scan3A_78 : i32 to index
      %get3A_84 = arith.constant 0 : index
      %get3A_85 = tpu.vector_load %arg13[%get3A_83, %get3A_84] {strides = array<i32>} : memref<128x64xf32, #tpu.memory_space<vmem>>, vector<1x16xf32>,
      %get3A_86 = vector.shape_cast %get3A_85 : vector<1x16xf32> to vector<16xf32>
      %add3A_87 = arith.addf %get3A_82, %get3A_86 : vector<16xf32>
      %swap3A = arith.index_cast %scan3A_78 : i32 to index
      %swap3A_88 = arith.constant 0 : index
      %swap3A_89 = tpu.vector_load %arg14[%swap3A, %swap3A_88] {strides = array<i32>} : memref<128x64xf32, #tpu.memory_space<vmem>>, vector<1x16xf32>,
      %swap3A_90 = vector.shape_cast %swap3A_89 : vector<1x16xf32> to vector<16xf32>
      %swap3A_91 = vector.shape_cast %add3A_87 : vector<16xf32> to vector<1x16xf32>
      tpu.vector_store %arg14[%swap3A, %swap3A_88], %swap3A_91 {strides = array<i32>} : memref<128x64xf32, #tpu.memory_space<vmem>>, vector<1x16xf32>,
      %get3A_92 = arith.index_cast %scan3A_78 : i32 to index
      %get3A_93 = arith.constant 16 : index
      %get3A_94 = tpu.vector_load %arg12[%get3A_92, %get3A_93] {strides = array<i32>} : memref<128x64xf32, #tpu.memory_space<vmem>>, vector<1x16xf32>,
      %get3A_95 = vector.shape_cast %get3A_94 : vector<1x16xf32> to vector<16xf32>
      %get3A_96 = arith.index_cast %scan3A_78 : i32 to index
      %get3A_97 = arith.constant 16 : index
      %get3A_98 = tpu.vector_load %arg13[%get3A_96, %get3A_97] {strides = array<i32>} : memref<128x64xf32, #tpu.memory_space<vmem>>, vector<1x16xf32>,
      %get3A_99 = vector.shape_cast %get3A_98 : vector<1x16xf32> to vector<16xf32>
      %add3A_100 = arith.addf %get3A_95, %get3A_99 : vector<16xf32>
      %swap3A_101 = arith.index_cast %scan3A_78 : i32 to index
      %swap3A_102 = arith.constant 16 : index
      %swap3A_103 = tpu.vector_load %arg14[%swap3A_101, %swap3A_102] {strides = array<i32>} : memref<128x64xf32, #tpu.memory_space<vmem>>, vector<1x16xf32>,
      %swap3A_104 = vector.shape_cast %swap3A_103 : vector<1x16xf32> to vector<16xf32>
      %swap3A_105 = vector.shape_cast %add3A_100 : vector<16xf32> to vector<1x16xf32>
      tpu.vector_store %arg14[%swap3A_101, %swap3A_102], %swap3A_105 {strides = array<i32>} : memref<128x64xf32, #tpu.memory_space<vmem>>, vector<1x16xf32>,
      %get3A_106 = arith.index_cast %scan3A_78 : i32 to index
      %get3A_107 = arith.constant 32 : index
      %get3A_108 = tpu.vector_load %arg12[%get3A_106, %get3A_107] {strides = array<i32>} : memref<128x64xf32, #tpu.memory_space<vmem>>, vector<1x16xf32>,
      %get3A_109 = vector.shape_cast %get3A_108 : vector<1x16xf32> to vector<16xf32>
      %get3A_110 = arith.index_cast %scan3A_78 : i32 to index
      %get3A_111 = arith.constant 32 : index
      %get3A_112 = tpu.vector_load %arg13[%get3A_110, %get3A_111] {strides = array<i32>} : memref<128x64xf32, #tpu.memory_space<vmem>>, vector<1x16xf32>,
      %get3A_113 = vector.shape_cast %get3A_112 : vector<1x16xf32> to vector<16xf32>
      %add3A_114 = arith.addf %get3A_109, %get3A_113 : vector<16xf32>
      %swap3A_115 = arith.index_cast %scan3A_78 : i32 to index
      %swap3A_116 = arith.constant 32 : index
      %swap3A_117 = tpu.vector_load %arg14[%swap3A_115, %swap3A_116] {strides = array<i32>} : memref<128x64xf32, #tpu.memory_space<vmem>>, vector<1x16xf32>,
      %swap3A_118 = vector.shape_cast %swap3A_117 : vector<1x16xf32> to vector<16xf32>
      %swap3A_119 = vector.shape_cast %add3A_114 : vector<16xf32> to vector<1x16xf32>
      tpu.vector_store %arg14[%swap3A_115, %swap3A_116], %swap3A_119 {strides = array<i32>} : memref<128x64xf32, #tpu.memory_space<vmem>>, vector<1x16xf32>,
      %get3A_120 = arith.index_cast %scan3A_78 : i32 to index
      %get3A_121 = arith.constant 48 : index
      %get3A_122 = tpu.vector_load %arg12[%get3A_120, %get3A_121] {strides = array<i32>} : memref<128x64xf32, #tpu.memory_space<vmem>>, vector<1x16xf32>,
      %get3A_123 = vector.shape_cast %get3A_122 : vector<1x16xf32> to vector<16xf32>
      %get3A_124 = arith.index_cast %scan3A_78 : i32 to index
      %get3A_125 = arith.constant 48 : index
      %get3A_126 = tpu.vector_load %arg13[%get3A_124, %get3A_125] {strides = array<i32>} : memref<128x64xf32, #tpu.memory_space<vmem>>, vector<1x16xf32>,
      %get3A_127 = vector.shape_cast %get3A_126 : vector<1x16xf32> to vector<16xf32>
      %add3A_128 = arith.addf %get3A_123, %get3A_127 : vector<16xf32>
      %swap3A_129 = arith.index_cast %scan3A_78 : i32 to index
      %swap3A_130 = arith.constant 48 : index
      %swap3A_131 = tpu.vector_load %arg14[%swap3A_129, %swap3A_130] {strides = array<i32>} : memref<128x64xf32, #tpu.memory_space<vmem>>, vector<1x16xf32>,
      %swap3A_132 = vector.shape_cast %swap3A_131 : vector<1x16xf32> to vector<16xf32>
      %swap3A_133 = vector.shape_cast %add3A_128 : vector<16xf32> to vector<1x16xf32>
      tpu.vector_store %arg14[%swap3A_129, %swap3A_130], %swap3A_133 {strides = array<i32>} : memref<128x64xf32, #tpu.memory_space<vmem>>, vector<1x16xf32>,
      %scan3A_134 = arith.constant 0 : i32
      scf.yield %scan3A_134 : i32
    }
    %scan3A_11 = arith.constant 128 : i32
    "tpu.region"() ({
      %run_scoped3A = tpu.sem_alloc : memref<!tpu.dma_semaphore, #tpu.memory_space<semaphore_mem>>
      %dma_start3A = arith.constant 0 : i32
      %dma_start3A_78 = tpu.memref_slice %arg18[%add3A_3, %dma_start3A] : memref<10240x64xf32, #tpu.memory_space<vmem_shared>> -> memref<128x64xf32, #tpu.memory_space<vmem_shared>>
      %dma_start3A_79 = arith.constant 0 : i32
      %dma_start3A_80 = tpu.memref_slice %arg18[%add3A_3, %dma_start3A_79] : memref<10240x64xf32, #tpu.memory_space<vmem_shared>> -> memref<128x64xf32, #tpu.memory_space<vmem_shared>>
      tpu.enqueue_dma source(%arg14 : memref<128x64xf32, #tpu.memory_space<vmem>>) target(%dma_start3A_80 : memref<128x64xf32, #tpu.memory_space<vmem_shared>>) target_semaphore(%run_scoped3A : memref<!tpu.dma_semaphore, #tpu.memory_space<semaphore_mem>>)
      %dma_wait3A = arith.constant 0 : i32
      %dma_wait3A_81 = tpu.memref_slice %arg18[%add3A_3, %dma_wait3A] : memref<10240x64xf32, #tpu.memory_space<vmem_shared>> -> memref<128x64xf32, #tpu.memory_space<vmem_shared>>
      %dma_wait3A_82 = arith.constant 0 : i32
      %dma_wait3A_83 = tpu.memref_slice %arg18[%add3A_3, %dma_wait3A_82] : memref<10240x64xf32, #tpu.memory_space<vmem_shared>> -> memref<128x64xf32, #tpu.memory_space<vmem_shared>>
      tpu.wait_dma2 semaphore(%run_scoped3A : memref<!tpu.dma_semaphore, #tpu.memory_space<semaphore_mem>>) src(%arg14 : memref<128x64xf32, #tpu.memory_space<vmem>>) dst(%dma_wait3A_83 : memref<128x64xf32, #tpu.memory_space<vmem_shared>>)
      tpu.yield
    }) : () -> ()
    %add3A_12 = arith.constant 128 : i32
    %add3A_13 = arith.addi %mul3A_0, %add3A_12 : i32
    %add3A_14 = arith.addi %mul3A_2, %add3A_13 : i32
    "tpu.region"() ({
      %run_scoped3A = tpu.sem_alloc : memref<!tpu.dma_semaphore, #tpu.memory_space<semaphore_mem>>
      %dma_start3A = arith.constant 0 : i32
      %dma_start3A_78 = tpu.memref_slice %arg2[%add3A_14, %dma_start3A] : memref<20480x64xf32, #tpu.memory_space<hbm>> -> memref<128x64xf32, #tpu.memory_space<hbm>>
      %dma_start3A_79 = arith.constant 0 : i32
      %dma_start3A_80 = tpu.memref_slice %arg2[%add3A_14, %dma_start3A_79] : memref<20480x64xf32, #tpu.memory_space<hbm>> -> memref<128x64xf32, #tpu.memory_space<hbm>>
      tpu.enqueue_dma source(%dma_start3A_80 : memref<128x64xf32, #tpu.memory_space<hbm>>) target(%arg12 : memref<128x64xf32, #tpu.memory_space<vmem>>) target_semaphore(%run_scoped3A : memref<!tpu.dma_semaphore, #tpu.memory_space<semaphore_mem>>)
      %dma_wait3A = arith.constant 0 : i32
      %dma_wait3A_81 = tpu.memref_slice %arg2[%add3A_14, %dma_wait3A] : memref<20480x64xf32, #tpu.memory_space<hbm>> -> memref<128x64xf32, #tpu.memory_space<hbm>>
      %dma_wait3A_82 = arith.constant 0 : i32
      %dma_wait3A_83 = tpu.memref_slice %arg2[%add3A_14, %dma_wait3A_82] : memref<20480x64xf32, #tpu.memory_space<hbm>> -> memref<128x64xf32, #tpu.memory_space<hbm>>
      tpu.wait_dma2 semaphore(%run_scoped3A : memref<!tpu.dma_semaphore, #tpu.memory_space<semaphore_mem>>) src(%dma_wait3A_83 : memref<128x64xf32, #tpu.memory_space<hbm>>) dst(%arg12 : memref<128x64xf32, #tpu.memory_space<vmem>>)
      tpu.yield
    }) : () -> ()
    "tpu.region"() ({
      %run_scoped3A = tpu.sem_alloc : memref<!tpu.dma_semaphore, #tpu.memory_space<semaphore_mem>>
      %dma_start3A = arith.constant 0 : i32
      %dma_start3A_78 = tpu.memref_slice %arg17[%add3A_13, %dma_start3A] : memref<10240x64xf32, #tpu.memory_space<vmem_shared>> -> memref<128x64xf32, #tpu.memory_space<vmem_shared>>
      %dma_start3A_79 = arith.constant 0 : i32
      %dma_start3A_80 = tpu.memref_slice %arg17[%add3A_13, %dma_start3A_79] : memref<10240x64xf32, #tpu.memory_space<vmem_shared>> -> memref<128x64xf32, #tpu.memory_space<vmem_shared>>
      tpu.enqueue_dma source(%arg12 : memref<128x64xf32, #tpu.memory_space<vmem>>) target(%dma_start3A_80 : memref<128x64xf32, #tpu.memory_space<vmem_shared>>) target_semaphore(%run_scoped3A : memref<!tpu.dma_semaphore, #tpu.memory_space<semaphore_mem>>)
      %dma_wait3A = arith.constant 0 : i32
      %dma_wait3A_81 = tpu.memref_slice %arg17[%add3A_13, %dma_wait3A] : memref<10240x64xf32, #tpu.memory_space<vmem_shared>> -> memref<128x64xf32, #tpu.memory_space<vmem_shared>>
      %dma_wait3A_82 = arith.constant 0 : i32
      %dma_wait3A_83 = tpu.memref_slice %arg17[%add3A_13, %dma_wait3A_82] : memref<10240x64xf32, #tpu.memory_space<vmem_shared>> -> memref<128x64xf32, #tpu.memory_space<vmem_shared>>
      tpu.wait_dma2 semaphore(%run_scoped3A : memref<!tpu.dma_semaphore, #tpu.memory_space<semaphore_mem>>) src(%arg12 : memref<128x64xf32, #tpu.memory_space<vmem>>) dst(%dma_wait3A_83 : memref<128x64xf32, #tpu.memory_space<vmem_shared>>)
      tpu.yield
    }) : () -> ()
    %add3A_15 = arith.addi %mul3A_2, %add3A_13 : i32
    "tpu.region"() ({
      %run_scoped3A = tpu.sem_alloc : memref<!tpu.dma_semaphore, #tpu.memory_space<semaphore_mem>>
      %dma_start3A = arith.constant 0 : i32
      %dma_start3A_78 = tpu.memref_slice %arg3[%add3A_15, %dma_start3A] : memref<20480x64xf32, #tpu.memory_space<hbm>> -> memref<128x64xf32, #tpu.memory_space<hbm>>
      %dma_start3A_79 = arith.constant 0 : i32
      %dma_start3A_80 = tpu.memref_slice %arg3[%add3A_15, %dma_start3A_79] : memref<20480x64xf32, #tpu.memory_space<hbm>> -> memref<128x64xf32, #tpu.memory_space<hbm>>
      tpu.enqueue_dma source(%dma_start3A_80 : memref<128x64xf32, #tpu.memory_space<hbm>>) target(%arg13 : memref<128x64xf32, #tpu.memory_space<vmem>>) target_semaphore(%run_scoped3A : memref<!tpu.dma_semaphore, #tpu.memory_space<semaphore_mem>>)
      %dma_wait3A = arith.constant 0 : i32
      %dma_wait3A_81 = tpu.memref_slice %arg3[%add3A_15, %dma_wait3A] : memref<20480x64xf32, #tpu.memory_space<hbm>> -> memref<128x64xf32, #tpu.memory_space<hbm>>
      %dma_wait3A_82 = arith.constant 0 : i32
      %dma_wait3A_83 = tpu.memref_slice %arg3[%add3A_15, %dma_wait3A_82] : memref<20480x64xf32, #tpu.memory_space<hbm>> -> memref<128x64xf32, #tpu.memory_space<hbm>>
      tpu.wait_dma2 semaphore(%run_scoped3A : memref<!tpu.dma_semaphore, #tpu.memory_space<semaphore_mem>>) src(%dma_wait3A_83 : memref<128x64xf32, #tpu.memory_space<hbm>>) dst(%arg13 : memref<128x64xf32, #tpu.memory_space<vmem>>)
      tpu.yield
    }) : () -> ()
    %scan3A_16 = arith.constant 0 : i32
    %scan3A_17 = arith.constant 0 : i32
    %scan3A_18 = arith.constant 128 : i32
    %scan3A_19 = arith.addi %scan3A_17, %scan3A_18 : i32
    %scan3A_20 = arith.constant 1 : i32
    %scan3A_21 = scf.for %scan3A_78 = %scan3A_17 to %scan3A_19 step %scan3A_20 iter_args(%scan3A_79 = %scan3A_16) -> (i32)  : i32 {
      %get3A = arith.index_cast %scan3A_78 : i32 to index
      %get3A_80 = arith.constant 0 : index
      %get3A_81 = tpu.vector_load %arg12[%get3A, %get3A_80] {strides = array<i32>} : memref<128x64xf32, #tpu.memory_space<vmem>>, vector<1x16xf32>,
      %get3A_82 = vector.shape_cast %get3A_81 : vector<1x16xf32> to vector<16xf32>
      %get3A_83 = arith.index_cast %scan3A_78 : i32 to index
      %get3A_84 = arith.constant 0 : index
      %get3A_85 = tpu.vector_load %arg13[%get3A_83, %get3A_84] {strides = array<i32>} : memref<128x64xf32, #tpu.memory_space<vmem>>, vector<1x16xf32>,
      %get3A_86 = vector.shape_cast %get3A_85 : vector<1x16xf32> to vector<16xf32>
      %add3A_87 = arith.addf %get3A_82, %get3A_86 : vector<16xf32>
      %swap3A = arith.index_cast %scan3A_78 : i32 to index
      %swap3A_88 = arith.constant 0 : index
      %swap3A_89 = tpu.vector_load %arg14[%swap3A, %swap3A_88] {strides = array<i32>} : memref<128x64xf32, #tpu.memory_space<vmem>>, vector<1x16xf32>,
      %swap3A_90 = vector.shape_cast %swap3A_89 : vector<1x16xf32> to vector<16xf32>
      %swap3A_91 = vector.shape_cast %add3A_87 : vector<16xf32> to vector<1x16xf32>
      tpu.vector_store %arg14[%swap3A, %swap3A_88], %swap3A_91 {strides = array<i32>} : memref<128x64xf32, #tpu.memory_space<vmem>>, vector<1x16xf32>,
      %get3A_92 = arith.index_cast %scan3A_78 : i32 to index
      %get3A_93 = arith.constant 16 : index
      %get3A_94 = tpu.vector_load %arg12[%get3A_92, %get3A_93] {strides = array<i32>} : memref<128x64xf32, #tpu.memory_space<vmem>>, vector<1x16xf32>,
      %get3A_95 = vector.shape_cast %get3A_94 : vector<1x16xf32> to vector<16xf32>
      %get3A_96 = arith.index_cast %scan3A_78 : i32 to index
      %get3A_97 = arith.constant 16 : index
      %get3A_98 = tpu.vector_load %arg13[%get3A_96, %get3A_97] {strides = array<i32>} : memref<128x64xf32, #tpu.memory_space<vmem>>, vector<1x16xf32>,
      %get3A_99 = vector.shape_cast %get3A_98 : vector<1x16xf32> to vector<16xf32>
      %add3A_100 = arith.addf %get3A_95, %get3A_99 : vector<16xf32>
      %swap3A_101 = arith.index_cast %scan3A_78 : i32 to index
      %swap3A_102 = arith.constant 16 : index
      %swap3A_103 = tpu.vector_load %arg14[%swap3A_101, %swap3A_102] {strides = array<i32>} : memref<128x64xf32, #tpu.memory_space<vmem>>, vector<1x16xf32>,
      %swap3A_104 = vector.shape_cast %swap3A_103 : vector<1x16xf32> to vector<16xf32>
      %swap3A_105 = vector.shape_cast %add3A_100 : vector<16xf32> to vector<1x16xf32>
      tpu.vector_store %arg14[%swap3A_101, %swap3A_102], %swap3A_105 {strides = array<i32>} : memref<128x64xf32, #tpu.memory_space<vmem>>, vector<1x16xf32>,
      %get3A_106 = arith.index_cast %scan3A_78 : i32 to index
      %get3A_107 = arith.constant 32 : index
      %get3A_108 = tpu.vector_load %arg12[%get3A_106, %get3A_107] {strides = array<i32>} : memref<128x64xf32, #tpu.memory_space<vmem>>, vector<1x16xf32>,
      %get3A_109 = vector.shape_cast %get3A_108 : vector<1x16xf32> to vector<16xf32>
      %get3A_110 = arith.index_cast %scan3A_78 : i32 to index
      %get3A_111 = arith.constant 32 : index
      %get3A_112 = tpu.vector_load %arg13[%get3A_110, %get3A_111] {strides = array<i32>} : memref<128x64xf32, #tpu.memory_space<vmem>>, vector<1x16xf32>,
      %get3A_113 = vector.shape_cast %get3A_112 : vector<1x16xf32> to vector<16xf32>
      %add3A_114 = arith.addf %get3A_109, %get3A_113 : vector<16xf32>
      %swap3A_115 = arith.index_cast %scan3A_78 : i32 to index
      %swap3A_116 = arith.constant 32 : index
      %swap3A_117 = tpu.vector_load %arg14[%swap3A_115, %swap3A_116] {strides = array<i32>} : memref<128x64xf32, #tpu.memory_space<vmem>>, vector<1x16xf32>,
      %swap3A_118 = vector.shape_cast %swap3A_117 : vector<1x16xf32> to vector<16xf32>
      %swap3A_119 = vector.shape_cast %add3A_114 : vector<16xf32> to vector<1x16xf32>
      tpu.vector_store %arg14[%swap3A_115, %swap3A_116], %swap3A_119 {strides = array<i32>} : memref<128x64xf32, #tpu.memory_space<vmem>>, vector<1x16xf32>,
      %get3A_120 = arith.index_cast %scan3A_78 : i32 to index
      %get3A_121 = arith.constant 48 : index
      %get3A_122 = tpu.vector_load %arg12[%get3A_120, %get3A_121] {strides = array<i32>} : memref<128x64xf32, #tpu.memory_space<vmem>>, vector<1x16xf32>,
      %get3A_123 = vector.shape_cast %get3A_122 : vector<1x16xf32> to vector<16xf32>
      %get3A_124 = arith.index_cast %scan3A_78 : i32 to index
      %get3A_125 = arith.constant 48 : index
      %get3A_126 = tpu.vector_load %arg13[%get3A_124, %get3A_125] {strides = array<i32>} : memref<128x64xf32, #tpu.memory_space<vmem>>, vector<1x16xf32>,
      %get3A_127 = vector.shape_cast %get3A_126 : vector<1x16xf32> to vector<16xf32>
      %add3A_128 = arith.addf %get3A_123, %get3A_127 : vector<16xf32>
      %swap3A_129 = arith.index_cast %scan3A_78 : i32 to index
      %swap3A_130 = arith.constant 48 : index
      %swap3A_131 = tpu.vector_load %arg14[%swap3A_129, %swap3A_130] {strides = array<i32>} : memref<128x64xf32, #tpu.memory_space<vmem>>, vector<1x16xf32>,
      %swap3A_132 = vector.shape_cast %swap3A_131 : vector<1x16xf32> to vector<16xf32>
      %swap3A_133 = vector.shape_cast %add3A_128 : vector<16xf32> to vector<1x16xf32>
      tpu.vector_store %arg14[%swap3A_129, %swap3A_130], %swap3A_133 {strides = array<i32>} : memref<128x64xf32, #tpu.memory_space<vmem>>, vector<1x16xf32>,
      %scan3A_134 = arith.constant 0 : i32
      scf.yield %scan3A_134 : i32
    }
    %scan3A_22 = arith.constant 128 : i32
    "tpu.region"() ({
      %run_scoped3A = tpu.sem_alloc : memref<!tpu.dma_semaphore, #tpu.memory_space<semaphore_mem>>
      %dma_start3A = arith.constant 0 : i32
      %dma_start3A_78 = tpu.memref_slice %arg18[%add3A_13, %dma_start3A] : memref<10240x64xf32, #tpu.memory_space<vmem_shared>> -> memref<128x64xf32, #tpu.memory_space<vmem_shared>>
      %dma_start3A_79 = arith.constant 0 : i32
      %dma_start3A_80 = tpu.memref_slice %arg18[%add3A_13, %dma_start3A_79] : memref<10240x64xf32, #tpu.memory_space<vmem_shared>> -> memref<128x64xf32, #tpu.memory_space<vmem_shared>>
      tpu.enqueue_dma source(%arg14 : memref<128x64xf32, #tpu.memory_space<vmem>>) target(%dma_start3A_80 : memref<128x64xf32, #tpu.memory_space<vmem_shared>>) target_semaphore(%run_scoped3A : memref<!tpu.dma_semaphore, #tpu.memory_space<semaphore_mem>>)
      %dma_wait3A = arith.constant 0 : i32
      %dma_wait3A_81 = tpu.memref_slice %arg18[%add3A_13, %dma_wait3A] : memref<10240x64xf32, #tpu.memory_space<vmem_shared>> -> memref<128x64xf32, #tpu.memory_space<vmem_shared>>
      %dma_wait3A_82 = arith.constant 0 : i32
      %dma_wait3A_83 = tpu.memref_slice %arg18[%add3A_13, %dma_wait3A_82] : memref<10240x64xf32, #tpu.memory_space<vmem_shared>> -> memref<128x64xf32, #tpu.memory_space<vmem_shared>>
      tpu.wait_dma2 semaphore(%run_scoped3A : memref<!tpu.dma_semaphore, #tpu.memory_space<semaphore_mem>>) src(%arg14 : memref<128x64xf32, #tpu.memory_space<vmem>>) dst(%dma_wait3A_83 : memref<128x64xf32, #tpu.memory_space<vmem_shared>>)
      tpu.yield
    }) : () -> ()
    %add3A_23 = arith.constant 256 : i32
    %add3A_24 = arith.addi %mul3A_0, %add3A_23 : i32
    %add3A_25 = arith.addi %mul3A_2, %add3A_24 : i32
    "tpu.region"() ({
      %run_scoped3A = tpu.sem_alloc : memref<!tpu.dma_semaphore, #tpu.memory_space<semaphore_mem>>
      %dma_start3A = arith.constant 0 : i32
      %dma_start3A_78 = tpu.memref_slice %arg2[%add3A_25, %dma_start3A] : memref<20480x64xf32, #tpu.memory_space<hbm>> -> memref<128x64xf32, #tpu.memory_space<hbm>>
      %dma_start3A_79 = arith.constant 0 : i32
      %dma_start3A_80 = tpu.memref_slice %arg2[%add3A_25, %dma_start3A_79] : memref<20480x64xf32, #tpu.memory_space<hbm>> -> memref<128x64xf32, #tpu.memory_space<hbm>>
      tpu.enqueue_dma source(%dma_start3A_80 : memref<128x64xf32, #tpu.memory_space<hbm>>) target(%arg12 : memref<128x64xf32, #tpu.memory_space<vmem>>) target_semaphore(%run_scoped3A : memref<!tpu.dma_semaphore, #tpu.memory_space<semaphore_mem>>)
      %dma_wait3A = arith.constant 0 : i32
      %dma_wait3A_81 = tpu.memref_slice %arg2[%add3A_25, %dma_wait3A] : memref<20480x64xf32, #tpu.memory_space<hbm>> -> memref<128x64xf32, #tpu.memory_space<hbm>>
      %dma_wait3A_82 = arith.constant 0 : i32
      %dma_wait3A_83 = tpu.memref_slice %arg2[%add3A_25, %dma_wait3A_82] : memref<20480x64xf32, #tpu.memory_space<hbm>> -> memref<128x64xf32, #tpu.memory_space<hbm>>
      tpu.wait_dma2 semaphore(%run_scoped3A : memref<!tpu.dma_semaphore, #tpu.memory_space<semaphore_mem>>) src(%dma_wait3A_83 : memref<128x64xf32, #tpu.memory_space<hbm>>) dst(%arg12 : memref<128x64xf32, #tpu.memory_space<vmem>>)
      tpu.yield
    }) : () -> ()
    "tpu.region"() ({
      %run_scoped3A = tpu.sem_alloc : memref<!tpu.dma_semaphore, #tpu.memory_space<semaphore_mem>>
      %dma_start3A = arith.constant 0 : i32
      %dma_start3A_78 = tpu.memref_slice %arg17[%add3A_24, %dma_start3A] : memref<10240x64xf32, #tpu.memory_space<vmem_shared>> -> memref<128x64xf32, #tpu.memory_space<vmem_shared>>
      %dma_start3A_79 = arith.constant 0 : i32
      %dma_start3A_80 = tpu.memref_slice %arg17[%add3A_24, %dma_start3A_79] : memref<10240x64xf32, #tpu.memory_space<vmem_shared>> -> memref<128x64xf32, #tpu.memory_space<vmem_shared>>
      tpu.enqueue_dma source(%arg12 : memref<128x64xf32, #tpu.memory_space<vmem>>) target(%dma_start3A_80 : memref<128x64xf32, #tpu.memory_space<vmem_shared>>) target_semaphore(%run_scoped3A : memref<!tpu.dma_semaphore, #tpu.memory_space<semaphore_mem>>)
      %dma_wait3A = arith.constant 0 : i32
      %dma_wait3A_81 = tpu.memref_slice %arg17[%add3A_24, %dma_wait3A] : memref<10240x64xf32, #tpu.memory_space<vmem_shared>> -> memref<128x64xf32, #tpu.memory_space<vmem_shared>>
      %dma_wait3A_82 = arith.constant 0 : i32
      %dma_wait3A_83 = tpu.memref_slice %arg17[%add3A_24, %dma_wait3A_82] : memref<10240x64xf32, #tpu.memory_space<vmem_shared>> -> memref<128x64xf32, #tpu.memory_space<vmem_shared>>
      tpu.wait_dma2 semaphore(%run_scoped3A : memref<!tpu.dma_semaphore, #tpu.memory_space<semaphore_mem>>) src(%arg12 : memref<128x64xf32, #tpu.memory_space<vmem>>) dst(%dma_wait3A_83 : memref<128x64xf32, #tpu.memory_space<vmem_shared>>)
      tpu.yield
    }) : () -> ()
    %add3A_26 = arith.addi %mul3A_2, %add3A_24 : i32
    "tpu.region"() ({
      %run_scoped3A = tpu.sem_alloc : memref<!tpu.dma_semaphore, #tpu.memory_space<semaphore_mem>>
      %dma_start3A = arith.constant 0 : i32
      %dma_start3A_78 = tpu.memref_slice %arg3[%add3A_26, %dma_start3A] : memref<20480x64xf32, #tpu.memory_space<hbm>> -> memref<128x64xf32, #tpu.memory_space<hbm>>
      %dma_start3A_79 = arith.constant 0 : i32
      %dma_start3A_80 = tpu.memref_slice %arg3[%add3A_26, %dma_start3A_79] : memref<20480x64xf32, #tpu.memory_space<hbm>> -> memref<128x64xf32, #tpu.memory_space<hbm>>
      tpu.enqueue_dma source(%dma_start3A_80 : memref<128x64xf32, #tpu.memory_space<hbm>>) target(%arg13 : memref<128x64xf32, #tpu.memory_space<vmem>>) target_semaphore(%run_scoped3A : memref<!tpu.dma_semaphore, #tpu.memory_space<semaphore_mem>>)
      %dma_wait3A = arith.constant 0 : i32
      %dma_wait3A_81 = tpu.memref_slice %arg3[%add3A_26, %dma_wait3A] : memref<20480x64xf32, #tpu.memory_space<hbm>> -> memref<128x64xf32, #tpu.memory_space<hbm>>
      %dma_wait3A_82 = arith.constant 0 : i32
      %dma_wait3A_83 = tpu.memref_slice %arg3[%add3A_26, %dma_wait3A_82] : memref<20480x64xf32, #tpu.memory_space<hbm>> -> memref<128x64xf32, #tpu.memory_space<hbm>>
      tpu.wait_dma2 semaphore(%run_scoped3A : memref<!tpu.dma_semaphore, #tpu.memory_space<semaphore_mem>>) src(%dma_wait3A_83 : memref<128x64xf32, #tpu.memory_space<hbm>>) dst(%arg13 : memref<128x64xf32, #tpu.memory_space<vmem>>)
      tpu.yield
    }) : () -> ()
    %scan3A_27 = arith.constant 0 : i32
    %scan3A_28 = arith.constant 0 : i32
    %scan3A_29 = arith.constant 128 : i32
    %scan3A_30 = arith.addi %scan3A_28, %scan3A_29 : i32
    %scan3A_31 = arith.constant 1 : i32
    %scan3A_32 = scf.for %scan3A_78 = %scan3A_28 to %scan3A_30 step %scan3A_31 iter_args(%scan3A_79 = %scan3A_27) -> (i32)  : i32 {
      %get3A = arith.index_cast %scan3A_78 : i32 to index
      %get3A_80 = arith.constant 0 : index
      %get3A_81 = tpu.vector_load %arg12[%get3A, %get3A_80] {strides = array<i32>} : memref<128x64xf32, #tpu.memory_space<vmem>>, vector<1x16xf32>,
      %get3A_82 = vector.shape_cast %get3A_81 : vector<1x16xf32> to vector<16xf32>
      %get3A_83 = arith.index_cast %scan3A_78 : i32 to index
      %get3A_84 = arith.constant 0 : index
      %get3A_85 = tpu.vector_load %arg13[%get3A_83, %get3A_84] {strides = array<i32>} : memref<128x64xf32, #tpu.memory_space<vmem>>, vector<1x16xf32>,
      %get3A_86 = vector.shape_cast %get3A_85 : vector<1x16xf32> to vector<16xf32>
      %add3A_87 = arith.addf %get3A_82, %get3A_86 : vector<16xf32>
      %swap3A = arith.index_cast %scan3A_78 : i32 to index
      %swap3A_88 = arith.constant 0 : index
      %swap3A_89 = tpu.vector_load %arg14[%swap3A, %swap3A_88] {strides = array<i32>} : memref<128x64xf32, #tpu.memory_space<vmem>>, vector<1x16xf32>,
      %swap3A_90 = vector.shape_cast %swap3A_89 : vector<1x16xf32> to vector<16xf32>
      %swap3A_91 = vector.shape_cast %add3A_87 : vector<16xf32> to vector<1x16xf32>
      tpu.vector_store %arg14[%swap3A, %swap3A_88], %swap3A_91 {strides = array<i32>} : memref<128x64xf32, #tpu.memory_space<vmem>>, vector<1x16xf32>,
      %get3A_92 = arith.index_cast %scan3A_78 : i32 to index
      %get3A_93 = arith.constant 16 : index
      %get3A_94 = tpu.vector_load %arg12[%get3A_92, %get3A_93] {strides = array<i32>} : memref<128x64xf32, #tpu.memory_space<vmem>>, vector<1x16xf32>,
      %get3A_95 = vector.shape_cast %get3A_94 : vector<1x16xf32> to vector<16xf32>
      %get3A_96 = arith.index_cast %scan3A_78 : i32 to index
      %get3A_97 = arith.constant 16 : index
      %get3A_98 = tpu.vector_load %arg13[%get3A_96, %get3A_97] {strides = array<i32>} : memref<128x64xf32, #tpu.memory_space<vmem>>, vector<1x16xf32>,
      %get3A_99 = vector.shape_cast %get3A_98 : vector<1x16xf32> to vector<16xf32>
      %add3A_100 = arith.addf %get3A_95, %get3A_99 : vector<16xf32>
      %swap3A_101 = arith.index_cast %scan3A_78 : i32 to index
      %swap3A_102 = arith.constant 16 : index
      %swap3A_103 = tpu.vector_load %arg14[%swap3A_101, %swap3A_102] {strides = array<i32>} : memref<128x64xf32, #tpu.memory_space<vmem>>, vector<1x16xf32>,
      %swap3A_104 = vector.shape_cast %swap3A_103 : vector<1x16xf32> to vector<16xf32>
      %swap3A_105 = vector.shape_cast %add3A_100 : vector<16xf32> to vector<1x16xf32>
      tpu.vector_store %arg14[%swap3A_101, %swap3A_102], %swap3A_105 {strides = array<i32>} : memref<128x64xf32, #tpu.memory_space<vmem>>, vector<1x16xf32>,
      %get3A_106 = arith.index_cast %scan3A_78 : i32 to index
      %get3A_107 = arith.constant 32 : index
      %get3A_108 = tpu.vector_load %arg12[%get3A_106, %get3A_107] {strides = array<i32>} : memref<128x64xf32, #tpu.memory_space<vmem>>, vector<1x16xf32>,
      %get3A_109 = vector.shape_cast %get3A_108 : vector<1x16xf32> to vector<16xf32>
      %get3A_110 = arith.index_cast %scan3A_78 : i32 to index
      %get3A_111 = arith.constant 32 : index
      %get3A_112 = tpu.vector_load %arg13[%get3A_110, %get3A_111] {strides = array<i32>} : memref<128x64xf32, #tpu.memory_space<vmem>>, vector<1x16xf32>,
      %get3A_113 = vector.shape_cast %get3A_112 : vector<1x16xf32> to vector<16xf32>
      %add3A_114 = arith.addf %get3A_109, %get3A_113 : vector<16xf32>
      %swap3A_115 = arith.index_cast %scan3A_78 : i32 to index
      %swap3A_116 = arith.constant 32 : index
      %swap3A_117 = tpu.vector_load %arg14[%swap3A_115, %swap3A_116] {strides = array<i32>} : memref<128x64xf32, #tpu.memory_space<vmem>>, vector<1x16xf32>,
      %swap3A_118 = vector.shape_cast %swap3A_117 : vector<1x16xf32> to vector<16xf32>
      %swap3A_119 = vector.shape_cast %add3A_114 : vector<16xf32> to vector<1x16xf32>
      tpu.vector_store %arg14[%swap3A_115, %swap3A_116], %swap3A_119 {strides = array<i32>} : memref<128x64xf32, #tpu.memory_space<vmem>>, vector<1x16xf32>,
      %get3A_120 = arith.index_cast %scan3A_78 : i32 to index
      %get3A_121 = arith.constant 48 : index
      %get3A_122 = tpu.vector_load %arg12[%get3A_120, %get3A_121] {strides = array<i32>} : memref<128x64xf32, #tpu.memory_space<vmem>>, vector<1x16xf32>,
      %get3A_123 = vector.shape_cast %get3A_122 : vector<1x16xf32> to vector<16xf32>
      %get3A_124 = arith.index_cast %scan3A_78 : i32 to index
      %get3A_125 = arith.constant 48 : index
      %get3A_126 = tpu.vector_load %arg13[%get3A_124, %get3A_125] {strides = array<i32>} : memref<128x64xf32, #tpu.memory_space<vmem>>, vector<1x16xf32>,
      %get3A_127 = vector.shape_cast %get3A_126 : vector<1x16xf32> to vector<16xf32>
      %add3A_128 = arith.addf %get3A_123, %get3A_127 : vector<16xf32>
      %swap3A_129 = arith.index_cast %scan3A_78 : i32 to index
      %swap3A_130 = arith.constant 48 : index
      %swap3A_131 = tpu.vector_load %arg14[%swap3A_129, %swap3A_130] {strides = array<i32>} : memref<128x64xf32, #tpu.memory_space<vmem>>, vector<1x16xf32>,
      %swap3A_132 = vector.shape_cast %swap3A_131 : vector<1x16xf32> to vector<16xf32>
      %swap3A_133 = vector.shape_cast %add3A_128 : vector<16xf32> to vector<1x16xf32>
      tpu.vector_store %arg14[%swap3A_129, %swap3A_130], %swap3A_133 {strides = array<i32>} : memref<128x64xf32, #tpu.memory_space<vmem>>, vector<1x16xf32>,
      %scan3A_134 = arith.constant 0 : i32
      scf.yield %scan3A_134 : i32
    }
    %scan3A_33 = arith.constant 128 : i32
    "tpu.region"() ({
      %run_scoped3A = tpu.sem_alloc : memref<!tpu.dma_semaphore, #tpu.memory_space<semaphore_mem>>
      %dma_start3A = arith.constant 0 : i32
      %dma_start3A_78 = tpu.memref_slice %arg18[%add3A_24, %dma_start3A] : memref<10240x64xf32, #tpu.memory_space<vmem_shared>> -> memref<128x64xf32, #tpu.memory_space<vmem_shared>>
      %dma_start3A_79 = arith.constant 0 : i32
      %dma_start3A_80 = tpu.memref_slice %arg18[%add3A_24, %dma_start3A_79] : memref<10240x64xf32, #tpu.memory_space<vmem_shared>> -> memref<128x64xf32, #tpu.memory_space<vmem_shared>>
      tpu.enqueue_dma source(%arg14 : memref<128x64xf32, #tpu.memory_space<vmem>>) target(%dma_start3A_80 : memref<128x64xf32, #tpu.memory_space<vmem_shared>>) target_semaphore(%run_scoped3A : memref<!tpu.dma_semaphore, #tpu.memory_space<semaphore_mem>>)
      %dma_wait3A = arith.constant 0 : i32
      %dma_wait3A_81 = tpu.memref_slice %arg18[%add3A_24, %dma_wait3A] : memref<10240x64xf32, #tpu.memory_space<vmem_shared>> -> memref<128x64xf32, #tpu.memory_space<vmem_shared>>
      %dma_wait3A_82 = arith.constant 0 : i32
      %dma_wait3A_83 = tpu.memref_slice %arg18[%add3A_24, %dma_wait3A_82] : memref<10240x64xf32, #tpu.memory_space<vmem_shared>> -> memref<128x64xf32, #tpu.memory_space<vmem_shared>>
      tpu.wait_dma2 semaphore(%run_scoped3A : memref<!tpu.dma_semaphore, #tpu.memory_space<semaphore_mem>>) src(%arg14 : memref<128x64xf32, #tpu.memory_space<vmem>>) dst(%dma_wait3A_83 : memref<128x64xf32, #tpu.memory_space<vmem_shared>>)
      tpu.yield
    }) : () -> ()
    %add3A_34 = arith.constant 384 : i32
    %add3A_35 = arith.addi %mul3A_0, %add3A_34 : i32
    %add3A_36 = arith.addi %mul3A_2, %add3A_35 : i32
    "tpu.region"() ({
      %run_scoped3A = tpu.sem_alloc : memref<!tpu.dma_semaphore, #tpu.memory_space<semaphore_mem>>
      %dma_start3A = arith.constant 0 : i32
      %dma_start3A_78 = tpu.memref_slice %arg2[%add3A_36, %dma_start3A] : memref<20480x64xf32, #tpu.memory_space<hbm>> -> memref<128x64xf32, #tpu.memory_space<hbm>>
      %dma_start3A_79 = arith.constant 0 : i32
      %dma_start3A_80 = tpu.memref_slice %arg2[%add3A_36, %dma_start3A_79] : memref<20480x64xf32, #tpu.memory_space<hbm>> -> memref<128x64xf32, #tpu.memory_space<hbm>>
      tpu.enqueue_dma source(%dma_start3A_80 : memref<128x64xf32, #tpu.memory_space<hbm>>) target(%arg12 : memref<128x64xf32, #tpu.memory_space<vmem>>) target_semaphore(%run_scoped3A : memref<!tpu.dma_semaphore, #tpu.memory_space<semaphore_mem>>)
      %dma_wait3A = arith.constant 0 : i32
      %dma_wait3A_81 = tpu.memref_slice %arg2[%add3A_36, %dma_wait3A] : memref<20480x64xf32, #tpu.memory_space<hbm>> -> memref<128x64xf32, #tpu.memory_space<hbm>>
      %dma_wait3A_82 = arith.constant 0 : i32
      %dma_wait3A_83 = tpu.memref_slice %arg2[%add3A_36, %dma_wait3A_82] : memref<20480x64xf32, #tpu.memory_space<hbm>> -> memref<128x64xf32, #tpu.memory_space<hbm>>
      tpu.wait_dma2 semaphore(%run_scoped3A : memref<!tpu.dma_semaphore, #tpu.memory_space<semaphore_mem>>) src(%dma_wait3A_83 : memref<128x64xf32, #tpu.memory_space<hbm>>) dst(%arg12 : memref<128x64xf32, #tpu.memory_space<vmem>>)
      tpu.yield
    }) : () -> ()
    "tpu.region"() ({
      %run_scoped3A = tpu.sem_alloc : memref<!tpu.dma_semaphore, #tpu.memory_space<semaphore_mem>>
      %dma_start3A = arith.constant 0 : i32
      %dma_start3A_78 = tpu.memref_slice %arg17[%add3A_35, %dma_start3A] : memref<10240x64xf32, #tpu.memory_space<vmem_shared>> -> memref<128x64xf32, #tpu.memory_space<vmem_shared>>
      %dma_start3A_79 = arith.constant 0 : i32
      %dma_start3A_80 = tpu.memref_slice %arg17[%add3A_35, %dma_start3A_79] : memref<10240x64xf32, #tpu.memory_space<vmem_shared>> -> memref<128x64xf32, #tpu.memory_space<vmem_shared>>
      tpu.enqueue_dma source(%arg12 : memref<128x64xf32, #tpu.memory_space<vmem>>) target(%dma_start3A_80 : memref<128x64xf32, #tpu.memory_space<vmem_shared>>) target_semaphore(%run_scoped3A : memref<!tpu.dma_semaphore, #tpu.memory_space<semaphore_mem>>)
      %dma_wait3A = arith.constant 0 : i32
      %dma_wait3A_81 = tpu.memref_slice %arg17[%add3A_35, %dma_wait3A] : memref<10240x64xf32, #tpu.memory_space<vmem_shared>> -> memref<128x64xf32, #tpu.memory_space<vmem_shared>>
      %dma_wait3A_82 = arith.constant 0 : i32
      %dma_wait3A_83 = tpu.memref_slice %arg17[%add3A_35, %dma_wait3A_82] : memref<10240x64xf32, #tpu.memory_space<vmem_shared>> -> memref<128x64xf32, #tpu.memory_space<vmem_shared>>
      tpu.wait_dma2 semaphore(%run_scoped3A : memref<!tpu.dma_semaphore, #tpu.memory_space<semaphore_mem>>) src(%arg12 : memref<128x64xf32, #tpu.memory_space<vmem>>) dst(%dma_wait3A_83 : memref<128x64xf32, #tpu.memory_space<vmem_shared>>)
      tpu.yield
    }) : () -> ()
    %add3A_37 = arith.addi %mul3A_2, %add3A_35 : i32
    "tpu.region"() ({
      %run_scoped3A = tpu.sem_alloc : memref<!tpu.dma_semaphore, #tpu.memory_space<semaphore_mem>>
      %dma_start3A = arith.constant 0 : i32
      %dma_start3A_78 = tpu.memref_slice %arg3[%add3A_37, %dma_start3A] : memref<20480x64xf32, #tpu.memory_space<hbm>> -> memref<128x64xf32, #tpu.memory_space<hbm>>
      %dma_start3A_79 = arith.constant 0 : i32
      %dma_start3A_80 = tpu.memref_slice %arg3[%add3A_37, %dma_start3A_79] : memref<20480x64xf32, #tpu.memory_space<hbm>> -> memref<128x64xf32, #tpu.memory_space<hbm>>
      tpu.enqueue_dma source(%dma_start3A_80 : memref<128x64xf32, #tpu.memory_space<hbm>>) target(%arg13 : memref<128x64xf32, #tpu.memory_space<vmem>>) target_semaphore(%run_scoped3A : memref<!tpu.dma_semaphore, #tpu.memory_space<semaphore_mem>>)
      %dma_wait3A = arith.constant 0 : i32
      %dma_wait3A_81 = tpu.memref_slice %arg3[%add3A_37, %dma_wait3A] : memref<20480x64xf32, #tpu.memory_space<hbm>> -> memref<128x64xf32, #tpu.memory_space<hbm>>
      %dma_wait3A_82 = arith.constant 0 : i32
      %dma_wait3A_83 = tpu.memref_slice %arg3[%add3A_37, %dma_wait3A_82] : memref<20480x64xf32, #tpu.memory_space<hbm>> -> memref<128x64xf32, #tpu.memory_space<hbm>>
      tpu.wait_dma2 semaphore(%run_scoped3A : memref<!tpu.dma_semaphore, #tpu.memory_space<semaphore_mem>>) src(%dma_wait3A_83 : memref<128x64xf32, #tpu.memory_space<hbm>>) dst(%arg13 : memref<128x64xf32, #tpu.memory_space<vmem>>)
      tpu.yield
    }) : () -> ()
    %scan3A_38 = arith.constant 0 : i32
    %scan3A_39 = arith.constant 0 : i32
    %scan3A_40 = arith.constant 128 : i32
    %scan3A_41 = arith.addi %scan3A_39, %scan3A_40 : i32
    %scan3A_42 = arith.constant 1 : i32
    %scan3A_43 = scf.for %scan3A_78 = %scan3A_39 to %scan3A_41 step %scan3A_42 iter_args(%scan3A_79 = %scan3A_38) -> (i32)  : i32 {
      %get3A = arith.index_cast %scan3A_78 : i32 to index
      %get3A_80 = arith.constant 0 : index
      %get3A_81 = tpu.vector_load %arg12[%get3A, %get3A_80] {strides = array<i32>} : memref<128x64xf32, #tpu.memory_space<vmem>>, vector<1x16xf32>,
      %get3A_82 = vector.shape_cast %get3A_81 : vector<1x16xf32> to vector<16xf32>
      %get3A_83 = arith.index_cast %scan3A_78 : i32 to index
      %get3A_84 = arith.constant 0 : index
      %get3A_85 = tpu.vector_load %arg13[%get3A_83, %get3A_84] {strides = array<i32>} : memref<128x64xf32, #tpu.memory_space<vmem>>, vector<1x16xf32>,
      %get3A_86 = vector.shape_cast %get3A_85 : vector<1x16xf32> to vector<16xf32>
      %add3A_87 = arith.addf %get3A_82, %get3A_86 : vector<16xf32>
      %swap3A = arith.index_cast %scan3A_78 : i32 to index
      %swap3A_88 = arith.constant 0 : index
      %swap3A_89 = tpu.vector_load %arg14[%swap3A, %swap3A_88] {strides = array<i32>} : memref<128x64xf32, #tpu.memory_space<vmem>>, vector<1x16xf32>,
      %swap3A_90 = vector.shape_cast %swap3A_89 : vector<1x16xf32> to vector<16xf32>
      %swap3A_91 = vector.shape_cast %add3A_87 : vector<16xf32> to vector<1x16xf32>
      tpu.vector_store %arg14[%swap3A, %swap3A_88], %swap3A_91 {strides = array<i32>} : memref<128x64xf32, #tpu.memory_space<vmem>>, vector<1x16xf32>,
      %get3A_92 = arith.index_cast %scan3A_78 : i32 to index
      %get3A_93 = arith.constant 16 : index
      %get3A_94 = tpu.vector_load %arg12[%get3A_92, %get3A_93] {strides = array<i32>} : memref<128x64xf32, #tpu.memory_space<vmem>>, vector<1x16xf32>,
      %get3A_95 = vector.shape_cast %get3A_94 : vector<1x16xf32> to vector<16xf32>
      %get3A_96 = arith.index_cast %scan3A_78 : i32 to index
      %get3A_97 = arith.constant 16 : index
      %get3A_98 = tpu.vector_load %arg13[%get3A_96, %get3A_97] {strides = array<i32>} : memref<128x64xf32, #tpu.memory_space<vmem>>, vector<1x16xf32>,
      %get3A_99 = vector.shape_cast %get3A_98 : vector<1x16xf32> to vector<16xf32>
      %add3A_100 = arith.addf %get3A_95, %get3A_99 : vector<16xf32>
      %swap3A_101 = arith.index_cast %scan3A_78 : i32 to index
      %swap3A_102 = arith.constant 16 : index
      %swap3A_103 = tpu.vector_load %arg14[%swap3A_101, %swap3A_102] {strides = array<i32>} : memref<128x64xf32, #tpu.memory_space<vmem>>, vector<1x16xf32>,
      %swap3A_104 = vector.shape_cast %swap3A_103 : vector<1x16xf32> to vector<16xf32>
      %swap3A_105 = vector.shape_cast %add3A_100 : vector<16xf32> to vector<1x16xf32>
      tpu.vector_store %arg14[%swap3A_101, %swap3A_102], %swap3A_105 {strides = array<i32>} : memref<128x64xf32, #tpu.memory_space<vmem>>, vector<1x16xf32>,
      %get3A_106 = arith.index_cast %scan3A_78 : i32 to index
      %get3A_107 = arith.constant 32 : index
      %get3A_108 = tpu.vector_load %arg12[%get3A_106, %get3A_107] {strides = array<i32>} : memref<128x64xf32, #tpu.memory_space<vmem>>, vector<1x16xf32>,
      %get3A_109 = vector.shape_cast %get3A_108 : vector<1x16xf32> to vector<16xf32>
      %get3A_110 = arith.index_cast %scan3A_78 : i32 to index
      %get3A_111 = arith.constant 32 : index
      %get3A_112 = tpu.vector_load %arg13[%get3A_110, %get3A_111] {strides = array<i32>} : memref<128x64xf32, #tpu.memory_space<vmem>>, vector<1x16xf32>,
      %get3A_113 = vector.shape_cast %get3A_112 : vector<1x16xf32> to vector<16xf32>
      %add3A_114 = arith.addf %get3A_109, %get3A_113 : vector<16xf32>
      %swap3A_115 = arith.index_cast %scan3A_78 : i32 to index
      %swap3A_116 = arith.constant 32 : index
      %swap3A_117 = tpu.vector_load %arg14[%swap3A_115, %swap3A_116] {strides = array<i32>} : memref<128x64xf32, #tpu.memory_space<vmem>>, vector<1x16xf32>,
      %swap3A_118 = vector.shape_cast %swap3A_117 : vector<1x16xf32> to vector<16xf32>
      %swap3A_119 = vector.shape_cast %add3A_114 : vector<16xf32> to vector<1x16xf32>
      tpu.vector_store %arg14[%swap3A_115, %swap3A_116], %swap3A_119 {strides = array<i32>} : memref<128x64xf32, #tpu.memory_space<vmem>>, vector<1x16xf32>,
      %get3A_120 = arith.index_cast %scan3A_78 : i32 to index
      %get3A_121 = arith.constant 48 : index
      %get3A_122 = tpu.vector_load %arg12[%get3A_120, %get3A_121] {strides = array<i32>} : memref<128x64xf32, #tpu.memory_space<vmem>>, vector<1x16xf32>,
      %get3A_123 = vector.shape_cast %get3A_122 : vector<1x16xf32> to vector<16xf32>
      %get3A_124 = arith.index_cast %scan3A_78 : i32 to index
      %get3A_125 = arith.constant 48 : index
      %get3A_126 = tpu.vector_load %arg13[%get3A_124, %get3A_125] {strides = array<i32>} : memref<128x64xf32, #tpu.memory_space<vmem>>, vector<1x16xf32>,
      %get3A_127 = vector.shape_cast %get3A_126 : vector<1x16xf32> to vector<16xf32>
      %add3A_128 = arith.addf %get3A_123, %get3A_127 : vector<16xf32>
      %swap3A_129 = arith.index_cast %scan3A_78 : i32 to index
      %swap3A_130 = arith.constant 48 : index
      %swap3A_131 = tpu.vector_load %arg14[%swap3A_129, %swap3A_130] {strides = array<i32>} : memref<128x64xf32, #tpu.memory_space<vmem>>, vector<1x16xf32>,
      %swap3A_132 = vector.shape_cast %swap3A_131 : vector<1x16xf32> to vector<16xf32>
      %swap3A_133 = vector.shape_cast %add3A_128 : vector<16xf32> to vector<1x16xf32>
      tpu.vector_store %arg14[%swap3A_129, %swap3A_130], %swap3A_133 {strides = array<i32>} : memref<128x64xf32, #tpu.memory_space<vmem>>, vector<1x16xf32>,
      %scan3A_134 = arith.constant 0 : i32
      scf.yield %scan3A_134 : i32
    }
    %scan3A_44 = arith.constant 128 : i32
    "tpu.region"() ({
      %run_scoped3A = tpu.sem_alloc : memref<!tpu.dma_semaphore, #tpu.memory_space<semaphore_mem>>
      %dma_start3A = arith.constant 0 : i32
      %dma_start3A_78 = tpu.memref_slice %arg18[%add3A_35, %dma_start3A] : memref<10240x64xf32, #tpu.memory_space<vmem_shared>> -> memref<128x64xf32, #tpu.memory_space<vmem_shared>>
      %dma_start3A_79 = arith.constant 0 : i32
      %dma_start3A_80 = tpu.memref_slice %arg18[%add3A_35, %dma_start3A_79] : memref<10240x64xf32, #tpu.memory_space<vmem_shared>> -> memref<128x64xf32, #tpu.memory_space<vmem_shared>>
      tpu.enqueue_dma source(%arg14 : memref<128x64xf32, #tpu.memory_space<vmem>>) target(%dma_start3A_80 : memref<128x64xf32, #tpu.memory_space<vmem_shared>>) target_semaphore(%run_scoped3A : memref<!tpu.dma_semaphore, #tpu.memory_space<semaphore_mem>>)
      %dma_wait3A = arith.constant 0 : i32
      %dma_wait3A_81 = tpu.memref_slice %arg18[%add3A_35, %dma_wait3A] : memref<10240x64xf32, #tpu.memory_space<vmem_shared>> -> memref<128x64xf32, #tpu.memory_space<vmem_shared>>
      %dma_wait3A_82 = arith.constant 0 : i32
      %dma_wait3A_83 = tpu.memref_slice %arg18[%add3A_35, %dma_wait3A_82] : memref<10240x64xf32, #tpu.memory_space<vmem_shared>> -> memref<128x64xf32, #tpu.memory_space<vmem_shared>>
      tpu.wait_dma2 semaphore(%run_scoped3A : memref<!tpu.dma_semaphore, #tpu.memory_space<semaphore_mem>>) src(%arg14 : memref<128x64xf32, #tpu.memory_space<vmem>>) dst(%dma_wait3A_83 : memref<128x64xf32, #tpu.memory_space<vmem_shared>>)
      tpu.yield
    }) : () -> ()
    %add3A_45 = arith.constant 512 : i32
    %add3A_46 = arith.addi %mul3A_0, %add3A_45 : i32
    %add3A_47 = arith.addi %mul3A_2, %add3A_46 : i32
    "tpu.region"() ({
      %run_scoped3A = tpu.sem_alloc : memref<!tpu.dma_semaphore, #tpu.memory_space<semaphore_mem>>
      %dma_start3A = arith.constant 0 : i32
      %dma_start3A_78 = tpu.memref_slice %arg2[%add3A_47, %dma_start3A] : memref<20480x64xf32, #tpu.memory_space<hbm>> -> memref<128x64xf32, #tpu.memory_space<hbm>>
      %dma_start3A_79 = arith.constant 0 : i32
      %dma_start3A_80 = tpu.memref_slice %arg2[%add3A_47, %dma_start3A_79] : memref<20480x64xf32, #tpu.memory_space<hbm>> -> memref<128x64xf32, #tpu.memory_space<hbm>>
      tpu.enqueue_dma source(%dma_start3A_80 : memref<128x64xf32, #tpu.memory_space<hbm>>) target(%arg12 : memref<128x64xf32, #tpu.memory_space<vmem>>) target_semaphore(%run_scoped3A : memref<!tpu.dma_semaphore, #tpu.memory_space<semaphore_mem>>)
      %dma_wait3A = arith.constant 0 : i32
      %dma_wait3A_81 = tpu.memref_slice %arg2[%add3A_47, %dma_wait3A] : memref<20480x64xf32, #tpu.memory_space<hbm>> -> memref<128x64xf32, #tpu.memory_space<hbm>>
      %dma_wait3A_82 = arith.constant 0 : i32
      %dma_wait3A_83 = tpu.memref_slice %arg2[%add3A_47, %dma_wait3A_82] : memref<20480x64xf32, #tpu.memory_space<hbm>> -> memref<128x64xf32, #tpu.memory_space<hbm>>
      tpu.wait_dma2 semaphore(%run_scoped3A : memref<!tpu.dma_semaphore, #tpu.memory_space<semaphore_mem>>) src(%dma_wait3A_83 : memref<128x64xf32, #tpu.memory_space<hbm>>) dst(%arg12 : memref<128x64xf32, #tpu.memory_space<vmem>>)
      tpu.yield
    }) : () -> ()
    "tpu.region"() ({
      %run_scoped3A = tpu.sem_alloc : memref<!tpu.dma_semaphore, #tpu.memory_space<semaphore_mem>>
      %dma_start3A = arith.constant 0 : i32
      %dma_start3A_78 = tpu.memref_slice %arg17[%add3A_46, %dma_start3A] : memref<10240x64xf32, #tpu.memory_space<vmem_shared>> -> memref<128x64xf32, #tpu.memory_space<vmem_shared>>
      %dma_start3A_79 = arith.constant 0 : i32
      %dma_start3A_80 = tpu.memref_slice %arg17[%add3A_46, %dma_start3A_79] : memref<10240x64xf32, #tpu.memory_space<vmem_shared>> -> memref<128x64xf32, #tpu.memory_space<vmem_shared>>
      tpu.enqueue_dma source(%arg12 : memref<128x64xf32, #tpu.memory_space<vmem>>) target(%dma_start3A_80 : memref<128x64xf32, #tpu.memory_space<vmem_shared>>) target_semaphore(%run_scoped3A : memref<!tpu.dma_semaphore, #tpu.memory_space<semaphore_mem>>)
      %dma_wait3A = arith.constant 0 : i32
      %dma_wait3A_81 = tpu.memref_slice %arg17[%add3A_46, %dma_wait3A] : memref<10240x64xf32, #tpu.memory_space<vmem_shared>> -> memref<128x64xf32, #tpu.memory_space<vmem_shared>>
      %dma_wait3A_82 = arith.constant 0 : i32
      %dma_wait3A_83 = tpu.memref_slice %arg17[%add3A_46, %dma_wait3A_82] : memref<10240x64xf32, #tpu.memory_space<vmem_shared>> -> memref<128x64xf32, #tpu.memory_space<vmem_shared>>
      tpu.wait_dma2 semaphore(%run_scoped3A : memref<!tpu.dma_semaphore, #tpu.memory_space<semaphore_mem>>) src(%arg12 : memref<128x64xf32, #tpu.memory_space<vmem>>) dst(%dma_wait3A_83 : memref<128x64xf32, #tpu.memory_space<vmem_shared>>)
      tpu.yield
    }) : () -> ()
    %add3A_48 = arith.addi %mul3A_2, %add3A_46 : i32
    "tpu.region"() ({
      %run_scoped3A = tpu.sem_alloc : memref<!tpu.dma_semaphore, #tpu.memory_space<semaphore_mem>>
      %dma_start3A = arith.constant 0 : i32
      %dma_start3A_78 = tpu.memref_slice %arg3[%add3A_48, %dma_start3A] : memref<20480x64xf32, #tpu.memory_space<hbm>> -> memref<128x64xf32, #tpu.memory_space<hbm>>
      %dma_start3A_79 = arith.constant 0 : i32
      %dma_start3A_80 = tpu.memref_slice %arg3[%add3A_48, %dma_start3A_79] : memref<20480x64xf32, #tpu.memory_space<hbm>> -> memref<128x64xf32, #tpu.memory_space<hbm>>
      tpu.enqueue_dma source(%dma_start3A_80 : memref<128x64xf32, #tpu.memory_space<hbm>>) target(%arg13 : memref<128x64xf32, #tpu.memory_space<vmem>>) target_semaphore(%run_scoped3A : memref<!tpu.dma_semaphore, #tpu.memory_space<semaphore_mem>>)
      %dma_wait3A = arith.constant 0 : i32
      %dma_wait3A_81 = tpu.memref_slice %arg3[%add3A_48, %dma_wait3A] : memref<20480x64xf32, #tpu.memory_space<hbm>> -> memref<128x64xf32, #tpu.memory_space<hbm>>
      %dma_wait3A_82 = arith.constant 0 : i32
      %dma_wait3A_83 = tpu.memref_slice %arg3[%add3A_48, %dma_wait3A_82] : memref<20480x64xf32, #tpu.memory_space<hbm>> -> memref<128x64xf32, #tpu.memory_space<hbm>>
      tpu.wait_dma2 semaphore(%run_scoped3A : memref<!tpu.dma_semaphore, #tpu.memory_space<semaphore_mem>>) src(%dma_wait3A_83 : memref<128x64xf32, #tpu.memory_space<hbm>>) dst(%arg13 : memref<128x64xf32, #tpu.memory_space<vmem>>)
      tpu.yield
    }) : () -> ()
    %scan3A_49 = arith.constant 0 : i32
    %scan3A_50 = arith.constant 0 : i32
    %scan3A_51 = arith.constant 128 : i32
    %scan3A_52 = arith.addi %scan3A_50, %scan3A_51 : i32
    %scan3A_53 = arith.constant 1 : i32
    %scan3A_54 = scf.for %scan3A_78 = %scan3A_50 to %scan3A_52 step %scan3A_53 iter_args(%scan3A_79 = %scan3A_49) -> (i32)  : i32 {
      %get3A = arith.index_cast %scan3A_78 : i32 to index
      %get3A_80 = arith.constant 0 : index
      %get3A_81 = tpu.vector_load %arg12[%get3A, %get3A_80] {strides = array<i32>} : memref<128x64xf32, #tpu.memory_space<vmem>>, vector<1x16xf32>,
      %get3A_82 = vector.shape_cast %get3A_81 : vector<1x16xf32> to vector<16xf32>
      %get3A_83 = arith.index_cast %scan3A_78 : i32 to index
      %get3A_84 = arith.constant 0 : index
      %get3A_85 = tpu.vector_load %arg13[%get3A_83, %get3A_84] {strides = array<i32>} : memref<128x64xf32, #tpu.memory_space<vmem>>, vector<1x16xf32>,
      %get3A_86 = vector.shape_cast %get3A_85 : vector<1x16xf32> to vector<16xf32>
      %add3A_87 = arith.addf %get3A_82, %get3A_86 : vector<16xf32>
      %swap3A = arith.index_cast %scan3A_78 : i32 to index
      %swap3A_88 = arith.constant 0 : index
      %swap3A_89 = tpu.vector_load %arg14[%swap3A, %swap3A_88] {strides = array<i32>} : memref<128x64xf32, #tpu.memory_space<vmem>>, vector<1x16xf32>,
      %swap3A_90 = vector.shape_cast %swap3A_89 : vector<1x16xf32> to vector<16xf32>
      %swap3A_91 = vector.shape_cast %add3A_87 : vector<16xf32> to vector<1x16xf32>
      tpu.vector_store %arg14[%swap3A, %swap3A_88], %swap3A_91 {strides = array<i32>} : memref<128x64xf32, #tpu.memory_space<vmem>>, vector<1x16xf32>,
      %get3A_92 = arith.index_cast %scan3A_78 : i32 to index
      %get3A_93 = arith.constant 16 : index
      %get3A_94 = tpu.vector_load %arg12[%get3A_92, %get3A_93] {strides = array<i32>} : memref<128x64xf32, #tpu.memory_space<vmem>>, vector<1x16xf32>,
      %get3A_95 = vector.shape_cast %get3A_94 : vector<1x16xf32> to vector<16xf32>
      %get3A_96 = arith.index_cast %scan3A_78 : i32 to index
      %get3A_97 = arith.constant 16 : index
      %get3A_98 = tpu.vector_load %arg13[%get3A_96, %get3A_97] {strides = array<i32>} : memref<128x64xf32, #tpu.memory_space<vmem>>, vector<1x16xf32>,
      %get3A_99 = vector.shape_cast %get3A_98 : vector<1x16xf32> to vector<16xf32>
      %add3A_100 = arith.addf %get3A_95, %get3A_99 : vector<16xf32>
      %swap3A_101 = arith.index_cast %scan3A_78 : i32 to index
      %swap3A_102 = arith.constant 16 : index
      %swap3A_103 = tpu.vector_load %arg14[%swap3A_101, %swap3A_102] {strides = array<i32>} : memref<128x64xf32, #tpu.memory_space<vmem>>, vector<1x16xf32>,
      %swap3A_104 = vector.shape_cast %swap3A_103 : vector<1x16xf32> to vector<16xf32>
      %swap3A_105 = vector.shape_cast %add3A_100 : vector<16xf32> to vector<1x16xf32>
      tpu.vector_store %arg14[%swap3A_101, %swap3A_102], %swap3A_105 {strides = array<i32>} : memref<128x64xf32, #tpu.memory_space<vmem>>, vector<1x16xf32>,
      %get3A_106 = arith.index_cast %scan3A_78 : i32 to index
      %get3A_107 = arith.constant 32 : index
      %get3A_108 = tpu.vector_load %arg12[%get3A_106, %get3A_107] {strides = array<i32>} : memref<128x64xf32, #tpu.memory_space<vmem>>, vector<1x16xf32>,
      %get3A_109 = vector.shape_cast %get3A_108 : vector<1x16xf32> to vector<16xf32>
      %get3A_110 = arith.index_cast %scan3A_78 : i32 to index
      %get3A_111 = arith.constant 32 : index
      %get3A_112 = tpu.vector_load %arg13[%get3A_110, %get3A_111] {strides = array<i32>} : memref<128x64xf32, #tpu.memory_space<vmem>>, vector<1x16xf32>,
      %get3A_113 = vector.shape_cast %get3A_112 : vector<1x16xf32> to vector<16xf32>
      %add3A_114 = arith.addf %get3A_109, %get3A_113 : vector<16xf32>
      %swap3A_115 = arith.index_cast %scan3A_78 : i32 to index
      %swap3A_116 = arith.constant 32 : index
      %swap3A_117 = tpu.vector_load %arg14[%swap3A_115, %swap3A_116] {strides = array<i32>} : memref<128x64xf32, #tpu.memory_space<vmem>>, vector<1x16xf32>,
      %swap3A_118 = vector.shape_cast %swap3A_117 : vector<1x16xf32> to vector<16xf32>
      %swap3A_119 = vector.shape_cast %add3A_114 : vector<16xf32> to vector<1x16xf32>
      tpu.vector_store %arg14[%swap3A_115, %swap3A_116], %swap3A_119 {strides = array<i32>} : memref<128x64xf32, #tpu.memory_space<vmem>>, vector<1x16xf32>,
      %get3A_120 = arith.index_cast %scan3A_78 : i32 to index
      %get3A_121 = arith.constant 48 : index
      %get3A_122 = tpu.vector_load %arg12[%get3A_120, %get3A_121] {strides = array<i32>} : memref<128x64xf32, #tpu.memory_space<vmem>>, vector<1x16xf32>,
      %get3A_123 = vector.shape_cast %get3A_122 : vector<1x16xf32> to vector<16xf32>
      %get3A_124 = arith.index_cast %scan3A_78 : i32 to index
      %get3A_125 = arith.constant 48 : index
      %get3A_126 = tpu.vector_load %arg13[%get3A_124, %get3A_125] {strides = array<i32>} : memref<128x64xf32, #tpu.memory_space<vmem>>, vector<1x16xf32>,
      %get3A_127 = vector.shape_cast %get3A_126 : vector<1x16xf32> to vector<16xf32>
      %add3A_128 = arith.addf %get3A_123, %get3A_127 : vector<16xf32>
      %swap3A_129 = arith.index_cast %scan3A_78 : i32 to index
      %swap3A_130 = arith.constant 48 : index
      %swap3A_131 = tpu.vector_load %arg14[%swap3A_129, %swap3A_130] {strides = array<i32>} : memref<128x64xf32, #tpu.memory_space<vmem>>, vector<1x16xf32>,
      %swap3A_132 = vector.shape_cast %swap3A_131 : vector<1x16xf32> to vector<16xf32>
      %swap3A_133 = vector.shape_cast %add3A_128 : vector<16xf32> to vector<1x16xf32>
      tpu.vector_store %arg14[%swap3A_129, %swap3A_130], %swap3A_133 {strides = array<i32>} : memref<128x64xf32, #tpu.memory_space<vmem>>, vector<1x16xf32>,
      %scan3A_134 = arith.constant 0 : i32
      scf.yield %scan3A_134 : i32
    }
    %scan3A_55 = arith.constant 128 : i32
    "tpu.region"() ({
      %run_scoped3A = tpu.sem_alloc : memref<!tpu.dma_semaphore, #tpu.memory_space<semaphore_mem>>
      %dma_start3A = arith.constant 0 : i32
      %dma_start3A_78 = tpu.memref_slice %arg18[%add3A_46, %dma_start3A] : memref<10240x64xf32, #tpu.memory_space<vmem_shared>> -> memref<128x64xf32, #tpu.memory_space<vmem_shared>>
      %dma_start3A_79 = arith.constant 0 : i32
      %dma_start3A_80 = tpu.memref_slice %arg18[%add3A_46, %dma_start3A_79] : memref<10240x64xf32, #tpu.memory_space<vmem_shared>> -> memref<128x64xf32, #tpu.memory_space<vmem_shared>>
      tpu.enqueue_dma source(%arg14 : memref<128x64xf32, #tpu.memory_space<vmem>>) target(%dma_start3A_80 : memref<128x64xf32, #tpu.memory_space<vmem_shared>>) target_semaphore(%run_scoped3A : memref<!tpu.dma_semaphore, #tpu.memory_space<semaphore_mem>>)
      %dma_wait3A = arith.constant 0 : i32
      %dma_wait3A_81 = tpu.memref_slice %arg18[%add3A_46, %dma_wait3A] : memref<10240x64xf32, #tpu.memory_space<vmem_shared>> -> memref<128x64xf32, #tpu.memory_space<vmem_shared>>
      %dma_wait3A_82 = arith.constant 0 : i32
      %dma_wait3A_83 = tpu.memref_slice %arg18[%add3A_46, %dma_wait3A_82] : memref<10240x64xf32, #tpu.memory_space<vmem_shared>> -> memref<128x64xf32, #tpu.memory_space<vmem_shared>>
      tpu.wait_dma2 semaphore(%run_scoped3A : memref<!tpu.dma_semaphore, #tpu.memory_space<semaphore_mem>>) src(%arg14 : memref<128x64xf32, #tpu.memory_space<vmem>>) dst(%dma_wait3A_83 : memref<128x64xf32, #tpu.memory_space<vmem_shared>>)
      tpu.yield
    }) : () -> ()
    %barrier3A = arith.constant 0 : index
    tpu.barrier barrier_id(%barrier3A)
    %scan3A_56 = arith.constant 0 : i32
    %scan3A_57 = arith.constant 0 : i32
    %scan3A_58 = arith.constant 50 : i32
    %scan3A_59 = arith.addi %scan3A_57, %scan3A_58 : i32
    %scan3A_60 = arith.constant 1 : i32
    %scan3A_61 = scf.for %scan3A_78 = %scan3A_57 to %scan3A_59 step %scan3A_60 iter_args(%scan3A_79 = %scan3A_56) -> (i32)  : i32 {
      "tpu.region"() ({
        %run_scoped3A = tpu.sem_alloc : memref<!tpu.dma_semaphore, #tpu.memory_space<semaphore_mem>>
        %dma_start3A = arith.constant 0 : i32
        %dma_start3A_97 = arith.constant 0 : i32
        %dma_start3A_98 = tpu.memref_slice %arg5[%arg1, %dma_start3A, %dma_start3A_97] : memref<16x168x128xi32, #tpu.memory_space<hbm>> -> memref<1x5x128xi32, #tpu.memory_space<hbm>>
        %dma_start3A_99 = tpu.memref_squeeze %dma_start3A_98 : memref<1x5x128xi32, #tpu.memory_space<hbm>> -> memref<5x128xi32, #tpu.memory_space<hbm>>
        %dma_start3A_100 = arith.constant 0 : i32
        %dma_start3A_101 = arith.constant 0 : i32
        %dma_start3A_102 = tpu.memref_slice %arg5[%arg1, %dma_start3A_100, %dma_start3A_101] : memref<16x168x128xi32, #tpu.memory_space<hbm>> -> memref<1x5x128xi32, #tpu.memory_space<hbm>>
        %dma_start3A_103 = tpu.memref_squeeze %dma_start3A_102 : memref<1x5x128xi32, #tpu.memory_space<hbm>> -> memref<5x128xi32, #tpu.memory_space<hbm>>
        tpu.enqueue_dma source(%dma_start3A_103 : memref<5x128xi32, #tpu.memory_space<hbm>>) target(%arg8 : memref<5x128xi32, #tpu.memory_space<vmem>>) target_semaphore(%run_scoped3A : memref<!tpu.dma_semaphore, #tpu.memory_space<semaphore_mem>>)
        %dma_wait3A = arith.constant 0 : i32
        %dma_wait3A_104 = arith.constant 0 : i32
        %dma_wait3A_105 = tpu.memref_slice %arg5[%arg1, %dma_wait3A, %dma_wait3A_104] : memref<16x168x128xi32, #tpu.memory_space<hbm>> -> memref<1x5x128xi32, #tpu.memory_space<hbm>>
        %dma_wait3A_106 = tpu.memref_squeeze %dma_wait3A_105 : memref<1x5x128xi32, #tpu.memory_space<hbm>> -> memref<5x128xi32, #tpu.memory_space<hbm>>
        %dma_wait3A_107 = arith.constant 0 : i32
        %dma_wait3A_108 = arith.constant 0 : i32
        %dma_wait3A_109 = tpu.memref_slice %arg5[%arg1, %dma_wait3A_107, %dma_wait3A_108] : memref<16x168x128xi32, #tpu.memory_space<hbm>> -> memref<1x5x128xi32, #tpu.memory_space<hbm>>
        %dma_wait3A_110 = tpu.memref_squeeze %dma_wait3A_109 : memref<1x5x128xi32, #tpu.memory_space<hbm>> -> memref<5x128xi32, #tpu.memory_space<hbm>>
        tpu.wait_dma2 semaphore(%run_scoped3A : memref<!tpu.dma_semaphore, #tpu.memory_space<semaphore_mem>>) src(%dma_wait3A_110 : memref<5x128xi32, #tpu.memory_space<hbm>>) dst(%arg8 : memref<5x128xi32, #tpu.memory_space<vmem>>)
        tpu.yield
      }) : () -> ()
      "tpu.region"() ({
        %run_scoped3A = tpu.sem_alloc : memref<!tpu.dma_semaphore, #tpu.memory_space<semaphore_mem>>
        %dma_start3A = arith.constant 0 : i32
        %dma_start3A_97 = arith.constant 0 : i32
        %dma_start3A_98 = tpu.memref_slice %arg6[%arg1, %dma_start3A, %dma_start3A_97] : memref<16x168x128xi32, #tpu.memory_space<hbm>> -> memref<1x5x128xi32, #tpu.memory_space<hbm>>
        %dma_start3A_99 = tpu.memref_squeeze %dma_start3A_98 : memref<1x5x128xi32, #tpu.memory_space<hbm>> -> memref<5x128xi32, #tpu.memory_space<hbm>>
        %dma_start3A_100 = arith.constant 0 : i32
        %dma_start3A_101 = arith.constant 0 : i32
        %dma_start3A_102 = tpu.memref_slice %arg6[%arg1, %dma_start3A_100, %dma_start3A_101] : memref<16x168x128xi32, #tpu.memory_space<hbm>> -> memref<1x5x128xi32, #tpu.memory_space<hbm>>
        %dma_start3A_103 = tpu.memref_squeeze %dma_start3A_102 : memref<1x5x128xi32, #tpu.memory_space<hbm>> -> memref<5x128xi32, #tpu.memory_space<hbm>>
        tpu.enqueue_dma source(%dma_start3A_103 : memref<5x128xi32, #tpu.memory_space<hbm>>) target(%arg10 : memref<5x128xi32, #tpu.memory_space<vmem>>) target_semaphore(%run_scoped3A : memref<!tpu.dma_semaphore, #tpu.memory_space<semaphore_mem>>)
        %dma_wait3A = arith.constant 0 : i32
        %dma_wait3A_104 = arith.constant 0 : i32
        %dma_wait3A_105 = tpu.memref_slice %arg6[%arg1, %dma_wait3A, %dma_wait3A_104] : memref<16x168x128xi32, #tpu.memory_space<hbm>> -> memref<1x5x128xi32, #tpu.memory_space<hbm>>
        %dma_wait3A_106 = tpu.memref_squeeze %dma_wait3A_105 : memref<1x5x128xi32, #tpu.memory_space<hbm>> -> memref<5x128xi32, #tpu.memory_space<hbm>>
        %dma_wait3A_107 = arith.constant 0 : i32
        %dma_wait3A_108 = arith.constant 0 : i32
        %dma_wait3A_109 = tpu.memref_slice %arg6[%arg1, %dma_wait3A_107, %dma_wait3A_108] : memref<16x168x128xi32, #tpu.memory_space<hbm>> -> memref<1x5x128xi32, #tpu.memory_space<hbm>>
        %dma_wait3A_110 = tpu.memref_squeeze %dma_wait3A_109 : memref<1x5x128xi32, #tpu.memory_space<hbm>> -> memref<5x128xi32, #tpu.memory_space<hbm>>
        tpu.wait_dma2 semaphore(%run_scoped3A : memref<!tpu.dma_semaphore, #tpu.memory_space<semaphore_mem>>) src(%dma_wait3A_110 : memref<5x128xi32, #tpu.memory_space<hbm>>) dst(%arg10 : memref<5x128xi32, #tpu.memory_space<vmem>>)
        tpu.yield
      }) : () -> ()
      %scan3A_80 = arith.constant 0 : i32
      %scan3A_81 = arith.constant 0 : i32
      %scan3A_82 = arith.constant 16 : i32
      %scan3A_83 = arith.addi %scan3A_81, %scan3A_82 : i32
      %scan3A_84 = arith.constant 1 : i32
      %scan3A_85 = scf.for %scan3A_97 = %scan3A_81 to %scan3A_83 step %scan3A_84 iter_args(%scan3A_98 = %scan3A_80) -> (i32)  : i32 {
        %mul3A_99 = arith.constant 10 : i32
        %mul3A_100 = arith.muli %scan3A_97, %mul3A_99 : i32
        %add3A_101 = arith.constant 5 : i32
        %add3A_102 = arith.addi %mul3A_100, %add3A_101 : i32
        %dma_start3A = arith.constant 0 : i32
        %dma_start3A_103 = arith.constant 0 : i32
        %dma_start3A_104 = tpu.memref_slice %arg5[%arg1, %add3A_102, %dma_start3A_103] : memref<16x168x128xi32, #tpu.memory_space<hbm>> -> memref<1x5x128xi32, #tpu.memory_space<hbm>>
        %dma_start3A_105 = tpu.memref_squeeze %dma_start3A_104 : memref<1x5x128xi32, #tpu.memory_space<hbm>> -> memref<5x128xi32, #tpu.memory_space<hbm>>
        %dma_start3A_106 = tpu.memref_slice %arg21[%dma_start3A] : memref<4x!tpu.dma_semaphore, #tpu.memory_space<semaphore_mem>> -> memref<1x!tpu.dma_semaphore, #tpu.memory_space<semaphore_mem>>
        %dma_start3A_107 = tpu.memref_squeeze %dma_start3A_106 : memref<1x!tpu.dma_semaphore, #tpu.memory_space<semaphore_mem>> -> memref<!tpu.dma_semaphore, #tpu.memory_space<semaphore_mem>>
        %dma_start3A_108 = arith.constant 0 : i32
        %dma_start3A_109 = tpu.memref_slice %arg5[%arg1, %add3A_102, %dma_start3A_108] : memref<16x168x128xi32, #tpu.memory_space<hbm>> -> memref<1x5x128xi32, #tpu.memory_space<hbm>>
        %dma_start3A_110 = tpu.memref_squeeze %dma_start3A_109 : memref<1x5x128xi32, #tpu.memory_space<hbm>> -> memref<5x128xi32, #tpu.memory_space<hbm>>
        tpu.enqueue_dma source(%dma_start3A_110 : memref<5x128xi32, #tpu.memory_space<hbm>>) target(%arg9 : memref<5x128xi32, #tpu.memory_space<vmem>>) target_semaphore(%dma_start3A_107 : memref<!tpu.dma_semaphore, #tpu.memory_space<semaphore_mem>>)
        %add3A_111 = arith.constant 5 : i32
        %add3A_112 = arith.addi %mul3A_100, %add3A_111 : i32
        %dma_start3A_113 = arith.constant 1 : i32
        %dma_start3A_114 = arith.constant 0 : i32
        %dma_start3A_115 = tpu.memref_slice %arg6[%arg1, %add3A_112, %dma_start3A_114] : memref<16x168x128xi32, #tpu.memory_space<hbm>> -> memref<1x5x128xi32, #tpu.memory_space<hbm>>
        %dma_start3A_116 = tpu.memref_squeeze %dma_start3A_115 : memref<1x5x128xi32, #tpu.memory_space<hbm>> -> memref<5x128xi32, #tpu.memory_space<hbm>>
        %dma_start3A_117 = tpu.memref_slice %arg21[%dma_start3A_113] : memref<4x!tpu.dma_semaphore, #tpu.memory_space<semaphore_mem>> -> memref<1x!tpu.dma_semaphore, #tpu.memory_space<semaphore_mem>>
        %dma_start3A_118 = tpu.memref_squeeze %dma_start3A_117 : memref<1x!tpu.dma_semaphore, #tpu.memory_space<semaphore_mem>> -> memref<!tpu.dma_semaphore, #tpu.memory_space<semaphore_mem>>
        %dma_start3A_119 = arith.constant 0 : i32
        %dma_start3A_120 = tpu.memref_slice %arg6[%arg1, %add3A_112, %dma_start3A_119] : memref<16x168x128xi32, #tpu.memory_space<hbm>> -> memref<1x5x128xi32, #tpu.memory_space<hbm>>
        %dma_start3A_121 = tpu.memref_squeeze %dma_start3A_120 : memref<1x5x128xi32, #tpu.memory_space<hbm>> -> memref<5x128xi32, #tpu.memory_space<hbm>>
        tpu.enqueue_dma source(%dma_start3A_121 : memref<5x128xi32, #tpu.memory_space<hbm>>) target(%arg11 : memref<5x128xi32, #tpu.memory_space<vmem>>) target_semaphore(%dma_start3A_118 : memref<!tpu.dma_semaphore, #tpu.memory_space<semaphore_mem>>)
        %dma_start3A_122 = arith.constant 0 : i32
        %dma_start3A_123 = arith.constant 0 : i32
        %dma_start3A_124 = arith.constant 0 : i32
        %dma_start3A_125 = tpu.memref_slice %arg8[%dma_start3A_122, %dma_start3A_124] : memref<5x128xi32, #tpu.memory_space<vmem>> -> memref<1x128xi32, #tpu.memory_space<vmem>>
        %dma_start3A_126 = tpu.memref_squeeze %dma_start3A_125 : memref<1x128xi32, #tpu.memory_space<vmem>> -> memref<128xi32, #tpu.memory_space<vmem>>
        %dma_start3A_127 = arith.constant 0 : i32
        %dma_start3A_128 = arith.constant 0 : i32
        %dma_start3A_129 = tpu.memref_slice %arg17[%dma_start3A_127, %dma_start3A_128] : memref<10240x64xf32, #tpu.memory_space<vmem_shared>> -> memref<10240x64xf32, #tpu.memory_space<vmem_shared>>
        %dma_start3A_130 = tpu.memref_slice %arg19[%dma_start3A_123] : memref<5x!tpu.dma_semaphore, #tpu.memory_space<semaphore_mem>> -> memref<1x!tpu.dma_semaphore, #tpu.memory_space<semaphore_mem>>
        %dma_start3A_131 = tpu.memref_squeeze %dma_start3A_130 : memref<1x!tpu.dma_semaphore, #tpu.memory_space<semaphore_mem>> -> memref<!tpu.dma_semaphore, #tpu.memory_space<semaphore_mem>>
        tpu.enqueue_indirect_dma source(%dma_start3A_129 : memref<10240x64xf32, #tpu.memory_space<vmem_shared>>) target(%arg12 : memref<128x64xf32, #tpu.memory_space<vmem>>) offsets(%dma_start3A_126 : memref<128xi32, #tpu.memory_space<vmem>>) semaphore(%dma_start3A_131 : memref<!tpu.dma_semaphore, #tpu.memory_space<semaphore_mem>>)
        %dma_start3A_132 = arith.constant 1 : i32
        %dma_start3A_133 = arith.constant 1 : i32
        %dma_start3A_134 = arith.constant 0 : i32
        %dma_start3A_135 = tpu.memref_slice %arg8[%dma_start3A_132, %dma_start3A_134] : memref<5x128xi32, #tpu.memory_space<vmem>> -> memref<1x128xi32, #tpu.memory_space<vmem>>
        %dma_start3A_136 = tpu.memref_squeeze %dma_start3A_135 : memref<1x128xi32, #tpu.memory_space<vmem>> -> memref<128xi32, #tpu.memory_space<vmem>>
        %dma_start3A_137 = arith.constant 0 : i32
        %dma_start3A_138 = arith.constant 0 : i32
        %dma_start3A_139 = tpu.memref_slice %arg17[%dma_start3A_137, %dma_start3A_138] : memref<10240x64xf32, #tpu.memory_space<vmem_shared>> -> memref<10240x64xf32, #tpu.memory_space<vmem_shared>>
        %dma_start3A_140 = tpu.memref_slice %arg19[%dma_start3A_133] : memref<5x!tpu.dma_semaphore, #tpu.memory_space<semaphore_mem>> -> memref<1x!tpu.dma_semaphore, #tpu.memory_space<semaphore_mem>>
        %dma_start3A_141 = tpu.memref_squeeze %dma_start3A_140 : memref<1x!tpu.dma_semaphore, #tpu.memory_space<semaphore_mem>> -> memref<!tpu.dma_semaphore, #tpu.memory_space<semaphore_mem>>
        tpu.enqueue_indirect_dma source(%dma_start3A_139 : memref<10240x64xf32, #tpu.memory_space<vmem_shared>>) target(%arg13 : memref<128x64xf32, #tpu.memory_space<vmem>>) offsets(%dma_start3A_136 : memref<128xi32, #tpu.memory_space<vmem>>) semaphore(%dma_start3A_141 : memref<!tpu.dma_semaphore, #tpu.memory_space<semaphore_mem>>)
        %dma_start3A_142 = arith.constant 2 : i32
        %dma_start3A_143 = arith.constant 2 : i32
        %dma_start3A_144 = arith.constant 0 : i32
        %dma_start3A_145 = tpu.memref_slice %arg8[%dma_start3A_142, %dma_start3A_144] : memref<5x128xi32, #tpu.memory_space<vmem>> -> memref<1x128xi32, #tpu.memory_space<vmem>>
        %dma_start3A_146 = tpu.memref_squeeze %dma_start3A_145 : memref<1x128xi32, #tpu.memory_space<vmem>> -> memref<128xi32, #tpu.memory_space<vmem>>
        %dma_start3A_147 = arith.constant 0 : i32
        %dma_start3A_148 = arith.constant 0 : i32
        %dma_start3A_149 = tpu.memref_slice %arg17[%dma_start3A_147, %dma_start3A_148] : memref<10240x64xf32, #tpu.memory_space<vmem_shared>> -> memref<10240x64xf32, #tpu.memory_space<vmem_shared>>
        %dma_start3A_150 = tpu.memref_slice %arg19[%dma_start3A_143] : memref<5x!tpu.dma_semaphore, #tpu.memory_space<semaphore_mem>> -> memref<1x!tpu.dma_semaphore, #tpu.memory_space<semaphore_mem>>
        %dma_start3A_151 = tpu.memref_squeeze %dma_start3A_150 : memref<1x!tpu.dma_semaphore, #tpu.memory_space<semaphore_mem>> -> memref<!tpu.dma_semaphore, #tpu.memory_space<semaphore_mem>>
        tpu.enqueue_indirect_dma source(%dma_start3A_149 : memref<10240x64xf32, #tpu.memory_space<vmem_shared>>) target(%arg14 : memref<128x64xf32, #tpu.memory_space<vmem>>) offsets(%dma_start3A_146 : memref<128xi32, #tpu.memory_space<vmem>>) semaphore(%dma_start3A_151 : memref<!tpu.dma_semaphore, #tpu.memory_space<semaphore_mem>>)
        %dma_start3A_152 = arith.constant 3 : i32
        %dma_start3A_153 = arith.constant 3 : i32
        %dma_start3A_154 = arith.constant 0 : i32
        %dma_start3A_155 = tpu.memref_slice %arg8[%dma_start3A_152, %dma_start3A_154] : memref<5x128xi32, #tpu.memory_space<vmem>> -> memref<1x128xi32, #tpu.memory_space<vmem>>
        %dma_start3A_156 = tpu.memref_squeeze %dma_start3A_155 : memref<1x128xi32, #tpu.memory_space<vmem>> -> memref<128xi32, #tpu.memory_space<vmem>>
        %dma_start3A_157 = arith.constant 0 : i32
        %dma_start3A_158 = arith.constant 0 : i32
        %dma_start3A_159 = tpu.memref_slice %arg17[%dma_start3A_157, %dma_start3A_158] : memref<10240x64xf32, #tpu.memory_space<vmem_shared>> -> memref<10240x64xf32, #tpu.memory_space<vmem_shared>>
        %dma_start3A_160 = tpu.memref_slice %arg19[%dma_start3A_153] : memref<5x!tpu.dma_semaphore, #tpu.memory_space<semaphore_mem>> -> memref<1x!tpu.dma_semaphore, #tpu.memory_space<semaphore_mem>>
        %dma_start3A_161 = tpu.memref_squeeze %dma_start3A_160 : memref<1x!tpu.dma_semaphore, #tpu.memory_space<semaphore_mem>> -> memref<!tpu.dma_semaphore, #tpu.memory_space<semaphore_mem>>
        tpu.enqueue_indirect_dma source(%dma_start3A_159 : memref<10240x64xf32, #tpu.memory_space<vmem_shared>>) target(%arg15 : memref<128x64xf32, #tpu.memory_space<vmem>>) offsets(%dma_start3A_156 : memref<128xi32, #tpu.memory_space<vmem>>) semaphore(%dma_start3A_161 : memref<!tpu.dma_semaphore, #tpu.memory_space<semaphore_mem>>)
        %dma_start3A_162 = arith.constant 4 : i32
        %dma_start3A_163 = arith.constant 4 : i32
        %dma_start3A_164 = arith.constant 0 : i32
        %dma_start3A_165 = tpu.memref_slice %arg8[%dma_start3A_162, %dma_start3A_164] : memref<5x128xi32, #tpu.memory_space<vmem>> -> memref<1x128xi32, #tpu.memory_space<vmem>>
        %dma_start3A_166 = tpu.memref_squeeze %dma_start3A_165 : memref<1x128xi32, #tpu.memory_space<vmem>> -> memref<128xi32, #tpu.memory_space<vmem>>
        %dma_start3A_167 = arith.constant 0 : i32
        %dma_start3A_168 = arith.constant 0 : i32
        %dma_start3A_169 = tpu.memref_slice %arg17[%dma_start3A_167, %dma_start3A_168] : memref<10240x64xf32, #tpu.memory_space<vmem_shared>> -> memref<10240x64xf32, #tpu.memory_space<vmem_shared>>
        %dma_start3A_170 = tpu.memref_slice %arg19[%dma_start3A_163] : memref<5x!tpu.dma_semaphore, #tpu.memory_space<semaphore_mem>> -> memref<1x!tpu.dma_semaphore, #tpu.memory_space<semaphore_mem>>
        %dma_start3A_171 = tpu.memref_squeeze %dma_start3A_170 : memref<1x!tpu.dma_semaphore, #tpu.memory_space<semaphore_mem>> -> memref<!tpu.dma_semaphore, #tpu.memory_space<semaphore_mem>>
        tpu.enqueue_indirect_dma source(%dma_start3A_169 : memref<10240x64xf32, #tpu.memory_space<vmem_shared>>) target(%arg16 : memref<128x64xf32, #tpu.memory_space<vmem>>) offsets(%dma_start3A_166 : memref<128xi32, #tpu.memory_space<vmem>>) semaphore(%dma_start3A_171 : memref<!tpu.dma_semaphore, #tpu.memory_space<semaphore_mem>>)
        %dma_wait3A = arith.constant 0 : i32
        %dma_wait3A_172 = arith.constant 0 : i32
        %dma_wait3A_173 = arith.constant 0 : i32
        %dma_wait3A_174 = tpu.memref_slice %arg8[%dma_wait3A, %dma_wait3A_173] : memref<5x128xi32, #tpu.memory_space<vmem>> -> memref<1x128xi32, #tpu.memory_space<vmem>>
        %dma_wait3A_175 = tpu.memref_squeeze %dma_wait3A_174 : memref<1x128xi32, #tpu.memory_space<vmem>> -> memref<128xi32, #tpu.memory_space<vmem>>
        %dma_wait3A_176 = arith.constant 0 : i32
        %dma_wait3A_177 = arith.constant 0 : i32
        %dma_wait3A_178 = tpu.memref_slice %arg17[%dma_wait3A_176, %dma_wait3A_177] : memref<10240x64xf32, #tpu.memory_space<vmem_shared>> -> memref<10240x64xf32, #tpu.memory_space<vmem_shared>>
        %dma_wait3A_179 = tpu.memref_slice %arg19[%dma_wait3A_172] : memref<5x!tpu.dma_semaphore, #tpu.memory_space<semaphore_mem>> -> memref<1x!tpu.dma_semaphore, #tpu.memory_space<semaphore_mem>>
        %dma_wait3A_180 = tpu.memref_squeeze %dma_wait3A_179 : memref<1x!tpu.dma_semaphore, #tpu.memory_space<semaphore_mem>> -> memref<!tpu.dma_semaphore, #tpu.memory_space<semaphore_mem>>
        tpu.wait_indirect_dma semaphore(%dma_wait3A_180 : memref<!tpu.dma_semaphore, #tpu.memory_space<semaphore_mem>>) src(%dma_wait3A_178 : memref<10240x64xf32, #tpu.memory_space<vmem_shared>>) dst(%arg12 : memref<128x64xf32, #tpu.memory_space<vmem>>)
        %dma_start3A_181 = arith.constant 0 : i32
        %dma_start3A_182 = arith.constant 0 : i32
        %dma_start3A_183 = arith.constant 0 : i32
        %dma_start3A_184 = tpu.memref_slice %arg10[%dma_start3A_181, %dma_start3A_183] : memref<5x128xi32, #tpu.memory_space<vmem>> -> memref<1x128xi32, #tpu.memory_space<vmem>>
        %dma_start3A_185 = tpu.memref_squeeze %dma_start3A_184 : memref<1x128xi32, #tpu.memory_space<vmem>> -> memref<128xi32, #tpu.memory_space<vmem>>
        %dma_start3A_186 = arith.constant 0 : i32
        %dma_start3A_187 = arith.constant 0 : i32
        %dma_start3A_188 = tpu.memref_slice %arg18[%dma_start3A_186, %dma_start3A_187] : memref<10240x64xf32, #tpu.memory_space<vmem_shared>> -> memref<10240x64xf32, #tpu.memory_space<vmem_shared>>
        %dma_start3A_189 = tpu.memref_slice %arg20[%dma_start3A_182] : memref<5x!tpu.dma_semaphore, #tpu.memory_space<semaphore_mem>> -> memref<1x!tpu.dma_semaphore, #tpu.memory_space<semaphore_mem>>
        %dma_start3A_190 = tpu.memref_squeeze %dma_start3A_189 : memref<1x!tpu.dma_semaphore, #tpu.memory_space<semaphore_mem>> -> memref<!tpu.dma_semaphore, #tpu.memory_space<semaphore_mem>>
        tpu.enqueue_indirect_dma source(%arg12 : memref<128x64xf32, #tpu.memory_space<vmem>>) target(%dma_start3A_188 : memref<10240x64xf32, #tpu.memory_space<vmem_shared>>) offsets(%dma_start3A_185 : memref<128xi32, #tpu.memory_space<vmem>>) semaphore(%dma_start3A_190 : memref<!tpu.dma_semaphore, #tpu.memory_space<semaphore_mem>>) {add = true}
        %dma_wait3A_191 = arith.constant 1 : i32
        %dma_wait3A_192 = arith.constant 1 : i32
        %dma_wait3A_193 = arith.constant 0 : i32
        %dma_wait3A_194 = tpu.memref_slice %arg8[%dma_wait3A_191, %dma_wait3A_193] : memref<5x128xi32, #tpu.memory_space<vmem>> -> memref<1x128xi32, #tpu.memory_space<vmem>>
        %dma_wait3A_195 = tpu.memref_squeeze %dma_wait3A_194 : memref<1x128xi32, #tpu.memory_space<vmem>> -> memref<128xi32, #tpu.memory_space<vmem>>
        %dma_wait3A_196 = arith.constant 0 : i32
        %dma_wait3A_197 = arith.constant 0 : i32
        %dma_wait3A_198 = tpu.memref_slice %arg17[%dma_wait3A_196, %dma_wait3A_197] : memref<10240x64xf32, #tpu.memory_space<vmem_shared>> -> memref<10240x64xf32, #tpu.memory_space<vmem_shared>>
        %dma_wait3A_199 = tpu.memref_slice %arg19[%dma_wait3A_192] : memref<5x!tpu.dma_semaphore, #tpu.memory_space<semaphore_mem>> -> memref<1x!tpu.dma_semaphore, #tpu.memory_space<semaphore_mem>>
        %dma_wait3A_200 = tpu.memref_squeeze %dma_wait3A_199 : memref<1x!tpu.dma_semaphore, #tpu.memory_space<semaphore_mem>> -> memref<!tpu.dma_semaphore, #tpu.memory_space<semaphore_mem>>
        tpu.wait_indirect_dma semaphore(%dma_wait3A_200 : memref<!tpu.dma_semaphore, #tpu.memory_space<semaphore_mem>>) src(%dma_wait3A_198 : memref<10240x64xf32, #tpu.memory_space<vmem_shared>>) dst(%arg13 : memref<128x64xf32, #tpu.memory_space<vmem>>)
        %dma_start3A_201 = arith.constant 1 : i32
        %dma_start3A_202 = arith.constant 1 : i32
        %dma_start3A_203 = arith.constant 0 : i32
        %dma_start3A_204 = tpu.memref_slice %arg10[%dma_start3A_201, %dma_start3A_203] : memref<5x128xi32, #tpu.memory_space<vmem>> -> memref<1x128xi32, #tpu.memory_space<vmem>>
        %dma_start3A_205 = tpu.memref_squeeze %dma_start3A_204 : memref<1x128xi32, #tpu.memory_space<vmem>> -> memref<128xi32, #tpu.memory_space<vmem>>
        %dma_start3A_206 = arith.constant 0 : i32
        %dma_start3A_207 = arith.constant 0 : i32
        %dma_start3A_208 = tpu.memref_slice %arg18[%dma_start3A_206, %dma_start3A_207] : memref<10240x64xf32, #tpu.memory_space<vmem_shared>> -> memref<10240x64xf32, #tpu.memory_space<vmem_shared>>
        %dma_start3A_209 = tpu.memref_slice %arg20[%dma_start3A_202] : memref<5x!tpu.dma_semaphore, #tpu.memory_space<semaphore_mem>> -> memref<1x!tpu.dma_semaphore, #tpu.memory_space<semaphore_mem>>
        %dma_start3A_210 = tpu.memref_squeeze %dma_start3A_209 : memref<1x!tpu.dma_semaphore, #tpu.memory_space<semaphore_mem>> -> memref<!tpu.dma_semaphore, #tpu.memory_space<semaphore_mem>>
        tpu.enqueue_indirect_dma source(%arg13 : memref<128x64xf32, #tpu.memory_space<vmem>>) target(%dma_start3A_208 : memref<10240x64xf32, #tpu.memory_space<vmem_shared>>) offsets(%dma_start3A_205 : memref<128xi32, #tpu.memory_space<vmem>>) semaphore(%dma_start3A_210 : memref<!tpu.dma_semaphore, #tpu.memory_space<semaphore_mem>>) {add = true}
        %dma_wait3A_211 = arith.constant 2 : i32
        %dma_wait3A_212 = arith.constant 2 : i32
        %dma_wait3A_213 = arith.constant 0 : i32
        %dma_wait3A_214 = tpu.memref_slice %arg8[%dma_wait3A_211, %dma_wait3A_213] : memref<5x128xi32, #tpu.memory_space<vmem>> -> memref<1x128xi32, #tpu.memory_space<vmem>>
        %dma_wait3A_215 = tpu.memref_squeeze %dma_wait3A_214 : memref<1x128xi32, #tpu.memory_space<vmem>> -> memref<128xi32, #tpu.memory_space<vmem>>
        %dma_wait3A_216 = arith.constant 0 : i32
        %dma_wait3A_217 = arith.constant 0 : i32
        %dma_wait3A_218 = tpu.memref_slice %arg17[%dma_wait3A_216, %dma_wait3A_217] : memref<10240x64xf32, #tpu.memory_space<vmem_shared>> -> memref<10240x64xf32, #tpu.memory_space<vmem_shared>>
        %dma_wait3A_219 = tpu.memref_slice %arg19[%dma_wait3A_212] : memref<5x!tpu.dma_semaphore, #tpu.memory_space<semaphore_mem>> -> memref<1x!tpu.dma_semaphore, #tpu.memory_space<semaphore_mem>>
        %dma_wait3A_220 = tpu.memref_squeeze %dma_wait3A_219 : memref<1x!tpu.dma_semaphore, #tpu.memory_space<semaphore_mem>> -> memref<!tpu.dma_semaphore, #tpu.memory_space<semaphore_mem>>
        tpu.wait_indirect_dma semaphore(%dma_wait3A_220 : memref<!tpu.dma_semaphore, #tpu.memory_space<semaphore_mem>>) src(%dma_wait3A_218 : memref<10240x64xf32, #tpu.memory_space<vmem_shared>>) dst(%arg14 : memref<128x64xf32, #tpu.memory_space<vmem>>)
        %dma_start3A_221 = arith.constant 2 : i32
        %dma_start3A_222 = arith.constant 2 : i32
        %dma_start3A_223 = arith.constant 0 : i32
        %dma_start3A_224 = tpu.memref_slice %arg10[%dma_start3A_221, %dma_start3A_223] : memref<5x128xi32, #tpu.memory_space<vmem>> -> memref<1x128xi32, #tpu.memory_space<vmem>>
        %dma_start3A_225 = tpu.memref_squeeze %dma_start3A_224 : memref<1x128xi32, #tpu.memory_space<vmem>> -> memref<128xi32, #tpu.memory_space<vmem>>
        %dma_start3A_226 = arith.constant 0 : i32
        %dma_start3A_227 = arith.constant 0 : i32
        %dma_start3A_228 = tpu.memref_slice %arg18[%dma_start3A_226, %dma_start3A_227] : memref<10240x64xf32, #tpu.memory_space<vmem_shared>> -> memref<10240x64xf32, #tpu.memory_space<vmem_shared>>
        %dma_start3A_229 = tpu.memref_slice %arg20[%dma_start3A_222] : memref<5x!tpu.dma_semaphore, #tpu.memory_space<semaphore_mem>> -> memref<1x!tpu.dma_semaphore, #tpu.memory_space<semaphore_mem>>
        %dma_start3A_230 = tpu.memref_squeeze %dma_start3A_229 : memref<1x!tpu.dma_semaphore, #tpu.memory_space<semaphore_mem>> -> memref<!tpu.dma_semaphore, #tpu.memory_space<semaphore_mem>>
        tpu.enqueue_indirect_dma source(%arg14 : memref<128x64xf32, #tpu.memory_space<vmem>>) target(%dma_start3A_228 : memref<10240x64xf32, #tpu.memory_space<vmem_shared>>) offsets(%dma_start3A_225 : memref<128xi32, #tpu.memory_space<vmem>>) semaphore(%dma_start3A_230 : memref<!tpu.dma_semaphore, #tpu.memory_space<semaphore_mem>>) {add = true}
        %dma_wait3A_231 = arith.constant 3 : i32
        %dma_wait3A_232 = arith.constant 3 : i32
        %dma_wait3A_233 = arith.constant 0 : i32
        %dma_wait3A_234 = tpu.memref_slice %arg8[%dma_wait3A_231, %dma_wait3A_233] : memref<5x128xi32, #tpu.memory_space<vmem>> -> memref<1x128xi32, #tpu.memory_space<vmem>>
        %dma_wait3A_235 = tpu.memref_squeeze %dma_wait3A_234 : memref<1x128xi32, #tpu.memory_space<vmem>> -> memref<128xi32, #tpu.memory_space<vmem>>
        %dma_wait3A_236 = arith.constant 0 : i32
        %dma_wait3A_237 = arith.constant 0 : i32
        %dma_wait3A_238 = tpu.memref_slice %arg17[%dma_wait3A_236, %dma_wait3A_237] : memref<10240x64xf32, #tpu.memory_space<vmem_shared>> -> memref<10240x64xf32, #tpu.memory_space<vmem_shared>>
        %dma_wait3A_239 = tpu.memref_slice %arg19[%dma_wait3A_232] : memref<5x!tpu.dma_semaphore, #tpu.memory_space<semaphore_mem>> -> memref<1x!tpu.dma_semaphore, #tpu.memory_space<semaphore_mem>>
        %dma_wait3A_240 = tpu.memref_squeeze %dma_wait3A_239 : memref<1x!tpu.dma_semaphore, #tpu.memory_space<semaphore_mem>> -> memref<!tpu.dma_semaphore, #tpu.memory_space<semaphore_mem>>
        tpu.wait_indirect_dma semaphore(%dma_wait3A_240 : memref<!tpu.dma_semaphore, #tpu.memory_space<semaphore_mem>>) src(%dma_wait3A_238 : memref<10240x64xf32, #tpu.memory_space<vmem_shared>>) dst(%arg15 : memref<128x64xf32, #tpu.memory_space<vmem>>)
        %dma_start3A_241 = arith.constant 3 : i32
        %dma_start3A_242 = arith.constant 3 : i32
        %dma_start3A_243 = arith.constant 0 : i32
        %dma_start3A_244 = tpu.memref_slice %arg10[%dma_start3A_241, %dma_start3A_243] : memref<5x128xi32, #tpu.memory_space<vmem>> -> memref<1x128xi32, #tpu.memory_space<vmem>>
        %dma_start3A_245 = tpu.memref_squeeze %dma_start3A_244 : memref<1x128xi32, #tpu.memory_space<vmem>> -> memref<128xi32, #tpu.memory_space<vmem>>
        %dma_start3A_246 = arith.constant 0 : i32
        %dma_start3A_247 = arith.constant 0 : i32
        %dma_start3A_248 = tpu.memref_slice %arg18[%dma_start3A_246, %dma_start3A_247] : memref<10240x64xf32, #tpu.memory_space<vmem_shared>> -> memref<10240x64xf32, #tpu.memory_space<vmem_shared>>
        %dma_start3A_249 = tpu.memref_slice %arg20[%dma_start3A_242] : memref<5x!tpu.dma_semaphore, #tpu.memory_space<semaphore_mem>> -> memref<1x!tpu.dma_semaphore, #tpu.memory_space<semaphore_mem>>
        %dma_start3A_250 = tpu.memref_squeeze %dma_start3A_249 : memref<1x!tpu.dma_semaphore, #tpu.memory_space<semaphore_mem>> -> memref<!tpu.dma_semaphore, #tpu.memory_space<semaphore_mem>>
        tpu.enqueue_indirect_dma source(%arg15 : memref<128x64xf32, #tpu.memory_space<vmem>>) target(%dma_start3A_248 : memref<10240x64xf32, #tpu.memory_space<vmem_shared>>) offsets(%dma_start3A_245 : memref<128xi32, #tpu.memory_space<vmem>>) semaphore(%dma_start3A_250 : memref<!tpu.dma_semaphore, #tpu.memory_space<semaphore_mem>>) {add = true}
        %dma_wait3A_251 = arith.constant 4 : i32
        %dma_wait3A_252 = arith.constant 4 : i32
        %dma_wait3A_253 = arith.constant 0 : i32
        %dma_wait3A_254 = tpu.memref_slice %arg8[%dma_wait3A_251, %dma_wait3A_253] : memref<5x128xi32, #tpu.memory_space<vmem>> -> memref<1x128xi32, #tpu.memory_space<vmem>>
        %dma_wait3A_255 = tpu.memref_squeeze %dma_wait3A_254 : memref<1x128xi32, #tpu.memory_space<vmem>> -> memref<128xi32, #tpu.memory_space<vmem>>
        %dma_wait3A_256 = arith.constant 0 : i32
        %dma_wait3A_257 = arith.constant 0 : i32
        %dma_wait3A_258 = tpu.memref_slice %arg17[%dma_wait3A_256, %dma_wait3A_257] : memref<10240x64xf32, #tpu.memory_space<vmem_shared>> -> memref<10240x64xf32, #tpu.memory_space<vmem_shared>>
        %dma_wait3A_259 = tpu.memref_slice %arg19[%dma_wait3A_252] : memref<5x!tpu.dma_semaphore, #tpu.memory_space<semaphore_mem>> -> memref<1x!tpu.dma_semaphore, #tpu.memory_space<semaphore_mem>>
        %dma_wait3A_260 = tpu.memref_squeeze %dma_wait3A_259 : memref<1x!tpu.dma_semaphore, #tpu.memory_space<semaphore_mem>> -> memref<!tpu.dma_semaphore, #tpu.memory_space<semaphore_mem>>
        tpu.wait_indirect_dma semaphore(%dma_wait3A_260 : memref<!tpu.dma_semaphore, #tpu.memory_space<semaphore_mem>>) src(%dma_wait3A_258 : memref<10240x64xf32, #tpu.memory_space<vmem_shared>>) dst(%arg16 : memref<128x64xf32, #tpu.memory_space<vmem>>)
        %dma_start3A_261 = arith.constant 4 : i32
        %dma_start3A_262 = arith.constant 4 : i32
        %dma_start3A_263 = arith.constant 0 : i32
        %dma_start3A_264 = tpu.memref_slice %arg10[%dma_start3A_261, %dma_start3A_263] : memref<5x128xi32, #tpu.memory_space<vmem>> -> memref<1x128xi32, #tpu.memory_space<vmem>>
        %dma_start3A_265 = tpu.memref_squeeze %dma_start3A_264 : memref<1x128xi32, #tpu.memory_space<vmem>> -> memref<128xi32, #tpu.memory_space<vmem>>
        %dma_start3A_266 = arith.constant 0 : i32
        %dma_start3A_267 = arith.constant 0 : i32
        %dma_start3A_268 = tpu.memref_slice %arg18[%dma_start3A_266, %dma_start3A_267] : memref<10240x64xf32, #tpu.memory_space<vmem_shared>> -> memref<10240x64xf32, #tpu.memory_space<vmem_shared>>
        %dma_start3A_269 = tpu.memref_slice %arg20[%dma_start3A_262] : memref<5x!tpu.dma_semaphore, #tpu.memory_space<semaphore_mem>> -> memref<1x!tpu.dma_semaphore, #tpu.memory_space<semaphore_mem>>
        %dma_start3A_270 = tpu.memref_squeeze %dma_start3A_269 : memref<1x!tpu.dma_semaphore, #tpu.memory_space<semaphore_mem>> -> memref<!tpu.dma_semaphore, #tpu.memory_space<semaphore_mem>>
        tpu.enqueue_indirect_dma source(%arg16 : memref<128x64xf32, #tpu.memory_space<vmem>>) target(%dma_start3A_268 : memref<10240x64xf32, #tpu.memory_space<vmem_shared>>) offsets(%dma_start3A_265 : memref<128xi32, #tpu.memory_space<vmem>>) semaphore(%dma_start3A_270 : memref<!tpu.dma_semaphore, #tpu.memory_space<semaphore_mem>>) {add = true}
        %dma_wait3A_271 = arith.constant 0 : i32
        %dma_wait3A_272 = arith.constant 0 : i32
        %dma_wait3A_273 = arith.constant 0 : i32
        %dma_wait3A_274 = tpu.memref_slice %arg10[%dma_wait3A_271, %dma_wait3A_273] : memref<5x128xi32, #tpu.memory_space<vmem>> -> memref<1x128xi32, #tpu.memory_space<vmem>>
        %dma_wait3A_275 = tpu.memref_squeeze %dma_wait3A_274 : memref<1x128xi32, #tpu.memory_space<vmem>> -> memref<128xi32, #tpu.memory_space<vmem>>
        %dma_wait3A_276 = arith.constant 0 : i32
        %dma_wait3A_277 = arith.constant 0 : i32
        %dma_wait3A_278 = tpu.memref_slice %arg18[%dma_wait3A_276, %dma_wait3A_277] : memref<10240x64xf32, #tpu.memory_space<vmem_shared>> -> memref<10240x64xf32, #tpu.memory_space<vmem_shared>>
        %dma_wait3A_279 = tpu.memref_slice %arg20[%dma_wait3A_272] : memref<5x!tpu.dma_semaphore, #tpu.memory_space<semaphore_mem>> -> memref<1x!tpu.dma_semaphore, #tpu.memory_space<semaphore_mem>>
        %dma_wait3A_280 = tpu.memref_squeeze %dma_wait3A_279 : memref<1x!tpu.dma_semaphore, #tpu.memory_space<semaphore_mem>> -> memref<!tpu.dma_semaphore, #tpu.memory_space<semaphore_mem>>
        tpu.wait_indirect_dma semaphore(%dma_wait3A_280 : memref<!tpu.dma_semaphore, #tpu.memory_space<semaphore_mem>>) src(%arg12 : memref<128x64xf32, #tpu.memory_space<vmem>>) dst(%dma_wait3A_278 : memref<10240x64xf32, #tpu.memory_space<vmem_shared>>)
        %dma_wait3A_281 = arith.constant 1 : i32
        %dma_wait3A_282 = arith.constant 1 : i32
        %dma_wait3A_283 = arith.constant 0 : i32
        %dma_wait3A_284 = tpu.memref_slice %arg10[%dma_wait3A_281, %dma_wait3A_283] : memref<5x128xi32, #tpu.memory_space<vmem>> -> memref<1x128xi32, #tpu.memory_space<vmem>>
        %dma_wait3A_285 = tpu.memref_squeeze %dma_wait3A_284 : memref<1x128xi32, #tpu.memory_space<vmem>> -> memref<128xi32, #tpu.memory_space<vmem>>
        %dma_wait3A_286 = arith.constant 0 : i32
        %dma_wait3A_287 = arith.constant 0 : i32
        %dma_wait3A_288 = tpu.memref_slice %arg18[%dma_wait3A_286, %dma_wait3A_287] : memref<10240x64xf32, #tpu.memory_space<vmem_shared>> -> memref<10240x64xf32, #tpu.memory_space<vmem_shared>>
        %dma_wait3A_289 = tpu.memref_slice %arg20[%dma_wait3A_282] : memref<5x!tpu.dma_semaphore, #tpu.memory_space<semaphore_mem>> -> memref<1x!tpu.dma_semaphore, #tpu.memory_space<semaphore_mem>>
        %dma_wait3A_290 = tpu.memref_squeeze %dma_wait3A_289 : memref<1x!tpu.dma_semaphore, #tpu.memory_space<semaphore_mem>> -> memref<!tpu.dma_semaphore, #tpu.memory_space<semaphore_mem>>
        tpu.wait_indirect_dma semaphore(%dma_wait3A_290 : memref<!tpu.dma_semaphore, #tpu.memory_space<semaphore_mem>>) src(%arg13 : memref<128x64xf32, #tpu.memory_space<vmem>>) dst(%dma_wait3A_288 : memref<10240x64xf32, #tpu.memory_space<vmem_shared>>)
        %dma_wait3A_291 = arith.constant 2 : i32
        %dma_wait3A_292 = arith.constant 2 : i32
        %dma_wait3A_293 = arith.constant 0 : i32
        %dma_wait3A_294 = tpu.memref_slice %arg10[%dma_wait3A_291, %dma_wait3A_293] : memref<5x128xi32, #tpu.memory_space<vmem>> -> memref<1x128xi32, #tpu.memory_space<vmem>>
        %dma_wait3A_295 = tpu.memref_squeeze %dma_wait3A_294 : memref<1x128xi32, #tpu.memory_space<vmem>> -> memref<128xi32, #tpu.memory_space<vmem>>
        %dma_wait3A_296 = arith.constant 0 : i32
        %dma_wait3A_297 = arith.constant 0 : i32
        %dma_wait3A_298 = tpu.memref_slice %arg18[%dma_wait3A_296, %dma_wait3A_297] : memref<10240x64xf32, #tpu.memory_space<vmem_shared>> -> memref<10240x64xf32, #tpu.memory_space<vmem_shared>>
        %dma_wait3A_299 = tpu.memref_slice %arg20[%dma_wait3A_292] : memref<5x!tpu.dma_semaphore, #tpu.memory_space<semaphore_mem>> -> memref<1x!tpu.dma_semaphore, #tpu.memory_space<semaphore_mem>>
        %dma_wait3A_300 = tpu.memref_squeeze %dma_wait3A_299 : memref<1x!tpu.dma_semaphore, #tpu.memory_space<semaphore_mem>> -> memref<!tpu.dma_semaphore, #tpu.memory_space<semaphore_mem>>
        tpu.wait_indirect_dma semaphore(%dma_wait3A_300 : memref<!tpu.dma_semaphore, #tpu.memory_space<semaphore_mem>>) src(%arg14 : memref<128x64xf32, #tpu.memory_space<vmem>>) dst(%dma_wait3A_298 : memref<10240x64xf32, #tpu.memory_space<vmem_shared>>)
        %dma_wait3A_301 = arith.constant 3 : i32
        %dma_wait3A_302 = arith.constant 3 : i32
        %dma_wait3A_303 = arith.constant 0 : i32
        %dma_wait3A_304 = tpu.memref_slice %arg10[%dma_wait3A_301, %dma_wait3A_303] : memref<5x128xi32, #tpu.memory_space<vmem>> -> memref<1x128xi32, #tpu.memory_space<vmem>>
        %dma_wait3A_305 = tpu.memref_squeeze %dma_wait3A_304 : memref<1x128xi32, #tpu.memory_space<vmem>> -> memref<128xi32, #tpu.memory_space<vmem>>
        %dma_wait3A_306 = arith.constant 0 : i32
        %dma_wait3A_307 = arith.constant 0 : i32
        %dma_wait3A_308 = tpu.memref_slice %arg18[%dma_wait3A_306, %dma_wait3A_307] : memref<10240x64xf32, #tpu.memory_space<vmem_shared>> -> memref<10240x64xf32, #tpu.memory_space<vmem_shared>>
        %dma_wait3A_309 = tpu.memref_slice %arg20[%dma_wait3A_302] : memref<5x!tpu.dma_semaphore, #tpu.memory_space<semaphore_mem>> -> memref<1x!tpu.dma_semaphore, #tpu.memory_space<semaphore_mem>>
        %dma_wait3A_310 = tpu.memref_squeeze %dma_wait3A_309 : memref<1x!tpu.dma_semaphore, #tpu.memory_space<semaphore_mem>> -> memref<!tpu.dma_semaphore, #tpu.memory_space<semaphore_mem>>
        tpu.wait_indirect_dma semaphore(%dma_wait3A_310 : memref<!tpu.dma_semaphore, #tpu.memory_space<semaphore_mem>>) src(%arg15 : memref<128x64xf32, #tpu.memory_space<vmem>>) dst(%dma_wait3A_308 : memref<10240x64xf32, #tpu.memory_space<vmem_shared>>)
        %dma_wait3A_311 = arith.constant 4 : i32
        %dma_wait3A_312 = arith.constant 4 : i32
        %dma_wait3A_313 = arith.constant 0 : i32
        %dma_wait3A_314 = tpu.memref_slice %arg10[%dma_wait3A_311, %dma_wait3A_313] : memref<5x128xi32, #tpu.memory_space<vmem>> -> memref<1x128xi32, #tpu.memory_space<vmem>>
        %dma_wait3A_315 = tpu.memref_squeeze %dma_wait3A_314 : memref<1x128xi32, #tpu.memory_space<vmem>> -> memref<128xi32, #tpu.memory_space<vmem>>
        %dma_wait3A_316 = arith.constant 0 : i32
        %dma_wait3A_317 = arith.constant 0 : i32
        %dma_wait3A_318 = tpu.memref_slice %arg18[%dma_wait3A_316, %dma_wait3A_317] : memref<10240x64xf32, #tpu.memory_space<vmem_shared>> -> memref<10240x64xf32, #tpu.memory_space<vmem_shared>>
        %dma_wait3A_319 = tpu.memref_slice %arg20[%dma_wait3A_312] : memref<5x!tpu.dma_semaphore, #tpu.memory_space<semaphore_mem>> -> memref<1x!tpu.dma_semaphore, #tpu.memory_space<semaphore_mem>>
        %dma_wait3A_320 = tpu.memref_squeeze %dma_wait3A_319 : memref<1x!tpu.dma_semaphore, #tpu.memory_space<semaphore_mem>> -> memref<!tpu.dma_semaphore, #tpu.memory_space<semaphore_mem>>
        tpu.wait_indirect_dma semaphore(%dma_wait3A_320 : memref<!tpu.dma_semaphore, #tpu.memory_space<semaphore_mem>>) src(%arg16 : memref<128x64xf32, #tpu.memory_space<vmem>>) dst(%dma_wait3A_318 : memref<10240x64xf32, #tpu.memory_space<vmem_shared>>)
        %dma_wait3A_321 = arith.constant 0 : i32
        %dma_wait3A_322 = arith.constant 0 : i32
        %dma_wait3A_323 = tpu.memref_slice %arg5[%arg1, %add3A_102, %dma_wait3A_322] : memref<16x168x128xi32, #tpu.memory_space<hbm>> -> memref<1x5x128xi32, #tpu.memory_space<hbm>>
        %dma_wait3A_324 = tpu.memref_squeeze %dma_wait3A_323 : memref<1x5x128xi32, #tpu.memory_space<hbm>> -> memref<5x128xi32, #tpu.memory_space<hbm>>
        %dma_wait3A_325 = tpu.memref_slice %arg21[%dma_wait3A_321] : memref<4x!tpu.dma_semaphore, #tpu.memory_space<semaphore_mem>> -> memref<1x!tpu.dma_semaphore, #tpu.memory_space<semaphore_mem>>
        %dma_wait3A_326 = tpu.memref_squeeze %dma_wait3A_325 : memref<1x!tpu.dma_semaphore, #tpu.memory_space<semaphore_mem>> -> memref<!tpu.dma_semaphore, #tpu.memory_space<semaphore_mem>>
        %dma_wait3A_327 = arith.constant 0 : i32
        %dma_wait3A_328 = tpu.memref_slice %arg5[%arg1, %add3A_102, %dma_wait3A_327] : memref<16x168x128xi32, #tpu.memory_space<hbm>> -> memref<1x5x128xi32, #tpu.memory_space<hbm>>
        %dma_wait3A_329 = tpu.memref_squeeze %dma_wait3A_328 : memref<1x5x128xi32, #tpu.memory_space<hbm>> -> memref<5x128xi32, #tpu.memory_space<hbm>>
        tpu.wait_dma2 semaphore(%dma_wait3A_326 : memref<!tpu.dma_semaphore, #tpu.memory_space<semaphore_mem>>) src(%dma_wait3A_329 : memref<5x128xi32, #tpu.memory_space<hbm>>) dst(%arg9 : memref<5x128xi32, #tpu.memory_space<vmem>>)
        %dma_wait3A_330 = arith.constant 1 : i32
        %dma_wait3A_331 = arith.constant 0 : i32
        %dma_wait3A_332 = tpu.memref_slice %arg6[%arg1, %add3A_112, %dma_wait3A_331] : memref<16x168x128xi32, #tpu.memory_space<hbm>> -> memref<1x5x128xi32, #tpu.memory_space<hbm>>
        %dma_wait3A_333 = tpu.memref_squeeze %dma_wait3A_332 : memref<1x5x128xi32, #tpu.memory_space<hbm>> -> memref<5x128xi32, #tpu.memory_space<hbm>>
        %dma_wait3A_334 = tpu.memref_slice %arg21[%dma_wait3A_330] : memref<4x!tpu.dma_semaphore, #tpu.memory_space<semaphore_mem>> -> memref<1x!tpu.dma_semaphore, #tpu.memory_space<semaphore_mem>>
        %dma_wait3A_335 = tpu.memref_squeeze %dma_wait3A_334 : memref<1x!tpu.dma_semaphore, #tpu.memory_space<semaphore_mem>> -> memref<!tpu.dma_semaphore, #tpu.memory_space<semaphore_mem>>
        %dma_wait3A_336 = arith.constant 0 : i32
        %dma_wait3A_337 = tpu.memref_slice %arg6[%arg1, %add3A_112, %dma_wait3A_336] : memref<16x168x128xi32, #tpu.memory_space<hbm>> -> memref<1x5x128xi32, #tpu.memory_space<hbm>>
        %dma_wait3A_338 = tpu.memref_squeeze %dma_wait3A_337 : memref<1x5x128xi32, #tpu.memory_space<hbm>> -> memref<5x128xi32, #tpu.memory_space<hbm>>
        tpu.wait_dma2 semaphore(%dma_wait3A_335 : memref<!tpu.dma_semaphore, #tpu.memory_space<semaphore_mem>>) src(%dma_wait3A_338 : memref<5x128xi32, #tpu.memory_space<hbm>>) dst(%arg11 : memref<5x128xi32, #tpu.memory_space<vmem>>)
        %add3A_339 = arith.constant 10 : i32
        %add3A_340 = arith.addi %mul3A_100, %add3A_339 : i32
        %dma_start3A_341 = arith.constant 2 : i32
        %dma_start3A_342 = arith.constant 0 : i32
        %dma_start3A_343 = tpu.memref_slice %arg5[%arg1, %add3A_340, %dma_start3A_342] : memref<16x168x128xi32, #tpu.memory_space<hbm>> -> memref<1x5x128xi32, #tpu.memory_space<hbm>>
        %dma_start3A_344 = tpu.memref_squeeze %dma_start3A_343 : memref<1x5x128xi32, #tpu.memory_space<hbm>> -> memref<5x128xi32, #tpu.memory_space<hbm>>
        %dma_start3A_345 = tpu.memref_slice %arg21[%dma_start3A_341] : memref<4x!tpu.dma_semaphore, #tpu.memory_space<semaphore_mem>> -> memref<1x!tpu.dma_semaphore, #tpu.memory_space<semaphore_mem>>
        %dma_start3A_346 = tpu.memref_squeeze %dma_start3A_345 : memref<1x!tpu.dma_semaphore, #tpu.memory_space<semaphore_mem>> -> memref<!tpu.dma_semaphore, #tpu.memory_space<semaphore_mem>>
        %dma_start3A_347 = arith.constant 0 : i32
        %dma_start3A_348 = tpu.memref_slice %arg5[%arg1, %add3A_340, %dma_start3A_347] : memref<16x168x128xi32, #tpu.memory_space<hbm>> -> memref<1x5x128xi32, #tpu.memory_space<hbm>>
        %dma_start3A_349 = tpu.memref_squeeze %dma_start3A_348 : memref<1x5x128xi32, #tpu.memory_space<hbm>> -> memref<5x128xi32, #tpu.memory_space<hbm>>
        tpu.enqueue_dma source(%dma_start3A_349 : memref<5x128xi32, #tpu.memory_space<hbm>>) target(%arg8 : memref<5x128xi32, #tpu.memory_space<vmem>>) target_semaphore(%dma_start3A_346 : memref<!tpu.dma_semaphore, #tpu.memory_space<semaphore_mem>>)
        %add3A_350 = arith.constant 10 : i32
        %add3A_351 = arith.addi %mul3A_100, %add3A_350 : i32
        %dma_start3A_352 = arith.constant 3 : i32
        %dma_start3A_353 = arith.constant 0 : i32
        %dma_start3A_354 = tpu.memref_slice %arg6[%arg1, %add3A_351, %dma_start3A_353] : memref<16x168x128xi32, #tpu.memory_space<hbm>> -> memref<1x5x128xi32, #tpu.memory_space<hbm>>
        %dma_start3A_355 = tpu.memref_squeeze %dma_start3A_354 : memref<1x5x128xi32, #tpu.memory_space<hbm>> -> memref<5x128xi32, #tpu.memory_space<hbm>>
        %dma_start3A_356 = tpu.memref_slice %arg21[%dma_start3A_352] : memref<4x!tpu.dma_semaphore, #tpu.memory_space<semaphore_mem>> -> memref<1x!tpu.dma_semaphore, #tpu.memory_space<semaphore_mem>>
        %dma_start3A_357 = tpu.memref_squeeze %dma_start3A_356 : memref<1x!tpu.dma_semaphore, #tpu.memory_space<semaphore_mem>> -> memref<!tpu.dma_semaphore, #tpu.memory_space<semaphore_mem>>
        %dma_start3A_358 = arith.constant 0 : i32
        %dma_start3A_359 = tpu.memref_slice %arg6[%arg1, %add3A_351, %dma_start3A_358] : memref<16x168x128xi32, #tpu.memory_space<hbm>> -> memref<1x5x128xi32, #tpu.memory_space<hbm>>
        %dma_start3A_360 = tpu.memref_squeeze %dma_start3A_359 : memref<1x5x128xi32, #tpu.memory_space<hbm>> -> memref<5x128xi32, #tpu.memory_space<hbm>>
        tpu.enqueue_dma source(%dma_start3A_360 : memref<5x128xi32, #tpu.memory_space<hbm>>) target(%arg10 : memref<5x128xi32, #tpu.memory_space<vmem>>) target_semaphore(%dma_start3A_357 : memref<!tpu.dma_semaphore, #tpu.memory_space<semaphore_mem>>)
        %dma_start3A_361 = arith.constant 0 : i32
        %dma_start3A_362 = arith.constant 0 : i32
        %dma_start3A_363 = arith.constant 0 : i32
        %dma_start3A_364 = tpu.memref_slice %arg9[%dma_start3A_361, %dma_start3A_363] : memref<5x128xi32, #tpu.memory_space<vmem>> -> memref<1x128xi32, #tpu.memory_space<vmem>>
        %dma_start3A_365 = tpu.memref_squeeze %dma_start3A_364 : memref<1x128xi32, #tpu.memory_space<vmem>> -> memref<128xi32, #tpu.memory_space<vmem>>
        %dma_start3A_366 = arith.constant 0 : i32
        %dma_start3A_367 = arith.constant 0 : i32
        %dma_start3A_368 = tpu.memref_slice %arg17[%dma_start3A_366, %dma_start3A_367] : memref<10240x64xf32, #tpu.memory_space<vmem_shared>> -> memref<10240x64xf32, #tpu.memory_space<vmem_shared>>
        %dma_start3A_369 = tpu.memref_slice %arg19[%dma_start3A_362] : memref<5x!tpu.dma_semaphore, #tpu.memory_space<semaphore_mem>> -> memref<1x!tpu.dma_semaphore, #tpu.memory_space<semaphore_mem>>
        %dma_start3A_370 = tpu.memref_squeeze %dma_start3A_369 : memref<1x!tpu.dma_semaphore, #tpu.memory_space<semaphore_mem>> -> memref<!tpu.dma_semaphore, #tpu.memory_space<semaphore_mem>>
        tpu.enqueue_indirect_dma source(%dma_start3A_368 : memref<10240x64xf32, #tpu.memory_space<vmem_shared>>) target(%arg12 : memref<128x64xf32, #tpu.memory_space<vmem>>) offsets(%dma_start3A_365 : memref<128xi32, #tpu.memory_space<vmem>>) semaphore(%dma_start3A_370 : memref<!tpu.dma_semaphore, #tpu.memory_space<semaphore_mem>>)
        %dma_start3A_371 = arith.constant 1 : i32
        %dma_start3A_372 = arith.constant 1 : i32
        %dma_start3A_373 = arith.constant 0 : i32
        %dma_start3A_374 = tpu.memref_slice %arg9[%dma_start3A_371, %dma_start3A_373] : memref<5x128xi32, #tpu.memory_space<vmem>> -> memref<1x128xi32, #tpu.memory_space<vmem>>
        %dma_start3A_375 = tpu.memref_squeeze %dma_start3A_374 : memref<1x128xi32, #tpu.memory_space<vmem>> -> memref<128xi32, #tpu.memory_space<vmem>>
        %dma_start3A_376 = arith.constant 0 : i32
        %dma_start3A_377 = arith.constant 0 : i32
        %dma_start3A_378 = tpu.memref_slice %arg17[%dma_start3A_376, %dma_start3A_377] : memref<10240x64xf32, #tpu.memory_space<vmem_shared>> -> memref<10240x64xf32, #tpu.memory_space<vmem_shared>>
        %dma_start3A_379 = tpu.memref_slice %arg19[%dma_start3A_372] : memref<5x!tpu.dma_semaphore, #tpu.memory_space<semaphore_mem>> -> memref<1x!tpu.dma_semaphore, #tpu.memory_space<semaphore_mem>>
        %dma_start3A_380 = tpu.memref_squeeze %dma_start3A_379 : memref<1x!tpu.dma_semaphore, #tpu.memory_space<semaphore_mem>> -> memref<!tpu.dma_semaphore, #tpu.memory_space<semaphore_mem>>
        tpu.enqueue_indirect_dma source(%dma_start3A_378 : memref<10240x64xf32, #tpu.memory_space<vmem_shared>>) target(%arg13 : memref<128x64xf32, #tpu.memory_space<vmem>>) offsets(%dma_start3A_375 : memref<128xi32, #tpu.memory_space<vmem>>) semaphore(%dma_start3A_380 : memref<!tpu.dma_semaphore, #tpu.memory_space<semaphore_mem>>)
        %dma_start3A_381 = arith.constant 2 : i32
        %dma_start3A_382 = arith.constant 2 : i32
        %dma_start3A_383 = arith.constant 0 : i32
        %dma_start3A_384 = tpu.memref_slice %arg9[%dma_start3A_381, %dma_start3A_383] : memref<5x128xi32, #tpu.memory_space<vmem>> -> memref<1x128xi32, #tpu.memory_space<vmem>>
        %dma_start3A_385 = tpu.memref_squeeze %dma_start3A_384 : memref<1x128xi32, #tpu.memory_space<vmem>> -> memref<128xi32, #tpu.memory_space<vmem>>
        %dma_start3A_386 = arith.constant 0 : i32
        %dma_start3A_387 = arith.constant 0 : i32
        %dma_start3A_388 = tpu.memref_slice %arg17[%dma_start3A_386, %dma_start3A_387] : memref<10240x64xf32, #tpu.memory_space<vmem_shared>> -> memref<10240x64xf32, #tpu.memory_space<vmem_shared>>
        %dma_start3A_389 = tpu.memref_slice %arg19[%dma_start3A_382] : memref<5x!tpu.dma_semaphore, #tpu.memory_space<semaphore_mem>> -> memref<1x!tpu.dma_semaphore, #tpu.memory_space<semaphore_mem>>
        %dma_start3A_390 = tpu.memref_squeeze %dma_start3A_389 : memref<1x!tpu.dma_semaphore, #tpu.memory_space<semaphore_mem>> -> memref<!tpu.dma_semaphore, #tpu.memory_space<semaphore_mem>>
        tpu.enqueue_indirect_dma source(%dma_start3A_388 : memref<10240x64xf32, #tpu.memory_space<vmem_shared>>) target(%arg14 : memref<128x64xf32, #tpu.memory_space<vmem>>) offsets(%dma_start3A_385 : memref<128xi32, #tpu.memory_space<vmem>>) semaphore(%dma_start3A_390 : memref<!tpu.dma_semaphore, #tpu.memory_space<semaphore_mem>>)
        %dma_start3A_391 = arith.constant 3 : i32
        %dma_start3A_392 = arith.constant 3 : i32
        %dma_start3A_393 = arith.constant 0 : i32
        %dma_start3A_394 = tpu.memref_slice %arg9[%dma_start3A_391, %dma_start3A_393] : memref<5x128xi32, #tpu.memory_space<vmem>> -> memref<1x128xi32, #tpu.memory_space<vmem>>
        %dma_start3A_395 = tpu.memref_squeeze %dma_start3A_394 : memref<1x128xi32, #tpu.memory_space<vmem>> -> memref<128xi32, #tpu.memory_space<vmem>>
        %dma_start3A_396 = arith.constant 0 : i32
        %dma_start3A_397 = arith.constant 0 : i32
        %dma_start3A_398 = tpu.memref_slice %arg17[%dma_start3A_396, %dma_start3A_397] : memref<10240x64xf32, #tpu.memory_space<vmem_shared>> -> memref<10240x64xf32, #tpu.memory_space<vmem_shared>>
        %dma_start3A_399 = tpu.memref_slice %arg19[%dma_start3A_392] : memref<5x!tpu.dma_semaphore, #tpu.memory_space<semaphore_mem>> -> memref<1x!tpu.dma_semaphore, #tpu.memory_space<semaphore_mem>>
        %dma_start3A_400 = tpu.memref_squeeze %dma_start3A_399 : memref<1x!tpu.dma_semaphore, #tpu.memory_space<semaphore_mem>> -> memref<!tpu.dma_semaphore, #tpu.memory_space<semaphore_mem>>
        tpu.enqueue_indirect_dma source(%dma_start3A_398 : memref<10240x64xf32, #tpu.memory_space<vmem_shared>>) target(%arg15 : memref<128x64xf32, #tpu.memory_space<vmem>>) offsets(%dma_start3A_395 : memref<128xi32, #tpu.memory_space<vmem>>) semaphore(%dma_start3A_400 : memref<!tpu.dma_semaphore, #tpu.memory_space<semaphore_mem>>)
        %dma_start3A_401 = arith.constant 4 : i32
        %dma_start3A_402 = arith.constant 4 : i32
        %dma_start3A_403 = arith.constant 0 : i32
        %dma_start3A_404 = tpu.memref_slice %arg9[%dma_start3A_401, %dma_start3A_403] : memref<5x128xi32, #tpu.memory_space<vmem>> -> memref<1x128xi32, #tpu.memory_space<vmem>>
        %dma_start3A_405 = tpu.memref_squeeze %dma_start3A_404 : memref<1x128xi32, #tpu.memory_space<vmem>> -> memref<128xi32, #tpu.memory_space<vmem>>
        %dma_start3A_406 = arith.constant 0 : i32
        %dma_start3A_407 = arith.constant 0 : i32
        %dma_start3A_408 = tpu.memref_slice %arg17[%dma_start3A_406, %dma_start3A_407] : memref<10240x64xf32, #tpu.memory_space<vmem_shared>> -> memref<10240x64xf32, #tpu.memory_space<vmem_shared>>
        %dma_start3A_409 = tpu.memref_slice %arg19[%dma_start3A_402] : memref<5x!tpu.dma_semaphore, #tpu.memory_space<semaphore_mem>> -> memref<1x!tpu.dma_semaphore, #tpu.memory_space<semaphore_mem>>
        %dma_start3A_410 = tpu.memref_squeeze %dma_start3A_409 : memref<1x!tpu.dma_semaphore, #tpu.memory_space<semaphore_mem>> -> memref<!tpu.dma_semaphore, #tpu.memory_space<semaphore_mem>>
        tpu.enqueue_indirect_dma source(%dma_start3A_408 : memref<10240x64xf32, #tpu.memory_space<vmem_shared>>) target(%arg16 : memref<128x64xf32, #tpu.memory_space<vmem>>) offsets(%dma_start3A_405 : memref<128xi32, #tpu.memory_space<vmem>>) semaphore(%dma_start3A_410 : memref<!tpu.dma_semaphore, #tpu.memory_space<semaphore_mem>>)
        %dma_wait3A_411 = arith.constant 0 : i32
        %dma_wait3A_412 = arith.constant 0 : i32
        %dma_wait3A_413 = arith.constant 0 : i32
        %dma_wait3A_414 = tpu.memref_slice %arg9[%dma_wait3A_411, %dma_wait3A_413] : memref<5x128xi32, #tpu.memory_space<vmem>> -> memref<1x128xi32, #tpu.memory_space<vmem>>
        %dma_wait3A_415 = tpu.memref_squeeze %dma_wait3A_414 : memref<1x128xi32, #tpu.memory_space<vmem>> -> memref<128xi32, #tpu.memory_space<vmem>>
        %dma_wait3A_416 = arith.constant 0 : i32
        %dma_wait3A_417 = arith.constant 0 : i32
        %dma_wait3A_418 = tpu.memref_slice %arg17[%dma_wait3A_416, %dma_wait3A_417] : memref<10240x64xf32, #tpu.memory_space<vmem_shared>> -> memref<10240x64xf32, #tpu.memory_space<vmem_shared>>
        %dma_wait3A_419 = tpu.memref_slice %arg19[%dma_wait3A_412] : memref<5x!tpu.dma_semaphore, #tpu.memory_space<semaphore_mem>> -> memref<1x!tpu.dma_semaphore, #tpu.memory_space<semaphore_mem>>
        %dma_wait3A_420 = tpu.memref_squeeze %dma_wait3A_419 : memref<1x!tpu.dma_semaphore, #tpu.memory_space<semaphore_mem>> -> memref<!tpu.dma_semaphore, #tpu.memory_space<semaphore_mem>>
        tpu.wait_indirect_dma semaphore(%dma_wait3A_420 : memref<!tpu.dma_semaphore, #tpu.memory_space<semaphore_mem>>) src(%dma_wait3A_418 : memref<10240x64xf32, #tpu.memory_space<vmem_shared>>) dst(%arg12 : memref<128x64xf32, #tpu.memory_space<vmem>>)
        %dma_start3A_421 = arith.constant 0 : i32
        %dma_start3A_422 = arith.constant 0 : i32
        %dma_start3A_423 = arith.constant 0 : i32
        %dma_start3A_424 = tpu.memref_slice %arg11[%dma_start3A_421, %dma_start3A_423] : memref<5x128xi32, #tpu.memory_space<vmem>> -> memref<1x128xi32, #tpu.memory_space<vmem>>
        %dma_start3A_425 = tpu.memref_squeeze %dma_start3A_424 : memref<1x128xi32, #tpu.memory_space<vmem>> -> memref<128xi32, #tpu.memory_space<vmem>>
        %dma_start3A_426 = arith.constant 0 : i32
        %dma_start3A_427 = arith.constant 0 : i32
        %dma_start3A_428 = tpu.memref_slice %arg18[%dma_start3A_426, %dma_start3A_427] : memref<10240x64xf32, #tpu.memory_space<vmem_shared>> -> memref<10240x64xf32, #tpu.memory_space<vmem_shared>>
        %dma_start3A_429 = tpu.memref_slice %arg20[%dma_start3A_422] : memref<5x!tpu.dma_semaphore, #tpu.memory_space<semaphore_mem>> -> memref<1x!tpu.dma_semaphore, #tpu.memory_space<semaphore_mem>>
        %dma_start3A_430 = tpu.memref_squeeze %dma_start3A_429 : memref<1x!tpu.dma_semaphore, #tpu.memory_space<semaphore_mem>> -> memref<!tpu.dma_semaphore, #tpu.memory_space<semaphore_mem>>
        tpu.enqueue_indirect_dma source(%arg12 : memref<128x64xf32, #tpu.memory_space<vmem>>) target(%dma_start3A_428 : memref<10240x64xf32, #tpu.memory_space<vmem_shared>>) offsets(%dma_start3A_425 : memref<128xi32, #tpu.memory_space<vmem>>) semaphore(%dma_start3A_430 : memref<!tpu.dma_semaphore, #tpu.memory_space<semaphore_mem>>) {add = true}
        %dma_wait3A_431 = arith.constant 1 : i32
        %dma_wait3A_432 = arith.constant 1 : i32
        %dma_wait3A_433 = arith.constant 0 : i32
        %dma_wait3A_434 = tpu.memref_slice %arg9[%dma_wait3A_431, %dma_wait3A_433] : memref<5x128xi32, #tpu.memory_space<vmem>> -> memref<1x128xi32, #tpu.memory_space<vmem>>
        %dma_wait3A_435 = tpu.memref_squeeze %dma_wait3A_434 : memref<1x128xi32, #tpu.memory_space<vmem>> -> memref<128xi32, #tpu.memory_space<vmem>>
        %dma_wait3A_436 = arith.constant 0 : i32
        %dma_wait3A_437 = arith.constant 0 : i32
        %dma_wait3A_438 = tpu.memref_slice %arg17[%dma_wait3A_436, %dma_wait3A_437] : memref<10240x64xf32, #tpu.memory_space<vmem_shared>> -> memref<10240x64xf32, #tpu.memory_space<vmem_shared>>
        %dma_wait3A_439 = tpu.memref_slice %arg19[%dma_wait3A_432] : memref<5x!tpu.dma_semaphore, #tpu.memory_space<semaphore_mem>> -> memref<1x!tpu.dma_semaphore, #tpu.memory_space<semaphore_mem>>
        %dma_wait3A_440 = tpu.memref_squeeze %dma_wait3A_439 : memref<1x!tpu.dma_semaphore, #tpu.memory_space<semaphore_mem>> -> memref<!tpu.dma_semaphore, #tpu.memory_space<semaphore_mem>>
        tpu.wait_indirect_dma semaphore(%dma_wait3A_440 : memref<!tpu.dma_semaphore, #tpu.memory_space<semaphore_mem>>) src(%dma_wait3A_438 : memref<10240x64xf32, #tpu.memory_space<vmem_shared>>) dst(%arg13 : memref<128x64xf32, #tpu.memory_space<vmem>>)
        %dma_start3A_441 = arith.constant 1 : i32
        %dma_start3A_442 = arith.constant 1 : i32
        %dma_start3A_443 = arith.constant 0 : i32
        %dma_start3A_444 = tpu.memref_slice %arg11[%dma_start3A_441, %dma_start3A_443] : memref<5x128xi32, #tpu.memory_space<vmem>> -> memref<1x128xi32, #tpu.memory_space<vmem>>
        %dma_start3A_445 = tpu.memref_squeeze %dma_start3A_444 : memref<1x128xi32, #tpu.memory_space<vmem>> -> memref<128xi32, #tpu.memory_space<vmem>>
        %dma_start3A_446 = arith.constant 0 : i32
        %dma_start3A_447 = arith.constant 0 : i32
        %dma_start3A_448 = tpu.memref_slice %arg18[%dma_start3A_446, %dma_start3A_447] : memref<10240x64xf32, #tpu.memory_space<vmem_shared>> -> memref<10240x64xf32, #tpu.memory_space<vmem_shared>>
        %dma_start3A_449 = tpu.memref_slice %arg20[%dma_start3A_442] : memref<5x!tpu.dma_semaphore, #tpu.memory_space<semaphore_mem>> -> memref<1x!tpu.dma_semaphore, #tpu.memory_space<semaphore_mem>>
        %dma_start3A_450 = tpu.memref_squeeze %dma_start3A_449 : memref<1x!tpu.dma_semaphore, #tpu.memory_space<semaphore_mem>> -> memref<!tpu.dma_semaphore, #tpu.memory_space<semaphore_mem>>
        tpu.enqueue_indirect_dma source(%arg13 : memref<128x64xf32, #tpu.memory_space<vmem>>) target(%dma_start3A_448 : memref<10240x64xf32, #tpu.memory_space<vmem_shared>>) offsets(%dma_start3A_445 : memref<128xi32, #tpu.memory_space<vmem>>) semaphore(%dma_start3A_450 : memref<!tpu.dma_semaphore, #tpu.memory_space<semaphore_mem>>) {add = true}
        %dma_wait3A_451 = arith.constant 2 : i32
        %dma_wait3A_452 = arith.constant 2 : i32
        %dma_wait3A_453 = arith.constant 0 : i32
        %dma_wait3A_454 = tpu.memref_slice %arg9[%dma_wait3A_451, %dma_wait3A_453] : memref<5x128xi32, #tpu.memory_space<vmem>> -> memref<1x128xi32, #tpu.memory_space<vmem>>
        %dma_wait3A_455 = tpu.memref_squeeze %dma_wait3A_454 : memref<1x128xi32, #tpu.memory_space<vmem>> -> memref<128xi32, #tpu.memory_space<vmem>>
        %dma_wait3A_456 = arith.constant 0 : i32
        %dma_wait3A_457 = arith.constant 0 : i32
        %dma_wait3A_458 = tpu.memref_slice %arg17[%dma_wait3A_456, %dma_wait3A_457] : memref<10240x64xf32, #tpu.memory_space<vmem_shared>> -> memref<10240x64xf32, #tpu.memory_space<vmem_shared>>
        %dma_wait3A_459 = tpu.memref_slice %arg19[%dma_wait3A_452] : memref<5x!tpu.dma_semaphore, #tpu.memory_space<semaphore_mem>> -> memref<1x!tpu.dma_semaphore, #tpu.memory_space<semaphore_mem>>
        %dma_wait3A_460 = tpu.memref_squeeze %dma_wait3A_459 : memref<1x!tpu.dma_semaphore, #tpu.memory_space<semaphore_mem>> -> memref<!tpu.dma_semaphore, #tpu.memory_space<semaphore_mem>>
        tpu.wait_indirect_dma semaphore(%dma_wait3A_460 : memref<!tpu.dma_semaphore, #tpu.memory_space<semaphore_mem>>) src(%dma_wait3A_458 : memref<10240x64xf32, #tpu.memory_space<vmem_shared>>) dst(%arg14 : memref<128x64xf32, #tpu.memory_space<vmem>>)
        %dma_start3A_461 = arith.constant 2 : i32
        %dma_start3A_462 = arith.constant 2 : i32
        %dma_start3A_463 = arith.constant 0 : i32
        %dma_start3A_464 = tpu.memref_slice %arg11[%dma_start3A_461, %dma_start3A_463] : memref<5x128xi32, #tpu.memory_space<vmem>> -> memref<1x128xi32, #tpu.memory_space<vmem>>
        %dma_start3A_465 = tpu.memref_squeeze %dma_start3A_464 : memref<1x128xi32, #tpu.memory_space<vmem>> -> memref<128xi32, #tpu.memory_space<vmem>>
        %dma_start3A_466 = arith.constant 0 : i32
        %dma_start3A_467 = arith.constant 0 : i32
        %dma_start3A_468 = tpu.memref_slice %arg18[%dma_start3A_466, %dma_start3A_467] : memref<10240x64xf32, #tpu.memory_space<vmem_shared>> -> memref<10240x64xf32, #tpu.memory_space<vmem_shared>>
        %dma_start3A_469 = tpu.memref_slice %arg20[%dma_start3A_462] : memref<5x!tpu.dma_semaphore, #tpu.memory_space<semaphore_mem>> -> memref<1x!tpu.dma_semaphore, #tpu.memory_space<semaphore_mem>>
        %dma_start3A_470 = tpu.memref_squeeze %dma_start3A_469 : memref<1x!tpu.dma_semaphore, #tpu.memory_space<semaphore_mem>> -> memref<!tpu.dma_semaphore, #tpu.memory_space<semaphore_mem>>
        tpu.enqueue_indirect_dma source(%arg14 : memref<128x64xf32, #tpu.memory_space<vmem>>) target(%dma_start3A_468 : memref<10240x64xf32, #tpu.memory_space<vmem_shared>>) offsets(%dma_start3A_465 : memref<128xi32, #tpu.memory_space<vmem>>) semaphore(%dma_start3A_470 : memref<!tpu.dma_semaphore, #tpu.memory_space<semaphore_mem>>) {add = true}
        %dma_wait3A_471 = arith.constant 3 : i32
        %dma_wait3A_472 = arith.constant 3 : i32
        %dma_wait3A_473 = arith.constant 0 : i32
        %dma_wait3A_474 = tpu.memref_slice %arg9[%dma_wait3A_471, %dma_wait3A_473] : memref<5x128xi32, #tpu.memory_space<vmem>> -> memref<1x128xi32, #tpu.memory_space<vmem>>
        %dma_wait3A_475 = tpu.memref_squeeze %dma_wait3A_474 : memref<1x128xi32, #tpu.memory_space<vmem>> -> memref<128xi32, #tpu.memory_space<vmem>>
        %dma_wait3A_476 = arith.constant 0 : i32
        %dma_wait3A_477 = arith.constant 0 : i32
        %dma_wait3A_478 = tpu.memref_slice %arg17[%dma_wait3A_476, %dma_wait3A_477] : memref<10240x64xf32, #tpu.memory_space<vmem_shared>> -> memref<10240x64xf32, #tpu.memory_space<vmem_shared>>
        %dma_wait3A_479 = tpu.memref_slice %arg19[%dma_wait3A_472] : memref<5x!tpu.dma_semaphore, #tpu.memory_space<semaphore_mem>> -> memref<1x!tpu.dma_semaphore, #tpu.memory_space<semaphore_mem>>
        %dma_wait3A_480 = tpu.memref_squeeze %dma_wait3A_479 : memref<1x!tpu.dma_semaphore, #tpu.memory_space<semaphore_mem>> -> memref<!tpu.dma_semaphore, #tpu.memory_space<semaphore_mem>>
        tpu.wait_indirect_dma semaphore(%dma_wait3A_480 : memref<!tpu.dma_semaphore, #tpu.memory_space<semaphore_mem>>) src(%dma_wait3A_478 : memref<10240x64xf32, #tpu.memory_space<vmem_shared>>) dst(%arg15 : memref<128x64xf32, #tpu.memory_space<vmem>>)
        %dma_start3A_481 = arith.constant 3 : i32
        %dma_start3A_482 = arith.constant 3 : i32
        %dma_start3A_483 = arith.constant 0 : i32
        %dma_start3A_484 = tpu.memref_slice %arg11[%dma_start3A_481, %dma_start3A_483] : memref<5x128xi32, #tpu.memory_space<vmem>> -> memref<1x128xi32, #tpu.memory_space<vmem>>
        %dma_start3A_485 = tpu.memref_squeeze %dma_start3A_484 : memref<1x128xi32, #tpu.memory_space<vmem>> -> memref<128xi32, #tpu.memory_space<vmem>>
        %dma_start3A_486 = arith.constant 0 : i32
        %dma_start3A_487 = arith.constant 0 : i32
        %dma_start3A_488 = tpu.memref_slice %arg18[%dma_start3A_486, %dma_start3A_487] : memref<10240x64xf32, #tpu.memory_space<vmem_shared>> -> memref<10240x64xf32, #tpu.memory_space<vmem_shared>>
        %dma_start3A_489 = tpu.memref_slice %arg20[%dma_start3A_482] : memref<5x!tpu.dma_semaphore, #tpu.memory_space<semaphore_mem>> -> memref<1x!tpu.dma_semaphore, #tpu.memory_space<semaphore_mem>>
        %dma_start3A_490 = tpu.memref_squeeze %dma_start3A_489 : memref<1x!tpu.dma_semaphore, #tpu.memory_space<semaphore_mem>> -> memref<!tpu.dma_semaphore, #tpu.memory_space<semaphore_mem>>
        tpu.enqueue_indirect_dma source(%arg15 : memref<128x64xf32, #tpu.memory_space<vmem>>) target(%dma_start3A_488 : memref<10240x64xf32, #tpu.memory_space<vmem_shared>>) offsets(%dma_start3A_485 : memref<128xi32, #tpu.memory_space<vmem>>) semaphore(%dma_start3A_490 : memref<!tpu.dma_semaphore, #tpu.memory_space<semaphore_mem>>) {add = true}
        %dma_wait3A_491 = arith.constant 4 : i32
        %dma_wait3A_492 = arith.constant 4 : i32
        %dma_wait3A_493 = arith.constant 0 : i32
        %dma_wait3A_494 = tpu.memref_slice %arg9[%dma_wait3A_491, %dma_wait3A_493] : memref<5x128xi32, #tpu.memory_space<vmem>> -> memref<1x128xi32, #tpu.memory_space<vmem>>
        %dma_wait3A_495 = tpu.memref_squeeze %dma_wait3A_494 : memref<1x128xi32, #tpu.memory_space<vmem>> -> memref<128xi32, #tpu.memory_space<vmem>>
        %dma_wait3A_496 = arith.constant 0 : i32
        %dma_wait3A_497 = arith.constant 0 : i32
        %dma_wait3A_498 = tpu.memref_slice %arg17[%dma_wait3A_496, %dma_wait3A_497] : memref<10240x64xf32, #tpu.memory_space<vmem_shared>> -> memref<10240x64xf32, #tpu.memory_space<vmem_shared>>
        %dma_wait3A_499 = tpu.memref_slice %arg19[%dma_wait3A_492] : memref<5x!tpu.dma_semaphore, #tpu.memory_space<semaphore_mem>> -> memref<1x!tpu.dma_semaphore, #tpu.memory_space<semaphore_mem>>
        %dma_wait3A_500 = tpu.memref_squeeze %dma_wait3A_499 : memref<1x!tpu.dma_semaphore, #tpu.memory_space<semaphore_mem>> -> memref<!tpu.dma_semaphore, #tpu.memory_space<semaphore_mem>>
        tpu.wait_indirect_dma semaphore(%dma_wait3A_500 : memref<!tpu.dma_semaphore, #tpu.memory_space<semaphore_mem>>) src(%dma_wait3A_498 : memref<10240x64xf32, #tpu.memory_space<vmem_shared>>) dst(%arg16 : memref<128x64xf32, #tpu.memory_space<vmem>>)
        %dma_start3A_501 = arith.constant 4 : i32
        %dma_start3A_502 = arith.constant 4 : i32
        %dma_start3A_503 = arith.constant 0 : i32
        %dma_start3A_504 = tpu.memref_slice %arg11[%dma_start3A_501, %dma_start3A_503] : memref<5x128xi32, #tpu.memory_space<vmem>> -> memref<1x128xi32, #tpu.memory_space<vmem>>
        %dma_start3A_505 = tpu.memref_squeeze %dma_start3A_504 : memref<1x128xi32, #tpu.memory_space<vmem>> -> memref<128xi32, #tpu.memory_space<vmem>>
        %dma_start3A_506 = arith.constant 0 : i32
        %dma_start3A_507 = arith.constant 0 : i32
        %dma_start3A_508 = tpu.memref_slice %arg18[%dma_start3A_506, %dma_start3A_507] : memref<10240x64xf32, #tpu.memory_space<vmem_shared>> -> memref<10240x64xf32, #tpu.memory_space<vmem_shared>>
        %dma_start3A_509 = tpu.memref_slice %arg20[%dma_start3A_502] : memref<5x!tpu.dma_semaphore, #tpu.memory_space<semaphore_mem>> -> memref<1x!tpu.dma_semaphore, #tpu.memory_space<semaphore_mem>>
        %dma_start3A_510 = tpu.memref_squeeze %dma_start3A_509 : memref<1x!tpu.dma_semaphore, #tpu.memory_space<semaphore_mem>> -> memref<!tpu.dma_semaphore, #tpu.memory_space<semaphore_mem>>
        tpu.enqueue_indirect_dma source(%arg16 : memref<128x64xf32, #tpu.memory_space<vmem>>) target(%dma_start3A_508 : memref<10240x64xf32, #tpu.memory_space<vmem_shared>>) offsets(%dma_start3A_505 : memref<128xi32, #tpu.memory_space<vmem>>) semaphore(%dma_start3A_510 : memref<!tpu.dma_semaphore, #tpu.memory_space<semaphore_mem>>) {add = true}
        %dma_wait3A_511 = arith.constant 0 : i32
        %dma_wait3A_512 = arith.constant 0 : i32
        %dma_wait3A_513 = arith.constant 0 : i32
        %dma_wait3A_514 = tpu.memref_slice %arg11[%dma_wait3A_511, %dma_wait3A_513] : memref<5x128xi32, #tpu.memory_space<vmem>> -> memref<1x128xi32, #tpu.memory_space<vmem>>
        %dma_wait3A_515 = tpu.memref_squeeze %dma_wait3A_514 : memref<1x128xi32, #tpu.memory_space<vmem>> -> memref<128xi32, #tpu.memory_space<vmem>>
        %dma_wait3A_516 = arith.constant 0 : i32
        %dma_wait3A_517 = arith.constant 0 : i32
        %dma_wait3A_518 = tpu.memref_slice %arg18[%dma_wait3A_516, %dma_wait3A_517] : memref<10240x64xf32, #tpu.memory_space<vmem_shared>> -> memref<10240x64xf32, #tpu.memory_space<vmem_shared>>
        %dma_wait3A_519 = tpu.memref_slice %arg20[%dma_wait3A_512] : memref<5x!tpu.dma_semaphore, #tpu.memory_space<semaphore_mem>> -> memref<1x!tpu.dma_semaphore, #tpu.memory_space<semaphore_mem>>
        %dma_wait3A_520 = tpu.memref_squeeze %dma_wait3A_519 : memref<1x!tpu.dma_semaphore, #tpu.memory_space<semaphore_mem>> -> memref<!tpu.dma_semaphore, #tpu.memory_space<semaphore_mem>>
        tpu.wait_indirect_dma semaphore(%dma_wait3A_520 : memref<!tpu.dma_semaphore, #tpu.memory_space<semaphore_mem>>) src(%arg12 : memref<128x64xf32, #tpu.memory_space<vmem>>) dst(%dma_wait3A_518 : memref<10240x64xf32, #tpu.memory_space<vmem_shared>>)
        %dma_wait3A_521 = arith.constant 1 : i32
        %dma_wait3A_522 = arith.constant 1 : i32
        %dma_wait3A_523 = arith.constant 0 : i32
        %dma_wait3A_524 = tpu.memref_slice %arg11[%dma_wait3A_521, %dma_wait3A_523] : memref<5x128xi32, #tpu.memory_space<vmem>> -> memref<1x128xi32, #tpu.memory_space<vmem>>
        %dma_wait3A_525 = tpu.memref_squeeze %dma_wait3A_524 : memref<1x128xi32, #tpu.memory_space<vmem>> -> memref<128xi32, #tpu.memory_space<vmem>>
        %dma_wait3A_526 = arith.constant 0 : i32
        %dma_wait3A_527 = arith.constant 0 : i32
        %dma_wait3A_528 = tpu.memref_slice %arg18[%dma_wait3A_526, %dma_wait3A_527] : memref<10240x64xf32, #tpu.memory_space<vmem_shared>> -> memref<10240x64xf32, #tpu.memory_space<vmem_shared>>
        %dma_wait3A_529 = tpu.memref_slice %arg20[%dma_wait3A_522] : memref<5x!tpu.dma_semaphore, #tpu.memory_space<semaphore_mem>> -> memref<1x!tpu.dma_semaphore, #tpu.memory_space<semaphore_mem>>
        %dma_wait3A_530 = tpu.memref_squeeze %dma_wait3A_529 : memref<1x!tpu.dma_semaphore, #tpu.memory_space<semaphore_mem>> -> memref<!tpu.dma_semaphore, #tpu.memory_space<semaphore_mem>>
        tpu.wait_indirect_dma semaphore(%dma_wait3A_530 : memref<!tpu.dma_semaphore, #tpu.memory_space<semaphore_mem>>) src(%arg13 : memref<128x64xf32, #tpu.memory_space<vmem>>) dst(%dma_wait3A_528 : memref<10240x64xf32, #tpu.memory_space<vmem_shared>>)
        %dma_wait3A_531 = arith.constant 2 : i32
        %dma_wait3A_532 = arith.constant 2 : i32
        %dma_wait3A_533 = arith.constant 0 : i32
        %dma_wait3A_534 = tpu.memref_slice %arg11[%dma_wait3A_531, %dma_wait3A_533] : memref<5x128xi32, #tpu.memory_space<vmem>> -> memref<1x128xi32, #tpu.memory_space<vmem>>
        %dma_wait3A_535 = tpu.memref_squeeze %dma_wait3A_534 : memref<1x128xi32, #tpu.memory_space<vmem>> -> memref<128xi32, #tpu.memory_space<vmem>>
        %dma_wait3A_536 = arith.constant 0 : i32
        %dma_wait3A_537 = arith.constant 0 : i32
        %dma_wait3A_538 = tpu.memref_slice %arg18[%dma_wait3A_536, %dma_wait3A_537] : memref<10240x64xf32, #tpu.memory_space<vmem_shared>> -> memref<10240x64xf32, #tpu.memory_space<vmem_shared>>
        %dma_wait3A_539 = tpu.memref_slice %arg20[%dma_wait3A_532] : memref<5x!tpu.dma_semaphore, #tpu.memory_space<semaphore_mem>> -> memref<1x!tpu.dma_semaphore, #tpu.memory_space<semaphore_mem>>
        %dma_wait3A_540 = tpu.memref_squeeze %dma_wait3A_539 : memref<1x!tpu.dma_semaphore, #tpu.memory_space<semaphore_mem>> -> memref<!tpu.dma_semaphore, #tpu.memory_space<semaphore_mem>>
        tpu.wait_indirect_dma semaphore(%dma_wait3A_540 : memref<!tpu.dma_semaphore, #tpu.memory_space<semaphore_mem>>) src(%arg14 : memref<128x64xf32, #tpu.memory_space<vmem>>) dst(%dma_wait3A_538 : memref<10240x64xf32, #tpu.memory_space<vmem_shared>>)
        %dma_wait3A_541 = arith.constant 3 : i32
        %dma_wait3A_542 = arith.constant 3 : i32
        %dma_wait3A_543 = arith.constant 0 : i32
        %dma_wait3A_544 = tpu.memref_slice %arg11[%dma_wait3A_541, %dma_wait3A_543] : memref<5x128xi32, #tpu.memory_space<vmem>> -> memref<1x128xi32, #tpu.memory_space<vmem>>
        %dma_wait3A_545 = tpu.memref_squeeze %dma_wait3A_544 : memref<1x128xi32, #tpu.memory_space<vmem>> -> memref<128xi32, #tpu.memory_space<vmem>>
        %dma_wait3A_546 = arith.constant 0 : i32
        %dma_wait3A_547 = arith.constant 0 : i32
        %dma_wait3A_548 = tpu.memref_slice %arg18[%dma_wait3A_546, %dma_wait3A_547] : memref<10240x64xf32, #tpu.memory_space<vmem_shared>> -> memref<10240x64xf32, #tpu.memory_space<vmem_shared>>
        %dma_wait3A_549 = tpu.memref_slice %arg20[%dma_wait3A_542] : memref<5x!tpu.dma_semaphore, #tpu.memory_space<semaphore_mem>> -> memref<1x!tpu.dma_semaphore, #tpu.memory_space<semaphore_mem>>
        %dma_wait3A_550 = tpu.memref_squeeze %dma_wait3A_549 : memref<1x!tpu.dma_semaphore, #tpu.memory_space<semaphore_mem>> -> memref<!tpu.dma_semaphore, #tpu.memory_space<semaphore_mem>>
        tpu.wait_indirect_dma semaphore(%dma_wait3A_550 : memref<!tpu.dma_semaphore, #tpu.memory_space<semaphore_mem>>) src(%arg15 : memref<128x64xf32, #tpu.memory_space<vmem>>) dst(%dma_wait3A_548 : memref<10240x64xf32, #tpu.memory_space<vmem_shared>>)
        %dma_wait3A_551 = arith.constant 4 : i32
        %dma_wait3A_552 = arith.constant 4 : i32
        %dma_wait3A_553 = arith.constant 0 : i32
        %dma_wait3A_554 = tpu.memref_slice %arg11[%dma_wait3A_551, %dma_wait3A_553] : memref<5x128xi32, #tpu.memory_space<vmem>> -> memref<1x128xi32, #tpu.memory_space<vmem>>
        %dma_wait3A_555 = tpu.memref_squeeze %dma_wait3A_554 : memref<1x128xi32, #tpu.memory_space<vmem>> -> memref<128xi32, #tpu.memory_space<vmem>>
        %dma_wait3A_556 = arith.constant 0 : i32
        %dma_wait3A_557 = arith.constant 0 : i32
        %dma_wait3A_558 = tpu.memref_slice %arg18[%dma_wait3A_556, %dma_wait3A_557] : memref<10240x64xf32, #tpu.memory_space<vmem_shared>> -> memref<10240x64xf32, #tpu.memory_space<vmem_shared>>
        %dma_wait3A_559 = tpu.memref_slice %arg20[%dma_wait3A_552] : memref<5x!tpu.dma_semaphore, #tpu.memory_space<semaphore_mem>> -> memref<1x!tpu.dma_semaphore, #tpu.memory_space<semaphore_mem>>
        %dma_wait3A_560 = tpu.memref_squeeze %dma_wait3A_559 : memref<1x!tpu.dma_semaphore, #tpu.memory_space<semaphore_mem>> -> memref<!tpu.dma_semaphore, #tpu.memory_space<semaphore_mem>>
        tpu.wait_indirect_dma semaphore(%dma_wait3A_560 : memref<!tpu.dma_semaphore, #tpu.memory_space<semaphore_mem>>) src(%arg16 : memref<128x64xf32, #tpu.memory_space<vmem>>) dst(%dma_wait3A_558 : memref<10240x64xf32, #tpu.memory_space<vmem_shared>>)
        %dma_wait3A_561 = arith.constant 2 : i32
        %dma_wait3A_562 = arith.constant 0 : i32
        %dma_wait3A_563 = tpu.memref_slice %arg5[%arg1, %add3A_340, %dma_wait3A_562] : memref<16x168x128xi32, #tpu.memory_space<hbm>> -> memref<1x5x128xi32, #tpu.memory_space<hbm>>
        %dma_wait3A_564 = tpu.memref_squeeze %dma_wait3A_563 : memref<1x5x128xi32, #tpu.memory_space<hbm>> -> memref<5x128xi32, #tpu.memory_space<hbm>>
        %dma_wait3A_565 = tpu.memref_slice %arg21[%dma_wait3A_561] : memref<4x!tpu.dma_semaphore, #tpu.memory_space<semaphore_mem>> -> memref<1x!tpu.dma_semaphore, #tpu.memory_space<semaphore_mem>>
        %dma_wait3A_566 = tpu.memref_squeeze %dma_wait3A_565 : memref<1x!tpu.dma_semaphore, #tpu.memory_space<semaphore_mem>> -> memref<!tpu.dma_semaphore, #tpu.memory_space<semaphore_mem>>
        %dma_wait3A_567 = arith.constant 0 : i32
        %dma_wait3A_568 = tpu.memref_slice %arg5[%arg1, %add3A_340, %dma_wait3A_567] : memref<16x168x128xi32, #tpu.memory_space<hbm>> -> memref<1x5x128xi32, #tpu.memory_space<hbm>>
        %dma_wait3A_569 = tpu.memref_squeeze %dma_wait3A_568 : memref<1x5x128xi32, #tpu.memory_space<hbm>> -> memref<5x128xi32, #tpu.memory_space<hbm>>
        tpu.wait_dma2 semaphore(%dma_wait3A_566 : memref<!tpu.dma_semaphore, #tpu.memory_space<semaphore_mem>>) src(%dma_wait3A_569 : memref<5x128xi32, #tpu.memory_space<hbm>>) dst(%arg8 : memref<5x128xi32, #tpu.memory_space<vmem>>)
        %dma_wait3A_570 = arith.constant 3 : i32
        %dma_wait3A_571 = arith.constant 0 : i32
        %dma_wait3A_572 = tpu.memref_slice %arg6[%arg1, %add3A_351, %dma_wait3A_571] : memref<16x168x128xi32, #tpu.memory_space<hbm>> -> memref<1x5x128xi32, #tpu.memory_space<hbm>>
        %dma_wait3A_573 = tpu.memref_squeeze %dma_wait3A_572 : memref<1x5x128xi32, #tpu.memory_space<hbm>> -> memref<5x128xi32, #tpu.memory_space<hbm>>
        %dma_wait3A_574 = tpu.memref_slice %arg21[%dma_wait3A_570] : memref<4x!tpu.dma_semaphore, #tpu.memory_space<semaphore_mem>> -> memref<1x!tpu.dma_semaphore, #tpu.memory_space<semaphore_mem>>
        %dma_wait3A_575 = tpu.memref_squeeze %dma_wait3A_574 : memref<1x!tpu.dma_semaphore, #tpu.memory_space<semaphore_mem>> -> memref<!tpu.dma_semaphore, #tpu.memory_space<semaphore_mem>>
        %dma_wait3A_576 = arith.constant 0 : i32
        %dma_wait3A_577 = tpu.memref_slice %arg6[%arg1, %add3A_351, %dma_wait3A_576] : memref<16x168x128xi32, #tpu.memory_space<hbm>> -> memref<1x5x128xi32, #tpu.memory_space<hbm>>
        %dma_wait3A_578 = tpu.memref_squeeze %dma_wait3A_577 : memref<1x5x128xi32, #tpu.memory_space<hbm>> -> memref<5x128xi32, #tpu.memory_space<hbm>>
        tpu.wait_dma2 semaphore(%dma_wait3A_575 : memref<!tpu.dma_semaphore, #tpu.memory_space<semaphore_mem>>) src(%dma_wait3A_578 : memref<5x128xi32, #tpu.memory_space<hbm>>) dst(%arg10 : memref<5x128xi32, #tpu.memory_space<vmem>>)
        %scan3A_579 = arith.constant 0 : i32
        scf.yield %scan3A_579 : i32
      }
      %scan3A_86 = arith.constant 16 : i32
      %barrier3A_87 = arith.constant 0 : index
      tpu.barrier barrier_id(%barrier3A_87)
      %scan3A_88 = arith.constant 0 : i32
      %scan3A_89 = arith.constant 0 : i32
      %scan3A_90 = arith.constant 5 : i32
      %scan3A_91 = arith.addi %scan3A_89, %scan3A_90 : i32
      %scan3A_92 = arith.constant 1 : i32
      %scan3A_93 = scf.for %scan3A_97 = %scan3A_89 to %scan3A_91 step %scan3A_92 iter_args(%scan3A_98 = %scan3A_88) -> (i32)  : i32 {
        %mul3A_99 = arith.constant 128 : i32
        %mul3A_100 = arith.muli %scan3A_97, %mul3A_99 : i32
        %add3A_101 = arith.addi %mul3A_0, %mul3A_100 : i32
        %dma_start3A = arith.constant 0 : i32
        %dma_start3A_102 = arith.constant 0 : i32
        %dma_start3A_103 = tpu.memref_slice %arg18[%add3A_101, %dma_start3A_102] : memref<10240x64xf32, #tpu.memory_space<vmem_shared>> -> memref<128x64xf32, #tpu.memory_space<vmem_shared>>
        %dma_start3A_104 = tpu.memref_slice %arg19[%dma_start3A] : memref<5x!tpu.dma_semaphore, #tpu.memory_space<semaphore_mem>> -> memref<1x!tpu.dma_semaphore, #tpu.memory_space<semaphore_mem>>
        %dma_start3A_105 = tpu.memref_squeeze %dma_start3A_104 : memref<1x!tpu.dma_semaphore, #tpu.memory_space<semaphore_mem>> -> memref<!tpu.dma_semaphore, #tpu.memory_space<semaphore_mem>>
        %dma_start3A_106 = arith.constant 0 : i32
        %dma_start3A_107 = tpu.memref_slice %arg18[%add3A_101, %dma_start3A_106] : memref<10240x64xf32, #tpu.memory_space<vmem_shared>> -> memref<128x64xf32, #tpu.memory_space<vmem_shared>>
        tpu.enqueue_dma source(%dma_start3A_107 : memref<128x64xf32, #tpu.memory_space<vmem_shared>>) target(%arg12 : memref<128x64xf32, #tpu.memory_space<vmem>>) target_semaphore(%dma_start3A_105 : memref<!tpu.dma_semaphore, #tpu.memory_space<semaphore_mem>>)
        %add3A_108 = arith.addi %mul3A_2, %add3A_101 : i32
        %dma_start3A_109 = arith.constant 1 : i32
        %dma_start3A_110 = arith.constant 0 : i32
        %dma_start3A_111 = tpu.memref_slice %arg4[%add3A_108, %dma_start3A_110] : memref<20480x64xf32, #tpu.memory_space<hbm>> -> memref<128x64xf32, #tpu.memory_space<hbm>>
        %dma_start3A_112 = tpu.memref_slice %arg19[%dma_start3A_109] : memref<5x!tpu.dma_semaphore, #tpu.memory_space<semaphore_mem>> -> memref<1x!tpu.dma_semaphore, #tpu.memory_space<semaphore_mem>>
        %dma_start3A_113 = tpu.memref_squeeze %dma_start3A_112 : memref<1x!tpu.dma_semaphore, #tpu.memory_space<semaphore_mem>> -> memref<!tpu.dma_semaphore, #tpu.memory_space<semaphore_mem>>
        %dma_start3A_114 = arith.constant 0 : i32
        %dma_start3A_115 = tpu.memref_slice %arg4[%add3A_108, %dma_start3A_114] : memref<20480x64xf32, #tpu.memory_space<hbm>> -> memref<128x64xf32, #tpu.memory_space<hbm>>
        tpu.enqueue_dma source(%dma_start3A_115 : memref<128x64xf32, #tpu.memory_space<hbm>>) target(%arg13 : memref<128x64xf32, #tpu.memory_space<vmem>>) target_semaphore(%dma_start3A_113 : memref<!tpu.dma_semaphore, #tpu.memory_space<semaphore_mem>>)
        %add3A_116 = arith.addi %mul3A_2, %add3A_101 : i32
        %dma_start3A_117 = arith.constant 2 : i32
        %dma_start3A_118 = arith.constant 0 : i32
        %dma_start3A_119 = tpu.memref_slice %arg3[%add3A_116, %dma_start3A_118] : memref<20480x64xf32, #tpu.memory_space<hbm>> -> memref<128x64xf32, #tpu.memory_space<hbm>>
        %dma_start3A_120 = tpu.memref_slice %arg19[%dma_start3A_117] : memref<5x!tpu.dma_semaphore, #tpu.memory_space<semaphore_mem>> -> memref<1x!tpu.dma_semaphore, #tpu.memory_space<semaphore_mem>>
        %dma_start3A_121 = tpu.memref_squeeze %dma_start3A_120 : memref<1x!tpu.dma_semaphore, #tpu.memory_space<semaphore_mem>> -> memref<!tpu.dma_semaphore, #tpu.memory_space<semaphore_mem>>
        %dma_start3A_122 = arith.constant 0 : i32
        %dma_start3A_123 = tpu.memref_slice %arg3[%add3A_116, %dma_start3A_122] : memref<20480x64xf32, #tpu.memory_space<hbm>> -> memref<128x64xf32, #tpu.memory_space<hbm>>
        tpu.enqueue_dma source(%dma_start3A_123 : memref<128x64xf32, #tpu.memory_space<hbm>>) target(%arg14 : memref<128x64xf32, #tpu.memory_space<vmem>>) target_semaphore(%dma_start3A_121 : memref<!tpu.dma_semaphore, #tpu.memory_space<semaphore_mem>>)
        %dma_wait3A = arith.constant 0 : i32
        %dma_wait3A_124 = arith.constant 0 : i32
        %dma_wait3A_125 = tpu.memref_slice %arg18[%add3A_101, %dma_wait3A_124] : memref<10240x64xf32, #tpu.memory_space<vmem_shared>> -> memref<128x64xf32, #tpu.memory_space<vmem_shared>>
        %dma_wait3A_126 = tpu.memref_slice %arg19[%dma_wait3A] : memref<5x!tpu.dma_semaphore, #tpu.memory_space<semaphore_mem>> -> memref<1x!tpu.dma_semaphore, #tpu.memory_space<semaphore_mem>>
        %dma_wait3A_127 = tpu.memref_squeeze %dma_wait3A_126 : memref<1x!tpu.dma_semaphore, #tpu.memory_space<semaphore_mem>> -> memref<!tpu.dma_semaphore, #tpu.memory_space<semaphore_mem>>
        %dma_wait3A_128 = arith.constant 0 : i32
        %dma_wait3A_129 = tpu.memref_slice %arg18[%add3A_101, %dma_wait3A_128] : memref<10240x64xf32, #tpu.memory_space<vmem_shared>> -> memref<128x64xf32, #tpu.memory_space<vmem_shared>>
        tpu.wait_dma2 semaphore(%dma_wait3A_127 : memref<!tpu.dma_semaphore, #tpu.memory_space<semaphore_mem>>) src(%dma_wait3A_129 : memref<128x64xf32, #tpu.memory_space<vmem_shared>>) dst(%arg12 : memref<128x64xf32, #tpu.memory_space<vmem>>)
        %dma_wait3A_130 = arith.constant 1 : i32
        %dma_wait3A_131 = arith.constant 0 : i32
        %dma_wait3A_132 = tpu.memref_slice %arg4[%add3A_108, %dma_wait3A_131] : memref<20480x64xf32, #tpu.memory_space<hbm>> -> memref<128x64xf32, #tpu.memory_space<hbm>>
        %dma_wait3A_133 = tpu.memref_slice %arg19[%dma_wait3A_130] : memref<5x!tpu.dma_semaphore, #tpu.memory_space<semaphore_mem>> -> memref<1x!tpu.dma_semaphore, #tpu.memory_space<semaphore_mem>>
        %dma_wait3A_134 = tpu.memref_squeeze %dma_wait3A_133 : memref<1x!tpu.dma_semaphore, #tpu.memory_space<semaphore_mem>> -> memref<!tpu.dma_semaphore, #tpu.memory_space<semaphore_mem>>
        %dma_wait3A_135 = arith.constant 0 : i32
        %dma_wait3A_136 = tpu.memref_slice %arg4[%add3A_108, %dma_wait3A_135] : memref<20480x64xf32, #tpu.memory_space<hbm>> -> memref<128x64xf32, #tpu.memory_space<hbm>>
        tpu.wait_dma2 semaphore(%dma_wait3A_134 : memref<!tpu.dma_semaphore, #tpu.memory_space<semaphore_mem>>) src(%dma_wait3A_136 : memref<128x64xf32, #tpu.memory_space<hbm>>) dst(%arg13 : memref<128x64xf32, #tpu.memory_space<vmem>>)
        %dma_wait3A_137 = arith.constant 2 : i32
        %dma_wait3A_138 = arith.constant 0 : i32
        %dma_wait3A_139 = tpu.memref_slice %arg3[%add3A_116, %dma_wait3A_138] : memref<20480x64xf32, #tpu.memory_space<hbm>> -> memref<128x64xf32, #tpu.memory_space<hbm>>
        %dma_wait3A_140 = tpu.memref_slice %arg19[%dma_wait3A_137] : memref<5x!tpu.dma_semaphore, #tpu.memory_space<semaphore_mem>> -> memref<1x!tpu.dma_semaphore, #tpu.memory_space<semaphore_mem>>
        %dma_wait3A_141 = tpu.memref_squeeze %dma_wait3A_140 : memref<1x!tpu.dma_semaphore, #tpu.memory_space<semaphore_mem>> -> memref<!tpu.dma_semaphore, #tpu.memory_space<semaphore_mem>>
        %dma_wait3A_142 = arith.constant 0 : i32
        %dma_wait3A_143 = tpu.memref_slice %arg3[%add3A_116, %dma_wait3A_142] : memref<20480x64xf32, #tpu.memory_space<hbm>> -> memref<128x64xf32, #tpu.memory_space<hbm>>
        tpu.wait_dma2 semaphore(%dma_wait3A_141 : memref<!tpu.dma_semaphore, #tpu.memory_space<semaphore_mem>>) src(%dma_wait3A_143 : memref<128x64xf32, #tpu.memory_space<hbm>>) dst(%arg14 : memref<128x64xf32, #tpu.memory_space<vmem>>)
        %scan3A_144 = arith.constant 0 : i32
        %scan3A_145 = arith.constant 0 : i32
        %scan3A_146 = arith.constant 128 : i32
        %scan3A_147 = arith.addi %scan3A_145, %scan3A_146 : i32
        %scan3A_148 = arith.constant 1 : i32
        %scan3A_149 = scf.for %scan3A_180 = %scan3A_145 to %scan3A_147 step %scan3A_148 iter_args(%scan3A_181 = %scan3A_144) -> (i32)  : i32 {
          %get3A = arith.index_cast %scan3A_180 : i32 to index
          %get3A_182 = arith.constant 0 : index
          %get3A_183 = tpu.vector_load %arg12[%get3A, %get3A_182] {strides = array<i32>} : memref<128x64xf32, #tpu.memory_space<vmem>>, vector<1x16xf32>,
          %get3A_184 = vector.shape_cast %get3A_183 : vector<1x16xf32> to vector<16xf32>
          %get3A_185 = arith.index_cast %scan3A_180 : i32 to index
          %get3A_186 = arith.constant 0 : index
          %get3A_187 = tpu.vector_load %arg13[%get3A_185, %get3A_186] {strides = array<i32>} : memref<128x64xf32, #tpu.memory_space<vmem>>, vector<1x16xf32>,
          %get3A_188 = vector.shape_cast %get3A_187 : vector<1x16xf32> to vector<16xf32>
          %mul3A_189 = arith.mulf %get3A_184, %get3A_188 : vector<16xf32>
          %swap3A = arith.index_cast %scan3A_180 : i32 to index
          %swap3A_190 = arith.constant 0 : index
          %swap3A_191 = tpu.vector_load %arg15[%swap3A, %swap3A_190] {strides = array<i32>} : memref<128x64xf32, #tpu.memory_space<vmem>>, vector<1x16xf32>,
          %swap3A_192 = vector.shape_cast %swap3A_191 : vector<1x16xf32> to vector<16xf32>
          %swap3A_193 = vector.shape_cast %mul3A_189 : vector<16xf32> to vector<1x16xf32>
          tpu.vector_store %arg15[%swap3A, %swap3A_190], %swap3A_193 {strides = array<i32>} : memref<128x64xf32, #tpu.memory_space<vmem>>, vector<1x16xf32>,
          %get3A_194 = arith.index_cast %scan3A_180 : i32 to index
          %get3A_195 = arith.constant 0 : index
          %get3A_196 = tpu.vector_load %arg14[%get3A_194, %get3A_195] {strides = array<i32>} : memref<128x64xf32, #tpu.memory_space<vmem>>, vector<1x16xf32>,
          %get3A_197 = vector.shape_cast %get3A_196 : vector<1x16xf32> to vector<16xf32>
          %add3A_198 = arith.addf %mul3A_189, %get3A_197 : vector<16xf32>
          %swap3A_199 = arith.index_cast %scan3A_180 : i32 to index
          %swap3A_200 = arith.constant 0 : index
          %swap3A_201 = tpu.vector_load %arg16[%swap3A_199, %swap3A_200] {strides = array<i32>} : memref<128x64xf32, #tpu.memory_space<vmem>>, vector<1x16xf32>,
          %swap3A_202 = vector.shape_cast %swap3A_201 : vector<1x16xf32> to vector<16xf32>
          %swap3A_203 = vector.shape_cast %add3A_198 : vector<16xf32> to vector<1x16xf32>
          tpu.vector_store %arg16[%swap3A_199, %swap3A_200], %swap3A_203 {strides = array<i32>} : memref<128x64xf32, #tpu.memory_space<vmem>>, vector<1x16xf32>,
          %get3A_204 = arith.index_cast %scan3A_180 : i32 to index
          %get3A_205 = arith.constant 16 : index
          %get3A_206 = tpu.vector_load %arg12[%get3A_204, %get3A_205] {strides = array<i32>} : memref<128x64xf32, #tpu.memory_space<vmem>>, vector<1x16xf32>,
          %get3A_207 = vector.shape_cast %get3A_206 : vector<1x16xf32> to vector<16xf32>
          %get3A_208 = arith.index_cast %scan3A_180 : i32 to index
          %get3A_209 = arith.constant 16 : index
          %get3A_210 = tpu.vector_load %arg13[%get3A_208, %get3A_209] {strides = array<i32>} : memref<128x64xf32, #tpu.memory_space<vmem>>, vector<1x16xf32>,
          %get3A_211 = vector.shape_cast %get3A_210 : vector<1x16xf32> to vector<16xf32>
          %mul3A_212 = arith.mulf %get3A_207, %get3A_211 : vector<16xf32>
          %swap3A_213 = arith.index_cast %scan3A_180 : i32 to index
          %swap3A_214 = arith.constant 16 : index
          %swap3A_215 = tpu.vector_load %arg15[%swap3A_213, %swap3A_214] {strides = array<i32>} : memref<128x64xf32, #tpu.memory_space<vmem>>, vector<1x16xf32>,
          %swap3A_216 = vector.shape_cast %swap3A_215 : vector<1x16xf32> to vector<16xf32>
          %swap3A_217 = vector.shape_cast %mul3A_212 : vector<16xf32> to vector<1x16xf32>
          tpu.vector_store %arg15[%swap3A_213, %swap3A_214], %swap3A_217 {strides = array<i32>} : memref<128x64xf32, #tpu.memory_space<vmem>>, vector<1x16xf32>,
          %get3A_218 = arith.index_cast %scan3A_180 : i32 to index
          %get3A_219 = arith.constant 16 : index
          %get3A_220 = tpu.vector_load %arg14[%get3A_218, %get3A_219] {strides = array<i32>} : memref<128x64xf32, #tpu.memory_space<vmem>>, vector<1x16xf32>,
          %get3A_221 = vector.shape_cast %get3A_220 : vector<1x16xf32> to vector<16xf32>
          %add3A_222 = arith.addf %mul3A_212, %get3A_221 : vector<16xf32>
          %swap3A_223 = arith.index_cast %scan3A_180 : i32 to index
          %swap3A_224 = arith.constant 16 : index
          %swap3A_225 = tpu.vector_load %arg16[%swap3A_223, %swap3A_224] {strides = array<i32>} : memref<128x64xf32, #tpu.memory_space<vmem>>, vector<1x16xf32>,
          %swap3A_226 = vector.shape_cast %swap3A_225 : vector<1x16xf32> to vector<16xf32>
          %swap3A_227 = vector.shape_cast %add3A_222 : vector<16xf32> to vector<1x16xf32>
          tpu.vector_store %arg16[%swap3A_223, %swap3A_224], %swap3A_227 {strides = array<i32>} : memref<128x64xf32, #tpu.memory_space<vmem>>, vector<1x16xf32>,
          %get3A_228 = arith.index_cast %scan3A_180 : i32 to index
          %get3A_229 = arith.constant 32 : index
          %get3A_230 = tpu.vector_load %arg12[%get3A_228, %get3A_229] {strides = array<i32>} : memref<128x64xf32, #tpu.memory_space<vmem>>, vector<1x16xf32>,
          %get3A_231 = vector.shape_cast %get3A_230 : vector<1x16xf32> to vector<16xf32>
          %get3A_232 = arith.index_cast %scan3A_180 : i32 to index
          %get3A_233 = arith.constant 32 : index
          %get3A_234 = tpu.vector_load %arg13[%get3A_232, %get3A_233] {strides = array<i32>} : memref<128x64xf32, #tpu.memory_space<vmem>>, vector<1x16xf32>,
          %get3A_235 = vector.shape_cast %get3A_234 : vector<1x16xf32> to vector<16xf32>
          %mul3A_236 = arith.mulf %get3A_231, %get3A_235 : vector<16xf32>
          %swap3A_237 = arith.index_cast %scan3A_180 : i32 to index
          %swap3A_238 = arith.constant 32 : index
          %swap3A_239 = tpu.vector_load %arg15[%swap3A_237, %swap3A_238] {strides = array<i32>} : memref<128x64xf32, #tpu.memory_space<vmem>>, vector<1x16xf32>,
          %swap3A_240 = vector.shape_cast %swap3A_239 : vector<1x16xf32> to vector<16xf32>
          %swap3A_241 = vector.shape_cast %mul3A_236 : vector<16xf32> to vector<1x16xf32>
          tpu.vector_store %arg15[%swap3A_237, %swap3A_238], %swap3A_241 {strides = array<i32>} : memref<128x64xf32, #tpu.memory_space<vmem>>, vector<1x16xf32>,
          %get3A_242 = arith.index_cast %scan3A_180 : i32 to index
          %get3A_243 = arith.constant 32 : index
          %get3A_244 = tpu.vector_load %arg14[%get3A_242, %get3A_243] {strides = array<i32>} : memref<128x64xf32, #tpu.memory_space<vmem>>, vector<1x16xf32>,
          %get3A_245 = vector.shape_cast %get3A_244 : vector<1x16xf32> to vector<16xf32>
          %add3A_246 = arith.addf %mul3A_236, %get3A_245 : vector<16xf32>
          %swap3A_247 = arith.index_cast %scan3A_180 : i32 to index
          %swap3A_248 = arith.constant 32 : index
          %swap3A_249 = tpu.vector_load %arg16[%swap3A_247, %swap3A_248] {strides = array<i32>} : memref<128x64xf32, #tpu.memory_space<vmem>>, vector<1x16xf32>,
          %swap3A_250 = vector.shape_cast %swap3A_249 : vector<1x16xf32> to vector<16xf32>
          %swap3A_251 = vector.shape_cast %add3A_246 : vector<16xf32> to vector<1x16xf32>
          tpu.vector_store %arg16[%swap3A_247, %swap3A_248], %swap3A_251 {strides = array<i32>} : memref<128x64xf32, #tpu.memory_space<vmem>>, vector<1x16xf32>,
          %get3A_252 = arith.index_cast %scan3A_180 : i32 to index
          %get3A_253 = arith.constant 48 : index
          %get3A_254 = tpu.vector_load %arg12[%get3A_252, %get3A_253] {strides = array<i32>} : memref<128x64xf32, #tpu.memory_space<vmem>>, vector<1x16xf32>,
          %get3A_255 = vector.shape_cast %get3A_254 : vector<1x16xf32> to vector<16xf32>
          %get3A_256 = arith.index_cast %scan3A_180 : i32 to index
          %get3A_257 = arith.constant 48 : index
          %get3A_258 = tpu.vector_load %arg13[%get3A_256, %get3A_257] {strides = array<i32>} : memref<128x64xf32, #tpu.memory_space<vmem>>, vector<1x16xf32>,
          %get3A_259 = vector.shape_cast %get3A_258 : vector<1x16xf32> to vector<16xf32>
          %mul3A_260 = arith.mulf %get3A_255, %get3A_259 : vector<16xf32>
          %swap3A_261 = arith.index_cast %scan3A_180 : i32 to index
          %swap3A_262 = arith.constant 48 : index
          %swap3A_263 = tpu.vector_load %arg15[%swap3A_261, %swap3A_262] {strides = array<i32>} : memref<128x64xf32, #tpu.memory_space<vmem>>, vector<1x16xf32>,
          %swap3A_264 = vector.shape_cast %swap3A_263 : vector<1x16xf32> to vector<16xf32>
          %swap3A_265 = vector.shape_cast %mul3A_260 : vector<16xf32> to vector<1x16xf32>
          tpu.vector_store %arg15[%swap3A_261, %swap3A_262], %swap3A_265 {strides = array<i32>} : memref<128x64xf32, #tpu.memory_space<vmem>>, vector<1x16xf32>,
          %get3A_266 = arith.index_cast %scan3A_180 : i32 to index
          %get3A_267 = arith.constant 48 : index
          %get3A_268 = tpu.vector_load %arg14[%get3A_266, %get3A_267] {strides = array<i32>} : memref<128x64xf32, #tpu.memory_space<vmem>>, vector<1x16xf32>,
          %get3A_269 = vector.shape_cast %get3A_268 : vector<1x16xf32> to vector<16xf32>
          %add3A_270 = arith.addf %mul3A_260, %get3A_269 : vector<16xf32>
          %swap3A_271 = arith.index_cast %scan3A_180 : i32 to index
          %swap3A_272 = arith.constant 48 : index
          %swap3A_273 = tpu.vector_load %arg16[%swap3A_271, %swap3A_272] {strides = array<i32>} : memref<128x64xf32, #tpu.memory_space<vmem>>, vector<1x16xf32>,
          %swap3A_274 = vector.shape_cast %swap3A_273 : vector<1x16xf32> to vector<16xf32>
          %swap3A_275 = vector.shape_cast %add3A_270 : vector<16xf32> to vector<1x16xf32>
          tpu.vector_store %arg16[%swap3A_271, %swap3A_272], %swap3A_275 {strides = array<i32>} : memref<128x64xf32, #tpu.memory_space<vmem>>, vector<1x16xf32>,
          %scan3A_276 = arith.constant 0 : i32
          scf.yield %scan3A_276 : i32
        }
        %scan3A_150 = arith.constant 128 : i32
        %dma_start3A_151 = arith.constant 0 : i32
        %dma_start3A_152 = arith.constant 0 : i32
        %dma_start3A_153 = tpu.memref_slice %arg17[%add3A_101, %dma_start3A_152] : memref<10240x64xf32, #tpu.memory_space<vmem_shared>> -> memref<128x64xf32, #tpu.memory_space<vmem_shared>>
        %dma_start3A_154 = tpu.memref_slice %arg20[%dma_start3A_151] : memref<5x!tpu.dma_semaphore, #tpu.memory_space<semaphore_mem>> -> memref<1x!tpu.dma_semaphore, #tpu.memory_space<semaphore_mem>>
        %dma_start3A_155 = tpu.memref_squeeze %dma_start3A_154 : memref<1x!tpu.dma_semaphore, #tpu.memory_space<semaphore_mem>> -> memref<!tpu.dma_semaphore, #tpu.memory_space<semaphore_mem>>
        %dma_start3A_156 = arith.constant 0 : i32
        %dma_start3A_157 = tpu.memref_slice %arg17[%add3A_101, %dma_start3A_156] : memref<10240x64xf32, #tpu.memory_space<vmem_shared>> -> memref<128x64xf32, #tpu.memory_space<vmem_shared>>
        tpu.enqueue_dma source(%arg15 : memref<128x64xf32, #tpu.memory_space<vmem>>) target(%dma_start3A_157 : memref<128x64xf32, #tpu.memory_space<vmem_shared>>) target_semaphore(%dma_start3A_155 : memref<!tpu.dma_semaphore, #tpu.memory_space<semaphore_mem>>)
        %dma_start3A_158 = arith.constant 1 : i32
        %dma_start3A_159 = arith.constant 0 : i32
        %dma_start3A_160 = tpu.memref_slice %arg18[%add3A_101, %dma_start3A_159] : memref<10240x64xf32, #tpu.memory_space<vmem_shared>> -> memref<128x64xf32, #tpu.memory_space<vmem_shared>>
        %dma_start3A_161 = tpu.memref_slice %arg20[%dma_start3A_158] : memref<5x!tpu.dma_semaphore, #tpu.memory_space<semaphore_mem>> -> memref<1x!tpu.dma_semaphore, #tpu.memory_space<semaphore_mem>>
        %dma_start3A_162 = tpu.memref_squeeze %dma_start3A_161 : memref<1x!tpu.dma_semaphore, #tpu.memory_space<semaphore_mem>> -> memref<!tpu.dma_semaphore, #tpu.memory_space<semaphore_mem>>
        %dma_start3A_163 = arith.constant 0 : i32
        %dma_start3A_164 = tpu.memref_slice %arg18[%add3A_101, %dma_start3A_163] : memref<10240x64xf32, #tpu.memory_space<vmem_shared>> -> memref<128x64xf32, #tpu.memory_space<vmem_shared>>
        tpu.enqueue_dma source(%arg16 : memref<128x64xf32, #tpu.memory_space<vmem>>) target(%dma_start3A_164 : memref<128x64xf32, #tpu.memory_space<vmem_shared>>) target_semaphore(%dma_start3A_162 : memref<!tpu.dma_semaphore, #tpu.memory_space<semaphore_mem>>)
        %dma_wait3A_165 = arith.constant 0 : i32
        %dma_wait3A_166 = arith.constant 0 : i32
        %dma_wait3A_167 = tpu.memref_slice %arg17[%add3A_101, %dma_wait3A_166] : memref<10240x64xf32, #tpu.memory_space<vmem_shared>> -> memref<128x64xf32, #tpu.memory_space<vmem_shared>>
        %dma_wait3A_168 = tpu.memref_slice %arg20[%dma_wait3A_165] : memref<5x!tpu.dma_semaphore, #tpu.memory_space<semaphore_mem>> -> memref<1x!tpu.dma_semaphore, #tpu.memory_space<semaphore_mem>>
        %dma_wait3A_169 = tpu.memref_squeeze %dma_wait3A_168 : memref<1x!tpu.dma_semaphore, #tpu.memory_space<semaphore_mem>> -> memref<!tpu.dma_semaphore, #tpu.memory_space<semaphore_mem>>
        %dma_wait3A_170 = arith.constant 0 : i32
        %dma_wait3A_171 = tpu.memref_slice %arg17[%add3A_101, %dma_wait3A_170] : memref<10240x64xf32, #tpu.memory_space<vmem_shared>> -> memref<128x64xf32, #tpu.memory_space<vmem_shared>>
        tpu.wait_dma2 semaphore(%dma_wait3A_169 : memref<!tpu.dma_semaphore, #tpu.memory_space<semaphore_mem>>) src(%arg15 : memref<128x64xf32, #tpu.memory_space<vmem>>) dst(%dma_wait3A_171 : memref<128x64xf32, #tpu.memory_space<vmem_shared>>)
        %dma_wait3A_172 = arith.constant 1 : i32
        %dma_wait3A_173 = arith.constant 0 : i32
        %dma_wait3A_174 = tpu.memref_slice %arg18[%add3A_101, %dma_wait3A_173] : memref<10240x64xf32, #tpu.memory_space<vmem_shared>> -> memref<128x64xf32, #tpu.memory_space<vmem_shared>>
        %dma_wait3A_175 = tpu.memref_slice %arg20[%dma_wait3A_172] : memref<5x!tpu.dma_semaphore, #tpu.memory_space<semaphore_mem>> -> memref<1x!tpu.dma_semaphore, #tpu.memory_space<semaphore_mem>>
        %dma_wait3A_176 = tpu.memref_squeeze %dma_wait3A_175 : memref<1x!tpu.dma_semaphore, #tpu.memory_space<semaphore_mem>> -> memref<!tpu.dma_semaphore, #tpu.memory_space<semaphore_mem>>
        %dma_wait3A_177 = arith.constant 0 : i32
        %dma_wait3A_178 = tpu.memref_slice %arg18[%add3A_101, %dma_wait3A_177] : memref<10240x64xf32, #tpu.memory_space<vmem_shared>> -> memref<128x64xf32, #tpu.memory_space<vmem_shared>>
        tpu.wait_dma2 semaphore(%dma_wait3A_176 : memref<!tpu.dma_semaphore, #tpu.memory_space<semaphore_mem>>) src(%arg16 : memref<128x64xf32, #tpu.memory_space<vmem>>) dst(%dma_wait3A_178 : memref<128x64xf32, #tpu.memory_space<vmem_shared>>)
        %scan3A_179 = arith.constant 0 : i32
        scf.yield %scan3A_179 : i32
      }
      %scan3A_94 = arith.constant 5 : i32
      %barrier3A_95 = arith.constant 0 : index
      tpu.barrier barrier_id(%barrier3A_95)
      %scan3A_96 = arith.constant 0 : i32
      scf.yield %scan3A_96 : i32
    }
    %scan3A_62 = arith.constant 50 : i32
    %add3A_63 = arith.constant 0 : i32
    %add3A_64 = arith.addi %mul3A_0, %add3A_63 : i32
    "tpu.region"() ({
      %run_scoped3A = tpu.sem_alloc : memref<!tpu.dma_semaphore, #tpu.memory_space<semaphore_mem>>
      %dma_start3A = arith.constant 0 : i32
      %dma_start3A_78 = tpu.memref_slice %arg17[%add3A_64, %dma_start3A] : memref<10240x64xf32, #tpu.memory_space<vmem_shared>> -> memref<128x64xf32, #tpu.memory_space<vmem_shared>>
      %dma_start3A_79 = arith.constant 0 : i32
      %dma_start3A_80 = tpu.memref_slice %arg17[%add3A_64, %dma_start3A_79] : memref<10240x64xf32, #tpu.memory_space<vmem_shared>> -> memref<128x64xf32, #tpu.memory_space<vmem_shared>>
      tpu.enqueue_dma source(%dma_start3A_80 : memref<128x64xf32, #tpu.memory_space<vmem_shared>>) target(%arg12 : memref<128x64xf32, #tpu.memory_space<vmem>>) target_semaphore(%run_scoped3A : memref<!tpu.dma_semaphore, #tpu.memory_space<semaphore_mem>>)
      %dma_wait3A = arith.constant 0 : i32
      %dma_wait3A_81 = tpu.memref_slice %arg17[%add3A_64, %dma_wait3A] : memref<10240x64xf32, #tpu.memory_space<vmem_shared>> -> memref<128x64xf32, #tpu.memory_space<vmem_shared>>
      %dma_wait3A_82 = arith.constant 0 : i32
      %dma_wait3A_83 = tpu.memref_slice %arg17[%add3A_64, %dma_wait3A_82] : memref<10240x64xf32, #tpu.memory_space<vmem_shared>> -> memref<128x64xf32, #tpu.memory_space<vmem_shared>>
      tpu.wait_dma2 semaphore(%run_scoped3A : memref<!tpu.dma_semaphore, #tpu.memory_space<semaphore_mem>>) src(%dma_wait3A_83 : memref<128x64xf32, #tpu.memory_space<vmem_shared>>) dst(%arg12 : memref<128x64xf32, #tpu.memory_space<vmem>>)
      tpu.yield
    }) : () -> ()
    %add3A_65 = arith.addi %mul3A_2, %add3A_64 : i32
    "tpu.region"() ({
      %run_scoped3A = tpu.sem_alloc : memref<!tpu.dma_semaphore, #tpu.memory_space<semaphore_mem>>
      %dma_start3A = arith.constant 0 : i32
      %dma_start3A_78 = tpu.memref_slice %arg7[%add3A_65, %dma_start3A] : memref<20480x64xf32, #tpu.memory_space<hbm>> -> memref<128x64xf32, #tpu.memory_space<hbm>>
      %dma_start3A_79 = arith.constant 0 : i32
      %dma_start3A_80 = tpu.memref_slice %arg7[%add3A_65, %dma_start3A_79] : memref<20480x64xf32, #tpu.memory_space<hbm>> -> memref<128x64xf32, #tpu.memory_space<hbm>>
      tpu.enqueue_dma source(%arg12 : memref<128x64xf32, #tpu.memory_space<vmem>>) target(%dma_start3A_80 : memref<128x64xf32, #tpu.memory_space<hbm>>) target_semaphore(%run_scoped3A : memref<!tpu.dma_semaphore, #tpu.memory_space<semaphore_mem>>)
      %dma_wait3A = arith.constant 0 : i32
      %dma_wait3A_81 = tpu.memref_slice %arg7[%add3A_65, %dma_wait3A] : memref<20480x64xf32, #tpu.memory_space<hbm>> -> memref<128x64xf32, #tpu.memory_space<hbm>>
      %dma_wait3A_82 = arith.constant 0 : i32
      %dma_wait3A_83 = tpu.memref_slice %arg7[%add3A_65, %dma_wait3A_82] : memref<20480x64xf32, #tpu.memory_space<hbm>> -> memref<128x64xf32, #tpu.memory_space<hbm>>
      tpu.wait_dma2 semaphore(%run_scoped3A : memref<!tpu.dma_semaphore, #tpu.memory_space<semaphore_mem>>) src(%arg12 : memref<128x64xf32, #tpu.memory_space<vmem>>) dst(%dma_wait3A_83 : memref<128x64xf32, #tpu.memory_space<hbm>>)
      tpu.yield
    }) : () -> ()
    %add3A_66 = arith.constant 128 : i32
    %add3A_67 = arith.addi %mul3A_0, %add3A_66 : i32
    "tpu.region"() ({
      %run_scoped3A = tpu.sem_alloc : memref<!tpu.dma_semaphore, #tpu.memory_space<semaphore_mem>>
      %dma_start3A = arith.constant 0 : i32
      %dma_start3A_78 = tpu.memref_slice %arg17[%add3A_67, %dma_start3A] : memref<10240x64xf32, #tpu.memory_space<vmem_shared>> -> memref<128x64xf32, #tpu.memory_space<vmem_shared>>
      %dma_start3A_79 = arith.constant 0 : i32
      %dma_start3A_80 = tpu.memref_slice %arg17[%add3A_67, %dma_start3A_79] : memref<10240x64xf32, #tpu.memory_space<vmem_shared>> -> memref<128x64xf32, #tpu.memory_space<vmem_shared>>
      tpu.enqueue_dma source(%dma_start3A_80 : memref<128x64xf32, #tpu.memory_space<vmem_shared>>) target(%arg12 : memref<128x64xf32, #tpu.memory_space<vmem>>) target_semaphore(%run_scoped3A : memref<!tpu.dma_semaphore, #tpu.memory_space<semaphore_mem>>)
      %dma_wait3A = arith.constant 0 : i32
      %dma_wait3A_81 = tpu.memref_slice %arg17[%add3A_67, %dma_wait3A] : memref<10240x64xf32, #tpu.memory_space<vmem_shared>> -> memref<128x64xf32, #tpu.memory_space<vmem_shared>>
      %dma_wait3A_82 = arith.constant 0 : i32
      %dma_wait3A_83 = tpu.memref_slice %arg17[%add3A_67, %dma_wait3A_82] : memref<10240x64xf32, #tpu.memory_space<vmem_shared>> -> memref<128x64xf32, #tpu.memory_space<vmem_shared>>
      tpu.wait_dma2 semaphore(%run_scoped3A : memref<!tpu.dma_semaphore, #tpu.memory_space<semaphore_mem>>) src(%dma_wait3A_83 : memref<128x64xf32, #tpu.memory_space<vmem_shared>>) dst(%arg12 : memref<128x64xf32, #tpu.memory_space<vmem>>)
      tpu.yield
    }) : () -> ()
    %add3A_68 = arith.addi %mul3A_2, %add3A_67 : i32
    "tpu.region"() ({
      %run_scoped3A = tpu.sem_alloc : memref<!tpu.dma_semaphore, #tpu.memory_space<semaphore_mem>>
      %dma_start3A = arith.constant 0 : i32
      %dma_start3A_78 = tpu.memref_slice %arg7[%add3A_68, %dma_start3A] : memref<20480x64xf32, #tpu.memory_space<hbm>> -> memref<128x64xf32, #tpu.memory_space<hbm>>
      %dma_start3A_79 = arith.constant 0 : i32
      %dma_start3A_80 = tpu.memref_slice %arg7[%add3A_68, %dma_start3A_79] : memref<20480x64xf32, #tpu.memory_space<hbm>> -> memref<128x64xf32, #tpu.memory_space<hbm>>
      tpu.enqueue_dma source(%arg12 : memref<128x64xf32, #tpu.memory_space<vmem>>) target(%dma_start3A_80 : memref<128x64xf32, #tpu.memory_space<hbm>>) target_semaphore(%run_scoped3A : memref<!tpu.dma_semaphore, #tpu.memory_space<semaphore_mem>>)
      %dma_wait3A = arith.constant 0 : i32
      %dma_wait3A_81 = tpu.memref_slice %arg7[%add3A_68, %dma_wait3A] : memref<20480x64xf32, #tpu.memory_space<hbm>> -> memref<128x64xf32, #tpu.memory_space<hbm>>
      %dma_wait3A_82 = arith.constant 0 : i32
      %dma_wait3A_83 = tpu.memref_slice %arg7[%add3A_68, %dma_wait3A_82] : memref<20480x64xf32, #tpu.memory_space<hbm>> -> memref<128x64xf32, #tpu.memory_space<hbm>>
      tpu.wait_dma2 semaphore(%run_scoped3A : memref<!tpu.dma_semaphore, #tpu.memory_space<semaphore_mem>>) src(%arg12 : memref<128x64xf32, #tpu.memory_space<vmem>>) dst(%dma_wait3A_83 : memref<128x64xf32, #tpu.memory_space<hbm>>)
      tpu.yield
    }) : () -> ()
    %add3A_69 = arith.constant 256 : i32
    %add3A_70 = arith.addi %mul3A_0, %add3A_69 : i32
    "tpu.region"() ({
      %run_scoped3A = tpu.sem_alloc : memref<!tpu.dma_semaphore, #tpu.memory_space<semaphore_mem>>
      %dma_start3A = arith.constant 0 : i32
      %dma_start3A_78 = tpu.memref_slice %arg17[%add3A_70, %dma_start3A] : memref<10240x64xf32, #tpu.memory_space<vmem_shared>> -> memref<128x64xf32, #tpu.memory_space<vmem_shared>>
      %dma_start3A_79 = arith.constant 0 : i32
      %dma_start3A_80 = tpu.memref_slice %arg17[%add3A_70, %dma_start3A_79] : memref<10240x64xf32, #tpu.memory_space<vmem_shared>> -> memref<128x64xf32, #tpu.memory_space<vmem_shared>>
      tpu.enqueue_dma source(%dma_start3A_80 : memref<128x64xf32, #tpu.memory_space<vmem_shared>>) target(%arg12 : memref<128x64xf32, #tpu.memory_space<vmem>>) target_semaphore(%run_scoped3A : memref<!tpu.dma_semaphore, #tpu.memory_space<semaphore_mem>>)
      %dma_wait3A = arith.constant 0 : i32
      %dma_wait3A_81 = tpu.memref_slice %arg17[%add3A_70, %dma_wait3A] : memref<10240x64xf32, #tpu.memory_space<vmem_shared>> -> memref<128x64xf32, #tpu.memory_space<vmem_shared>>
      %dma_wait3A_82 = arith.constant 0 : i32
      %dma_wait3A_83 = tpu.memref_slice %arg17[%add3A_70, %dma_wait3A_82] : memref<10240x64xf32, #tpu.memory_space<vmem_shared>> -> memref<128x64xf32, #tpu.memory_space<vmem_shared>>
      tpu.wait_dma2 semaphore(%run_scoped3A : memref<!tpu.dma_semaphore, #tpu.memory_space<semaphore_mem>>) src(%dma_wait3A_83 : memref<128x64xf32, #tpu.memory_space<vmem_shared>>) dst(%arg12 : memref<128x64xf32, #tpu.memory_space<vmem>>)
      tpu.yield
    }) : () -> ()
    %add3A_71 = arith.addi %mul3A_2, %add3A_70 : i32
    "tpu.region"() ({
      %run_scoped3A = tpu.sem_alloc : memref<!tpu.dma_semaphore, #tpu.memory_space<semaphore_mem>>
      %dma_start3A = arith.constant 0 : i32
      %dma_start3A_78 = tpu.memref_slice %arg7[%add3A_71, %dma_start3A] : memref<20480x64xf32, #tpu.memory_space<hbm>> -> memref<128x64xf32, #tpu.memory_space<hbm>>
      %dma_start3A_79 = arith.constant 0 : i32
      %dma_start3A_80 = tpu.memref_slice %arg7[%add3A_71, %dma_start3A_79] : memref<20480x64xf32, #tpu.memory_space<hbm>> -> memref<128x64xf32, #tpu.memory_space<hbm>>
      tpu.enqueue_dma source(%arg12 : memref<128x64xf32, #tpu.memory_space<vmem>>) target(%dma_start3A_80 : memref<128x64xf32, #tpu.memory_space<hbm>>) target_semaphore(%run_scoped3A : memref<!tpu.dma_semaphore, #tpu.memory_space<semaphore_mem>>)
      %dma_wait3A = arith.constant 0 : i32
      %dma_wait3A_81 = tpu.memref_slice %arg7[%add3A_71, %dma_wait3A] : memref<20480x64xf32, #tpu.memory_space<hbm>> -> memref<128x64xf32, #tpu.memory_space<hbm>>
      %dma_wait3A_82 = arith.constant 0 : i32
      %dma_wait3A_83 = tpu.memref_slice %arg7[%add3A_71, %dma_wait3A_82] : memref<20480x64xf32, #tpu.memory_space<hbm>> -> memref<128x64xf32, #tpu.memory_space<hbm>>
      tpu.wait_dma2 semaphore(%run_scoped3A : memref<!tpu.dma_semaphore, #tpu.memory_space<semaphore_mem>>) src(%arg12 : memref<128x64xf32, #tpu.memory_space<vmem>>) dst(%dma_wait3A_83 : memref<128x64xf32, #tpu.memory_space<hbm>>)
      tpu.yield
    }) : () -> ()
    %add3A_72 = arith.constant 384 : i32
    %add3A_73 = arith.addi %mul3A_0, %add3A_72 : i32
    "tpu.region"() ({
      %run_scoped3A = tpu.sem_alloc : memref<!tpu.dma_semaphore, #tpu.memory_space<semaphore_mem>>
      %dma_start3A = arith.constant 0 : i32
      %dma_start3A_78 = tpu.memref_slice %arg17[%add3A_73, %dma_start3A] : memref<10240x64xf32, #tpu.memory_space<vmem_shared>> -> memref<128x64xf32, #tpu.memory_space<vmem_shared>>
      %dma_start3A_79 = arith.constant 0 : i32
      %dma_start3A_80 = tpu.memref_slice %arg17[%add3A_73, %dma_start3A_79] : memref<10240x64xf32, #tpu.memory_space<vmem_shared>> -> memref<128x64xf32, #tpu.memory_space<vmem_shared>>
      tpu.enqueue_dma source(%dma_start3A_80 : memref<128x64xf32, #tpu.memory_space<vmem_shared>>) target(%arg12 : memref<128x64xf32, #tpu.memory_space<vmem>>) target_semaphore(%run_scoped3A : memref<!tpu.dma_semaphore, #tpu.memory_space<semaphore_mem>>)
      %dma_wait3A = arith.constant 0 : i32
      %dma_wait3A_81 = tpu.memref_slice %arg17[%add3A_73, %dma_wait3A] : memref<10240x64xf32, #tpu.memory_space<vmem_shared>> -> memref<128x64xf32, #tpu.memory_space<vmem_shared>>
      %dma_wait3A_82 = arith.constant 0 : i32
      %dma_wait3A_83 = tpu.memref_slice %arg17[%add3A_73, %dma_wait3A_82] : memref<10240x64xf32, #tpu.memory_space<vmem_shared>> -> memref<128x64xf32, #tpu.memory_space<vmem_shared>>
      tpu.wait_dma2 semaphore(%run_scoped3A : memref<!tpu.dma_semaphore, #tpu.memory_space<semaphore_mem>>) src(%dma_wait3A_83 : memref<128x64xf32, #tpu.memory_space<vmem_shared>>) dst(%arg12 : memref<128x64xf32, #tpu.memory_space<vmem>>)
      tpu.yield
    }) : () -> ()
    %add3A_74 = arith.addi %mul3A_2, %add3A_73 : i32
    "tpu.region"() ({
      %run_scoped3A = tpu.sem_alloc : memref<!tpu.dma_semaphore, #tpu.memory_space<semaphore_mem>>
      %dma_start3A = arith.constant 0 : i32
      %dma_start3A_78 = tpu.memref_slice %arg7[%add3A_74, %dma_start3A] : memref<20480x64xf32, #tpu.memory_space<hbm>> -> memref<128x64xf32, #tpu.memory_space<hbm>>
      %dma_start3A_79 = arith.constant 0 : i32
      %dma_start3A_80 = tpu.memref_slice %arg7[%add3A_74, %dma_start3A_79] : memref<20480x64xf32, #tpu.memory_space<hbm>> -> memref<128x64xf32, #tpu.memory_space<hbm>>
      tpu.enqueue_dma source(%arg12 : memref<128x64xf32, #tpu.memory_space<vmem>>) target(%dma_start3A_80 : memref<128x64xf32, #tpu.memory_space<hbm>>) target_semaphore(%run_scoped3A : memref<!tpu.dma_semaphore, #tpu.memory_space<semaphore_mem>>)
      %dma_wait3A = arith.constant 0 : i32
      %dma_wait3A_81 = tpu.memref_slice %arg7[%add3A_74, %dma_wait3A] : memref<20480x64xf32, #tpu.memory_space<hbm>> -> memref<128x64xf32, #tpu.memory_space<hbm>>
      %dma_wait3A_82 = arith.constant 0 : i32
      %dma_wait3A_83 = tpu.memref_slice %arg7[%add3A_74, %dma_wait3A_82] : memref<20480x64xf32, #tpu.memory_space<hbm>> -> memref<128x64xf32, #tpu.memory_space<hbm>>
      tpu.wait_dma2 semaphore(%run_scoped3A : memref<!tpu.dma_semaphore, #tpu.memory_space<semaphore_mem>>) src(%arg12 : memref<128x64xf32, #tpu.memory_space<vmem>>) dst(%dma_wait3A_83 : memref<128x64xf32, #tpu.memory_space<hbm>>)
      tpu.yield
    }) : () -> ()
    %add3A_75 = arith.constant 512 : i32
    %add3A_76 = arith.addi %mul3A_0, %add3A_75 : i32
    "tpu.region"() ({
      %run_scoped3A = tpu.sem_alloc : memref<!tpu.dma_semaphore, #tpu.memory_space<semaphore_mem>>
      %dma_start3A = arith.constant 0 : i32
      %dma_start3A_78 = tpu.memref_slice %arg17[%add3A_76, %dma_start3A] : memref<10240x64xf32, #tpu.memory_space<vmem_shared>> -> memref<128x64xf32, #tpu.memory_space<vmem_shared>>
      %dma_start3A_79 = arith.constant 0 : i32
      %dma_start3A_80 = tpu.memref_slice %arg17[%add3A_76, %dma_start3A_79] : memref<10240x64xf32, #tpu.memory_space<vmem_shared>> -> memref<128x64xf32, #tpu.memory_space<vmem_shared>>
      tpu.enqueue_dma source(%dma_start3A_80 : memref<128x64xf32, #tpu.memory_space<vmem_shared>>) target(%arg12 : memref<128x64xf32, #tpu.memory_space<vmem>>) target_semaphore(%run_scoped3A : memref<!tpu.dma_semaphore, #tpu.memory_space<semaphore_mem>>)
      %dma_wait3A = arith.constant 0 : i32
      %dma_wait3A_81 = tpu.memref_slice %arg17[%add3A_76, %dma_wait3A] : memref<10240x64xf32, #tpu.memory_space<vmem_shared>> -> memref<128x64xf32, #tpu.memory_space<vmem_shared>>
      %dma_wait3A_82 = arith.constant 0 : i32
      %dma_wait3A_83 = tpu.memref_slice %arg17[%add3A_76, %dma_wait3A_82] : memref<10240x64xf32, #tpu.memory_space<vmem_shared>> -> memref<128x64xf32, #tpu.memory_space<vmem_shared>>
      tpu.wait_dma2 semaphore(%run_scoped3A : memref<!tpu.dma_semaphore, #tpu.memory_space<semaphore_mem>>) src(%dma_wait3A_83 : memref<128x64xf32, #tpu.memory_space<vmem_shared>>) dst(%arg12 : memref<128x64xf32, #tpu.memory_space<vmem>>)
      tpu.yield
    }) : () -> ()
    %add3A_77 = arith.addi %mul3A_2, %add3A_76 : i32
    "tpu.region"() ({
      %run_scoped3A = tpu.sem_alloc : memref<!tpu.dma_semaphore, #tpu.memory_space<semaphore_mem>>
      %dma_start3A = arith.constant 0 : i32
      %dma_start3A_78 = tpu.memref_slice %arg7[%add3A_77, %dma_start3A] : memref<20480x64xf32, #tpu.memory_space<hbm>> -> memref<128x64xf32, #tpu.memory_space<hbm>>
      %dma_start3A_79 = arith.constant 0 : i32
      %dma_start3A_80 = tpu.memref_slice %arg7[%add3A_77, %dma_start3A_79] : memref<20480x64xf32, #tpu.memory_space<hbm>> -> memref<128x64xf32, #tpu.memory_space<hbm>>
      tpu.enqueue_dma source(%arg12 : memref<128x64xf32, #tpu.memory_space<vmem>>) target(%dma_start3A_80 : memref<128x64xf32, #tpu.memory_space<hbm>>) target_semaphore(%run_scoped3A : memref<!tpu.dma_semaphore, #tpu.memory_space<semaphore_mem>>)
      %dma_wait3A = arith.constant 0 : i32
      %dma_wait3A_81 = tpu.memref_slice %arg7[%add3A_77, %dma_wait3A] : memref<20480x64xf32, #tpu.memory_space<hbm>> -> memref<128x64xf32, #tpu.memory_space<hbm>>
      %dma_wait3A_82 = arith.constant 0 : i32
      %dma_wait3A_83 = tpu.memref_slice %arg7[%add3A_77, %dma_wait3A_82] : memref<20480x64xf32, #tpu.memory_space<hbm>> -> memref<128x64xf32, #tpu.memory_space<hbm>>
      tpu.wait_dma2 semaphore(%run_scoped3A : memref<!tpu.dma_semaphore, #tpu.memory_space<semaphore_mem>>) src(%arg12 : memref<128x64xf32, #tpu.memory_space<vmem>>) dst(%dma_wait3A_83 : memref<128x64xf32, #tpu.memory_space<hbm>>)
      tpu.yield
    }) : () -> ()
    return
  }
}

#map = affine_map<(d0, d1) -> (0, 0, 0)>
#map1 = affine_map<(d0, d1) -> (0, 0)>
module attributes {stable_mosaic.version = 14 : i64} {
  func.func @_deg_kernel(%arg0: i32, %arg1: i32, %arg2: memref<32x80x128xi32, #tpu.memory_space<hbm>>, %arg3: memref<128x16xf32, #tpu.memory_space<hbm>>, %arg4: memref<20480x16xf32, #tpu.memory_space<hbm>>, %arg5: memref<80x128xi32, #tpu.memory_space<vmem>>, %arg6: memref<128x16xf32, #tpu.memory_space<vmem>>, %arg7: memref<128x16xf32, #tpu.memory_space<vmem>>, %arg8: memref<128x16xf32, #tpu.memory_space<vmem>>, %arg9: memref<10240x16xf32, #tpu.memory_space<vmem_shared>>) attributes {dimension_semantics = [#tpu.dimension_semantics<core_parallel>, #tpu.dimension_semantics<subcore_parallel>], iteration_bounds = array<i64: 2, 16>, scalar_prefetch = 0 : i64, scratch_operands = 5 : i64, tpu.core_type = #tpu.core_type<sc_vector_subcore>, window_params = [{transform_indices = #map}, {transform_indices = #map1}, {transform_indices = #map1}]} {
    %mul3A = arith.constant 16 : i32
    %mul3A_0 = arith.muli %arg0, %mul3A : i32
    %add3A = arith.addi %mul3A_0, %arg1 : i32
    %mul3A_1 = arith.constant 640 : i32
    %mul3A_2 = arith.muli %arg1, %mul3A_1 : i32
    %mul3A_3 = arith.constant 10240 : i32
    %mul3A_4 = arith.muli %arg0, %mul3A_3 : i32
    "tpu.region"() ({
      %run_scoped3A = tpu.sem_alloc : memref<!tpu.dma_semaphore, #tpu.memory_space<semaphore_mem>>
      %dma_start3A = arith.constant 0 : i32
      %dma_start3A_55 = arith.constant 0 : i32
      %dma_start3A_56 = tpu.memref_slice %arg2[%add3A, %dma_start3A, %dma_start3A_55] : memref<32x80x128xi32, #tpu.memory_space<hbm>> -> memref<1x80x128xi32, #tpu.memory_space<hbm>>
      %dma_start3A_57 = tpu.memref_squeeze %dma_start3A_56 : memref<1x80x128xi32, #tpu.memory_space<hbm>> -> memref<80x128xi32, #tpu.memory_space<hbm>>
      %dma_start3A_58 = arith.constant 0 : i32
      %dma_start3A_59 = arith.constant 0 : i32
      %dma_start3A_60 = tpu.memref_slice %arg2[%add3A, %dma_start3A_58, %dma_start3A_59] : memref<32x80x128xi32, #tpu.memory_space<hbm>> -> memref<1x80x128xi32, #tpu.memory_space<hbm>>
      %dma_start3A_61 = tpu.memref_squeeze %dma_start3A_60 : memref<1x80x128xi32, #tpu.memory_space<hbm>> -> memref<80x128xi32, #tpu.memory_space<hbm>>
      tpu.enqueue_dma source(%dma_start3A_61 : memref<80x128xi32, #tpu.memory_space<hbm>>) target(%arg5 : memref<80x128xi32, #tpu.memory_space<vmem>>) target_semaphore(%run_scoped3A : memref<!tpu.dma_semaphore, #tpu.memory_space<semaphore_mem>>)
      %dma_wait3A = arith.constant 0 : i32
      %dma_wait3A_62 = arith.constant 0 : i32
      %dma_wait3A_63 = tpu.memref_slice %arg2[%add3A, %dma_wait3A, %dma_wait3A_62] : memref<32x80x128xi32, #tpu.memory_space<hbm>> -> memref<1x80x128xi32, #tpu.memory_space<hbm>>
      %dma_wait3A_64 = tpu.memref_squeeze %dma_wait3A_63 : memref<1x80x128xi32, #tpu.memory_space<hbm>> -> memref<80x128xi32, #tpu.memory_space<hbm>>
      %dma_wait3A_65 = arith.constant 0 : i32
      %dma_wait3A_66 = arith.constant 0 : i32
      %dma_wait3A_67 = tpu.memref_slice %arg2[%add3A, %dma_wait3A_65, %dma_wait3A_66] : memref<32x80x128xi32, #tpu.memory_space<hbm>> -> memref<1x80x128xi32, #tpu.memory_space<hbm>>
      %dma_wait3A_68 = tpu.memref_squeeze %dma_wait3A_67 : memref<1x80x128xi32, #tpu.memory_space<hbm>> -> memref<80x128xi32, #tpu.memory_space<hbm>>
      tpu.wait_dma2 semaphore(%run_scoped3A : memref<!tpu.dma_semaphore, #tpu.memory_space<semaphore_mem>>) src(%dma_wait3A_68 : memref<80x128xi32, #tpu.memory_space<hbm>>) dst(%arg5 : memref<80x128xi32, #tpu.memory_space<vmem>>)
      tpu.yield
    }) : () -> ()
    "tpu.region"() ({
      %run_scoped3A = tpu.sem_alloc : memref<!tpu.dma_semaphore, #tpu.memory_space<semaphore_mem>>
      tpu.enqueue_dma source(%arg3 : memref<128x16xf32, #tpu.memory_space<hbm>>) target(%arg6 : memref<128x16xf32, #tpu.memory_space<vmem>>) target_semaphore(%run_scoped3A : memref<!tpu.dma_semaphore, #tpu.memory_space<semaphore_mem>>)
      tpu.wait_dma2 semaphore(%run_scoped3A : memref<!tpu.dma_semaphore, #tpu.memory_space<semaphore_mem>>) src(%arg3 : memref<128x16xf32, #tpu.memory_space<hbm>>) dst(%arg6 : memref<128x16xf32, #tpu.memory_space<vmem>>)
      tpu.yield
    }) : () -> ()
    %broadcast_in_dim3A = arith.constant 0.000000e+00 : f32
    %broadcast_in_dim3A_5 = vector.broadcast %broadcast_in_dim3A : f32 to vector<16xf32>
    %scan3A = arith.constant 0 : i32
    %scan3A_6 = arith.constant 0 : i32
    %scan3A_7 = arith.constant 128 : i32
    %scan3A_8 = arith.addi %scan3A_6, %scan3A_7 : i32
    %scan3A_9 = arith.constant 1 : i32
    %scan3A_10 = scf.for %scan3A_55 = %scan3A_6 to %scan3A_8 step %scan3A_9 iter_args(%scan3A_56 = %scan3A) -> (i32)  : i32 {
      %swap3A = arith.index_cast %scan3A_55 : i32 to index
      %swap3A_57 = arith.constant 0 : index
      %swap3A_58 = tpu.vector_load %arg7[%swap3A, %swap3A_57] {strides = array<i32>} : memref<128x16xf32, #tpu.memory_space<vmem>>, vector<1x16xf32>,
      %swap3A_59 = vector.shape_cast %swap3A_58 : vector<1x16xf32> to vector<16xf32>
      %swap3A_60 = vector.shape_cast %broadcast_in_dim3A_5 : vector<16xf32> to vector<1x16xf32>
      tpu.vector_store %arg7[%swap3A, %swap3A_57], %swap3A_60 {strides = array<i32>} : memref<128x16xf32, #tpu.memory_space<vmem>>, vector<1x16xf32>,
      %scan3A_61 = arith.constant 0 : i32
      scf.yield %scan3A_61 : i32
    }
    %scan3A_11 = arith.constant 128 : i32
    %add3A_12 = arith.constant 0 : i32
    %add3A_13 = arith.addi %mul3A_2, %add3A_12 : i32
    "tpu.region"() ({
      %run_scoped3A = tpu.sem_alloc : memref<!tpu.dma_semaphore, #tpu.memory_space<semaphore_mem>>
      %dma_start3A = arith.constant 0 : i32
      %dma_start3A_55 = tpu.memref_slice %arg9[%add3A_13, %dma_start3A] : memref<10240x16xf32, #tpu.memory_space<vmem_shared>> -> memref<128x16xf32, #tpu.memory_space<vmem_shared>>
      %dma_start3A_56 = arith.constant 0 : i32
      %dma_start3A_57 = tpu.memref_slice %arg9[%add3A_13, %dma_start3A_56] : memref<10240x16xf32, #tpu.memory_space<vmem_shared>> -> memref<128x16xf32, #tpu.memory_space<vmem_shared>>
      tpu.enqueue_dma source(%arg7 : memref<128x16xf32, #tpu.memory_space<vmem>>) target(%dma_start3A_57 : memref<128x16xf32, #tpu.memory_space<vmem_shared>>) target_semaphore(%run_scoped3A : memref<!tpu.dma_semaphore, #tpu.memory_space<semaphore_mem>>)
      %dma_wait3A = arith.constant 0 : i32
      %dma_wait3A_58 = tpu.memref_slice %arg9[%add3A_13, %dma_wait3A] : memref<10240x16xf32, #tpu.memory_space<vmem_shared>> -> memref<128x16xf32, #tpu.memory_space<vmem_shared>>
      %dma_wait3A_59 = arith.constant 0 : i32
      %dma_wait3A_60 = tpu.memref_slice %arg9[%add3A_13, %dma_wait3A_59] : memref<10240x16xf32, #tpu.memory_space<vmem_shared>> -> memref<128x16xf32, #tpu.memory_space<vmem_shared>>
      tpu.wait_dma2 semaphore(%run_scoped3A : memref<!tpu.dma_semaphore, #tpu.memory_space<semaphore_mem>>) src(%arg7 : memref<128x16xf32, #tpu.memory_space<vmem>>) dst(%dma_wait3A_60 : memref<128x16xf32, #tpu.memory_space<vmem_shared>>)
      tpu.yield
    }) : () -> ()
    %add3A_14 = arith.constant 128 : i32
    %add3A_15 = arith.addi %mul3A_2, %add3A_14 : i32
    "tpu.region"() ({
      %run_scoped3A = tpu.sem_alloc : memref<!tpu.dma_semaphore, #tpu.memory_space<semaphore_mem>>
      %dma_start3A = arith.constant 0 : i32
      %dma_start3A_55 = tpu.memref_slice %arg9[%add3A_15, %dma_start3A] : memref<10240x16xf32, #tpu.memory_space<vmem_shared>> -> memref<128x16xf32, #tpu.memory_space<vmem_shared>>
      %dma_start3A_56 = arith.constant 0 : i32
      %dma_start3A_57 = tpu.memref_slice %arg9[%add3A_15, %dma_start3A_56] : memref<10240x16xf32, #tpu.memory_space<vmem_shared>> -> memref<128x16xf32, #tpu.memory_space<vmem_shared>>
      tpu.enqueue_dma source(%arg7 : memref<128x16xf32, #tpu.memory_space<vmem>>) target(%dma_start3A_57 : memref<128x16xf32, #tpu.memory_space<vmem_shared>>) target_semaphore(%run_scoped3A : memref<!tpu.dma_semaphore, #tpu.memory_space<semaphore_mem>>)
      %dma_wait3A = arith.constant 0 : i32
      %dma_wait3A_58 = tpu.memref_slice %arg9[%add3A_15, %dma_wait3A] : memref<10240x16xf32, #tpu.memory_space<vmem_shared>> -> memref<128x16xf32, #tpu.memory_space<vmem_shared>>
      %dma_wait3A_59 = arith.constant 0 : i32
      %dma_wait3A_60 = tpu.memref_slice %arg9[%add3A_15, %dma_wait3A_59] : memref<10240x16xf32, #tpu.memory_space<vmem_shared>> -> memref<128x16xf32, #tpu.memory_space<vmem_shared>>
      tpu.wait_dma2 semaphore(%run_scoped3A : memref<!tpu.dma_semaphore, #tpu.memory_space<semaphore_mem>>) src(%arg7 : memref<128x16xf32, #tpu.memory_space<vmem>>) dst(%dma_wait3A_60 : memref<128x16xf32, #tpu.memory_space<vmem_shared>>)
      tpu.yield
    }) : () -> ()
    %add3A_16 = arith.constant 256 : i32
    %add3A_17 = arith.addi %mul3A_2, %add3A_16 : i32
    "tpu.region"() ({
      %run_scoped3A = tpu.sem_alloc : memref<!tpu.dma_semaphore, #tpu.memory_space<semaphore_mem>>
      %dma_start3A = arith.constant 0 : i32
      %dma_start3A_55 = tpu.memref_slice %arg9[%add3A_17, %dma_start3A] : memref<10240x16xf32, #tpu.memory_space<vmem_shared>> -> memref<128x16xf32, #tpu.memory_space<vmem_shared>>
      %dma_start3A_56 = arith.constant 0 : i32
      %dma_start3A_57 = tpu.memref_slice %arg9[%add3A_17, %dma_start3A_56] : memref<10240x16xf32, #tpu.memory_space<vmem_shared>> -> memref<128x16xf32, #tpu.memory_space<vmem_shared>>
      tpu.enqueue_dma source(%arg7 : memref<128x16xf32, #tpu.memory_space<vmem>>) target(%dma_start3A_57 : memref<128x16xf32, #tpu.memory_space<vmem_shared>>) target_semaphore(%run_scoped3A : memref<!tpu.dma_semaphore, #tpu.memory_space<semaphore_mem>>)
      %dma_wait3A = arith.constant 0 : i32
      %dma_wait3A_58 = tpu.memref_slice %arg9[%add3A_17, %dma_wait3A] : memref<10240x16xf32, #tpu.memory_space<vmem_shared>> -> memref<128x16xf32, #tpu.memory_space<vmem_shared>>
      %dma_wait3A_59 = arith.constant 0 : i32
      %dma_wait3A_60 = tpu.memref_slice %arg9[%add3A_17, %dma_wait3A_59] : memref<10240x16xf32, #tpu.memory_space<vmem_shared>> -> memref<128x16xf32, #tpu.memory_space<vmem_shared>>
      tpu.wait_dma2 semaphore(%run_scoped3A : memref<!tpu.dma_semaphore, #tpu.memory_space<semaphore_mem>>) src(%arg7 : memref<128x16xf32, #tpu.memory_space<vmem>>) dst(%dma_wait3A_60 : memref<128x16xf32, #tpu.memory_space<vmem_shared>>)
      tpu.yield
    }) : () -> ()
    %add3A_18 = arith.constant 384 : i32
    %add3A_19 = arith.addi %mul3A_2, %add3A_18 : i32
    "tpu.region"() ({
      %run_scoped3A = tpu.sem_alloc : memref<!tpu.dma_semaphore, #tpu.memory_space<semaphore_mem>>
      %dma_start3A = arith.constant 0 : i32
      %dma_start3A_55 = tpu.memref_slice %arg9[%add3A_19, %dma_start3A] : memref<10240x16xf32, #tpu.memory_space<vmem_shared>> -> memref<128x16xf32, #tpu.memory_space<vmem_shared>>
      %dma_start3A_56 = arith.constant 0 : i32
      %dma_start3A_57 = tpu.memref_slice %arg9[%add3A_19, %dma_start3A_56] : memref<10240x16xf32, #tpu.memory_space<vmem_shared>> -> memref<128x16xf32, #tpu.memory_space<vmem_shared>>
      tpu.enqueue_dma source(%arg7 : memref<128x16xf32, #tpu.memory_space<vmem>>) target(%dma_start3A_57 : memref<128x16xf32, #tpu.memory_space<vmem_shared>>) target_semaphore(%run_scoped3A : memref<!tpu.dma_semaphore, #tpu.memory_space<semaphore_mem>>)
      %dma_wait3A = arith.constant 0 : i32
      %dma_wait3A_58 = tpu.memref_slice %arg9[%add3A_19, %dma_wait3A] : memref<10240x16xf32, #tpu.memory_space<vmem_shared>> -> memref<128x16xf32, #tpu.memory_space<vmem_shared>>
      %dma_wait3A_59 = arith.constant 0 : i32
      %dma_wait3A_60 = tpu.memref_slice %arg9[%add3A_19, %dma_wait3A_59] : memref<10240x16xf32, #tpu.memory_space<vmem_shared>> -> memref<128x16xf32, #tpu.memory_space<vmem_shared>>
      tpu.wait_dma2 semaphore(%run_scoped3A : memref<!tpu.dma_semaphore, #tpu.memory_space<semaphore_mem>>) src(%arg7 : memref<128x16xf32, #tpu.memory_space<vmem>>) dst(%dma_wait3A_60 : memref<128x16xf32, #tpu.memory_space<vmem_shared>>)
      tpu.yield
    }) : () -> ()
    %add3A_20 = arith.constant 512 : i32
    %add3A_21 = arith.addi %mul3A_2, %add3A_20 : i32
    "tpu.region"() ({
      %run_scoped3A = tpu.sem_alloc : memref<!tpu.dma_semaphore, #tpu.memory_space<semaphore_mem>>
      %dma_start3A = arith.constant 0 : i32
      %dma_start3A_55 = tpu.memref_slice %arg9[%add3A_21, %dma_start3A] : memref<10240x16xf32, #tpu.memory_space<vmem_shared>> -> memref<128x16xf32, #tpu.memory_space<vmem_shared>>
      %dma_start3A_56 = arith.constant 0 : i32
      %dma_start3A_57 = tpu.memref_slice %arg9[%add3A_21, %dma_start3A_56] : memref<10240x16xf32, #tpu.memory_space<vmem_shared>> -> memref<128x16xf32, #tpu.memory_space<vmem_shared>>
      tpu.enqueue_dma source(%arg7 : memref<128x16xf32, #tpu.memory_space<vmem>>) target(%dma_start3A_57 : memref<128x16xf32, #tpu.memory_space<vmem_shared>>) target_semaphore(%run_scoped3A : memref<!tpu.dma_semaphore, #tpu.memory_space<semaphore_mem>>)
      %dma_wait3A = arith.constant 0 : i32
      %dma_wait3A_58 = tpu.memref_slice %arg9[%add3A_21, %dma_wait3A] : memref<10240x16xf32, #tpu.memory_space<vmem_shared>> -> memref<128x16xf32, #tpu.memory_space<vmem_shared>>
      %dma_wait3A_59 = arith.constant 0 : i32
      %dma_wait3A_60 = tpu.memref_slice %arg9[%add3A_21, %dma_wait3A_59] : memref<10240x16xf32, #tpu.memory_space<vmem_shared>> -> memref<128x16xf32, #tpu.memory_space<vmem_shared>>
      tpu.wait_dma2 semaphore(%run_scoped3A : memref<!tpu.dma_semaphore, #tpu.memory_space<semaphore_mem>>) src(%arg7 : memref<128x16xf32, #tpu.memory_space<vmem>>) dst(%dma_wait3A_60 : memref<128x16xf32, #tpu.memory_space<vmem_shared>>)
      tpu.yield
    }) : () -> ()
    %barrier3A = arith.constant 0 : index
    tpu.barrier barrier_id(%barrier3A)
    %scan3A_22 = arith.constant 0 : i32
    %scan3A_23 = arith.constant 0 : i32
    %scan3A_24 = arith.constant 80 : i32
    %scan3A_25 = arith.addi %scan3A_23, %scan3A_24 : i32
    %scan3A_26 = arith.constant 1 : i32
    %scan3A_27 = scf.for %scan3A_55 = %scan3A_23 to %scan3A_25 step %scan3A_26 iter_args(%scan3A_56 = %scan3A_22) -> (i32)  : i32 {
      "tpu.region"() ({
        %run_scoped3A = tpu.sem_alloc : memref<!tpu.dma_semaphore, #tpu.memory_space<semaphore_mem>>
        %dma_start3A = arith.constant 0 : i32
        %dma_start3A_58 = tpu.memref_slice %arg5[%scan3A_55, %dma_start3A] : memref<80x128xi32, #tpu.memory_space<vmem>> -> memref<1x128xi32, #tpu.memory_space<vmem>>
        %dma_start3A_59 = tpu.memref_squeeze %dma_start3A_58 : memref<1x128xi32, #tpu.memory_space<vmem>> -> memref<128xi32, #tpu.memory_space<vmem>>
        %dma_start3A_60 = arith.constant 0 : i32
        %dma_start3A_61 = arith.constant 0 : i32
        %dma_start3A_62 = tpu.memref_slice %arg9[%dma_start3A_60, %dma_start3A_61] : memref<10240x16xf32, #tpu.memory_space<vmem_shared>> -> memref<10240x16xf32, #tpu.memory_space<vmem_shared>>
        tpu.enqueue_indirect_dma source(%arg6 : memref<128x16xf32, #tpu.memory_space<vmem>>) target(%dma_start3A_62 : memref<10240x16xf32, #tpu.memory_space<vmem_shared>>) offsets(%dma_start3A_59 : memref<128xi32, #tpu.memory_space<vmem>>) semaphore(%run_scoped3A : memref<!tpu.dma_semaphore, #tpu.memory_space<semaphore_mem>>) {add = true}
        %dma_wait3A = arith.constant 0 : i32
        %dma_wait3A_63 = tpu.memref_slice %arg5[%scan3A_55, %dma_wait3A] : memref<80x128xi32, #tpu.memory_space<vmem>> -> memref<1x128xi32, #tpu.memory_space<vmem>>
        %dma_wait3A_64 = tpu.memref_squeeze %dma_wait3A_63 : memref<1x128xi32, #tpu.memory_space<vmem>> -> memref<128xi32, #tpu.memory_space<vmem>>
        %dma_wait3A_65 = arith.constant 0 : i32
        %dma_wait3A_66 = arith.constant 0 : i32
        %dma_wait3A_67 = tpu.memref_slice %arg9[%dma_wait3A_65, %dma_wait3A_66] : memref<10240x16xf32, #tpu.memory_space<vmem_shared>> -> memref<10240x16xf32, #tpu.memory_space<vmem_shared>>
        tpu.wait_indirect_dma semaphore(%run_scoped3A : memref<!tpu.dma_semaphore, #tpu.memory_space<semaphore_mem>>) src(%arg6 : memref<128x16xf32, #tpu.memory_space<vmem>>) dst(%dma_wait3A_67 : memref<10240x16xf32, #tpu.memory_space<vmem_shared>>)
        tpu.yield
      }) : () -> ()
      %scan3A_57 = arith.constant 0 : i32
      scf.yield %scan3A_57 : i32
    }
    %scan3A_28 = arith.constant 80 : i32
    %barrier3A_29 = arith.constant 0 : index
    tpu.barrier barrier_id(%barrier3A_29)
    %add3A_30 = arith.constant 0 : i32
    %add3A_31 = arith.addi %mul3A_2, %add3A_30 : i32
    "tpu.region"() ({
      %run_scoped3A = tpu.sem_alloc : memref<!tpu.dma_semaphore, #tpu.memory_space<semaphore_mem>>
      %dma_start3A = arith.constant 0 : i32
      %dma_start3A_55 = tpu.memref_slice %arg9[%add3A_31, %dma_start3A] : memref<10240x16xf32, #tpu.memory_space<vmem_shared>> -> memref<128x16xf32, #tpu.memory_space<vmem_shared>>
      %dma_start3A_56 = arith.constant 0 : i32
      %dma_start3A_57 = tpu.memref_slice %arg9[%add3A_31, %dma_start3A_56] : memref<10240x16xf32, #tpu.memory_space<vmem_shared>> -> memref<128x16xf32, #tpu.memory_space<vmem_shared>>
      tpu.enqueue_dma source(%dma_start3A_57 : memref<128x16xf32, #tpu.memory_space<vmem_shared>>) target(%arg8 : memref<128x16xf32, #tpu.memory_space<vmem>>) target_semaphore(%run_scoped3A : memref<!tpu.dma_semaphore, #tpu.memory_space<semaphore_mem>>)
      %dma_wait3A = arith.constant 0 : i32
      %dma_wait3A_58 = tpu.memref_slice %arg9[%add3A_31, %dma_wait3A] : memref<10240x16xf32, #tpu.memory_space<vmem_shared>> -> memref<128x16xf32, #tpu.memory_space<vmem_shared>>
      %dma_wait3A_59 = arith.constant 0 : i32
      %dma_wait3A_60 = tpu.memref_slice %arg9[%add3A_31, %dma_wait3A_59] : memref<10240x16xf32, #tpu.memory_space<vmem_shared>> -> memref<128x16xf32, #tpu.memory_space<vmem_shared>>
      tpu.wait_dma2 semaphore(%run_scoped3A : memref<!tpu.dma_semaphore, #tpu.memory_space<semaphore_mem>>) src(%dma_wait3A_60 : memref<128x16xf32, #tpu.memory_space<vmem_shared>>) dst(%arg8 : memref<128x16xf32, #tpu.memory_space<vmem>>)
      tpu.yield
    }) : () -> ()
    %add3A_32 = arith.addi %mul3A_4, %mul3A_2 : i32
    %add3A_33 = arith.constant 0 : i32
    %add3A_34 = arith.addi %add3A_32, %add3A_33 : i32
    "tpu.region"() ({
      %run_scoped3A = tpu.sem_alloc : memref<!tpu.dma_semaphore, #tpu.memory_space<semaphore_mem>>
      %dma_start3A = arith.constant 0 : i32
      %dma_start3A_55 = tpu.memref_slice %arg4[%add3A_34, %dma_start3A] : memref<20480x16xf32, #tpu.memory_space<hbm>> -> memref<128x16xf32, #tpu.memory_space<hbm>>
      %dma_start3A_56 = arith.constant 0 : i32
      %dma_start3A_57 = tpu.memref_slice %arg4[%add3A_34, %dma_start3A_56] : memref<20480x16xf32, #tpu.memory_space<hbm>> -> memref<128x16xf32, #tpu.memory_space<hbm>>
      tpu.enqueue_dma source(%arg8 : memref<128x16xf32, #tpu.memory_space<vmem>>) target(%dma_start3A_57 : memref<128x16xf32, #tpu.memory_space<hbm>>) target_semaphore(%run_scoped3A : memref<!tpu.dma_semaphore, #tpu.memory_space<semaphore_mem>>)
      %dma_wait3A = arith.constant 0 : i32
      %dma_wait3A_58 = tpu.memref_slice %arg4[%add3A_34, %dma_wait3A] : memref<20480x16xf32, #tpu.memory_space<hbm>> -> memref<128x16xf32, #tpu.memory_space<hbm>>
      %dma_wait3A_59 = arith.constant 0 : i32
      %dma_wait3A_60 = tpu.memref_slice %arg4[%add3A_34, %dma_wait3A_59] : memref<20480x16xf32, #tpu.memory_space<hbm>> -> memref<128x16xf32, #tpu.memory_space<hbm>>
      tpu.wait_dma2 semaphore(%run_scoped3A : memref<!tpu.dma_semaphore, #tpu.memory_space<semaphore_mem>>) src(%arg8 : memref<128x16xf32, #tpu.memory_space<vmem>>) dst(%dma_wait3A_60 : memref<128x16xf32, #tpu.memory_space<hbm>>)
      tpu.yield
    }) : () -> ()
    %add3A_35 = arith.constant 128 : i32
    %add3A_36 = arith.addi %mul3A_2, %add3A_35 : i32
    "tpu.region"() ({
      %run_scoped3A = tpu.sem_alloc : memref<!tpu.dma_semaphore, #tpu.memory_space<semaphore_mem>>
      %dma_start3A = arith.constant 0 : i32
      %dma_start3A_55 = tpu.memref_slice %arg9[%add3A_36, %dma_start3A] : memref<10240x16xf32, #tpu.memory_space<vmem_shared>> -> memref<128x16xf32, #tpu.memory_space<vmem_shared>>
      %dma_start3A_56 = arith.constant 0 : i32
      %dma_start3A_57 = tpu.memref_slice %arg9[%add3A_36, %dma_start3A_56] : memref<10240x16xf32, #tpu.memory_space<vmem_shared>> -> memref<128x16xf32, #tpu.memory_space<vmem_shared>>
      tpu.enqueue_dma source(%dma_start3A_57 : memref<128x16xf32, #tpu.memory_space<vmem_shared>>) target(%arg8 : memref<128x16xf32, #tpu.memory_space<vmem>>) target_semaphore(%run_scoped3A : memref<!tpu.dma_semaphore, #tpu.memory_space<semaphore_mem>>)
      %dma_wait3A = arith.constant 0 : i32
      %dma_wait3A_58 = tpu.memref_slice %arg9[%add3A_36, %dma_wait3A] : memref<10240x16xf32, #tpu.memory_space<vmem_shared>> -> memref<128x16xf32, #tpu.memory_space<vmem_shared>>
      %dma_wait3A_59 = arith.constant 0 : i32
      %dma_wait3A_60 = tpu.memref_slice %arg9[%add3A_36, %dma_wait3A_59] : memref<10240x16xf32, #tpu.memory_space<vmem_shared>> -> memref<128x16xf32, #tpu.memory_space<vmem_shared>>
      tpu.wait_dma2 semaphore(%run_scoped3A : memref<!tpu.dma_semaphore, #tpu.memory_space<semaphore_mem>>) src(%dma_wait3A_60 : memref<128x16xf32, #tpu.memory_space<vmem_shared>>) dst(%arg8 : memref<128x16xf32, #tpu.memory_space<vmem>>)
      tpu.yield
    }) : () -> ()
    %add3A_37 = arith.addi %mul3A_4, %mul3A_2 : i32
    %add3A_38 = arith.constant 128 : i32
    %add3A_39 = arith.addi %add3A_37, %add3A_38 : i32
    "tpu.region"() ({
      %run_scoped3A = tpu.sem_alloc : memref<!tpu.dma_semaphore, #tpu.memory_space<semaphore_mem>>
      %dma_start3A = arith.constant 0 : i32
      %dma_start3A_55 = tpu.memref_slice %arg4[%add3A_39, %dma_start3A] : memref<20480x16xf32, #tpu.memory_space<hbm>> -> memref<128x16xf32, #tpu.memory_space<hbm>>
      %dma_start3A_56 = arith.constant 0 : i32
      %dma_start3A_57 = tpu.memref_slice %arg4[%add3A_39, %dma_start3A_56] : memref<20480x16xf32, #tpu.memory_space<hbm>> -> memref<128x16xf32, #tpu.memory_space<hbm>>
      tpu.enqueue_dma source(%arg8 : memref<128x16xf32, #tpu.memory_space<vmem>>) target(%dma_start3A_57 : memref<128x16xf32, #tpu.memory_space<hbm>>) target_semaphore(%run_scoped3A : memref<!tpu.dma_semaphore, #tpu.memory_space<semaphore_mem>>)
      %dma_wait3A = arith.constant 0 : i32
      %dma_wait3A_58 = tpu.memref_slice %arg4[%add3A_39, %dma_wait3A] : memref<20480x16xf32, #tpu.memory_space<hbm>> -> memref<128x16xf32, #tpu.memory_space<hbm>>
      %dma_wait3A_59 = arith.constant 0 : i32
      %dma_wait3A_60 = tpu.memref_slice %arg4[%add3A_39, %dma_wait3A_59] : memref<20480x16xf32, #tpu.memory_space<hbm>> -> memref<128x16xf32, #tpu.memory_space<hbm>>
      tpu.wait_dma2 semaphore(%run_scoped3A : memref<!tpu.dma_semaphore, #tpu.memory_space<semaphore_mem>>) src(%arg8 : memref<128x16xf32, #tpu.memory_space<vmem>>) dst(%dma_wait3A_60 : memref<128x16xf32, #tpu.memory_space<hbm>>)
      tpu.yield
    }) : () -> ()
    %add3A_40 = arith.constant 256 : i32
    %add3A_41 = arith.addi %mul3A_2, %add3A_40 : i32
    "tpu.region"() ({
      %run_scoped3A = tpu.sem_alloc : memref<!tpu.dma_semaphore, #tpu.memory_space<semaphore_mem>>
      %dma_start3A = arith.constant 0 : i32
      %dma_start3A_55 = tpu.memref_slice %arg9[%add3A_41, %dma_start3A] : memref<10240x16xf32, #tpu.memory_space<vmem_shared>> -> memref<128x16xf32, #tpu.memory_space<vmem_shared>>
      %dma_start3A_56 = arith.constant 0 : i32
      %dma_start3A_57 = tpu.memref_slice %arg9[%add3A_41, %dma_start3A_56] : memref<10240x16xf32, #tpu.memory_space<vmem_shared>> -> memref<128x16xf32, #tpu.memory_space<vmem_shared>>
      tpu.enqueue_dma source(%dma_start3A_57 : memref<128x16xf32, #tpu.memory_space<vmem_shared>>) target(%arg8 : memref<128x16xf32, #tpu.memory_space<vmem>>) target_semaphore(%run_scoped3A : memref<!tpu.dma_semaphore, #tpu.memory_space<semaphore_mem>>)
      %dma_wait3A = arith.constant 0 : i32
      %dma_wait3A_58 = tpu.memref_slice %arg9[%add3A_41, %dma_wait3A] : memref<10240x16xf32, #tpu.memory_space<vmem_shared>> -> memref<128x16xf32, #tpu.memory_space<vmem_shared>>
      %dma_wait3A_59 = arith.constant 0 : i32
      %dma_wait3A_60 = tpu.memref_slice %arg9[%add3A_41, %dma_wait3A_59] : memref<10240x16xf32, #tpu.memory_space<vmem_shared>> -> memref<128x16xf32, #tpu.memory_space<vmem_shared>>
      tpu.wait_dma2 semaphore(%run_scoped3A : memref<!tpu.dma_semaphore, #tpu.memory_space<semaphore_mem>>) src(%dma_wait3A_60 : memref<128x16xf32, #tpu.memory_space<vmem_shared>>) dst(%arg8 : memref<128x16xf32, #tpu.memory_space<vmem>>)
      tpu.yield
    }) : () -> ()
    %add3A_42 = arith.addi %mul3A_4, %mul3A_2 : i32
    %add3A_43 = arith.constant 256 : i32
    %add3A_44 = arith.addi %add3A_42, %add3A_43 : i32
    "tpu.region"() ({
      %run_scoped3A = tpu.sem_alloc : memref<!tpu.dma_semaphore, #tpu.memory_space<semaphore_mem>>
      %dma_start3A = arith.constant 0 : i32
      %dma_start3A_55 = tpu.memref_slice %arg4[%add3A_44, %dma_start3A] : memref<20480x16xf32, #tpu.memory_space<hbm>> -> memref<128x16xf32, #tpu.memory_space<hbm>>
      %dma_start3A_56 = arith.constant 0 : i32
      %dma_start3A_57 = tpu.memref_slice %arg4[%add3A_44, %dma_start3A_56] : memref<20480x16xf32, #tpu.memory_space<hbm>> -> memref<128x16xf32, #tpu.memory_space<hbm>>
      tpu.enqueue_dma source(%arg8 : memref<128x16xf32, #tpu.memory_space<vmem>>) target(%dma_start3A_57 : memref<128x16xf32, #tpu.memory_space<hbm>>) target_semaphore(%run_scoped3A : memref<!tpu.dma_semaphore, #tpu.memory_space<semaphore_mem>>)
      %dma_wait3A = arith.constant 0 : i32
      %dma_wait3A_58 = tpu.memref_slice %arg4[%add3A_44, %dma_wait3A] : memref<20480x16xf32, #tpu.memory_space<hbm>> -> memref<128x16xf32, #tpu.memory_space<hbm>>
      %dma_wait3A_59 = arith.constant 0 : i32
      %dma_wait3A_60 = tpu.memref_slice %arg4[%add3A_44, %dma_wait3A_59] : memref<20480x16xf32, #tpu.memory_space<hbm>> -> memref<128x16xf32, #tpu.memory_space<hbm>>
      tpu.wait_dma2 semaphore(%run_scoped3A : memref<!tpu.dma_semaphore, #tpu.memory_space<semaphore_mem>>) src(%arg8 : memref<128x16xf32, #tpu.memory_space<vmem>>) dst(%dma_wait3A_60 : memref<128x16xf32, #tpu.memory_space<hbm>>)
      tpu.yield
    }) : () -> ()
    %add3A_45 = arith.constant 384 : i32
    %add3A_46 = arith.addi %mul3A_2, %add3A_45 : i32
    "tpu.region"() ({
      %run_scoped3A = tpu.sem_alloc : memref<!tpu.dma_semaphore, #tpu.memory_space<semaphore_mem>>
      %dma_start3A = arith.constant 0 : i32
      %dma_start3A_55 = tpu.memref_slice %arg9[%add3A_46, %dma_start3A] : memref<10240x16xf32, #tpu.memory_space<vmem_shared>> -> memref<128x16xf32, #tpu.memory_space<vmem_shared>>
      %dma_start3A_56 = arith.constant 0 : i32
      %dma_start3A_57 = tpu.memref_slice %arg9[%add3A_46, %dma_start3A_56] : memref<10240x16xf32, #tpu.memory_space<vmem_shared>> -> memref<128x16xf32, #tpu.memory_space<vmem_shared>>
      tpu.enqueue_dma source(%dma_start3A_57 : memref<128x16xf32, #tpu.memory_space<vmem_shared>>) target(%arg8 : memref<128x16xf32, #tpu.memory_space<vmem>>) target_semaphore(%run_scoped3A : memref<!tpu.dma_semaphore, #tpu.memory_space<semaphore_mem>>)
      %dma_wait3A = arith.constant 0 : i32
      %dma_wait3A_58 = tpu.memref_slice %arg9[%add3A_46, %dma_wait3A] : memref<10240x16xf32, #tpu.memory_space<vmem_shared>> -> memref<128x16xf32, #tpu.memory_space<vmem_shared>>
      %dma_wait3A_59 = arith.constant 0 : i32
      %dma_wait3A_60 = tpu.memref_slice %arg9[%add3A_46, %dma_wait3A_59] : memref<10240x16xf32, #tpu.memory_space<vmem_shared>> -> memref<128x16xf32, #tpu.memory_space<vmem_shared>>
      tpu.wait_dma2 semaphore(%run_scoped3A : memref<!tpu.dma_semaphore, #tpu.memory_space<semaphore_mem>>) src(%dma_wait3A_60 : memref<128x16xf32, #tpu.memory_space<vmem_shared>>) dst(%arg8 : memref<128x16xf32, #tpu.memory_space<vmem>>)
      tpu.yield
    }) : () -> ()
    %add3A_47 = arith.addi %mul3A_4, %mul3A_2 : i32
    %add3A_48 = arith.constant 384 : i32
    %add3A_49 = arith.addi %add3A_47, %add3A_48 : i32
    "tpu.region"() ({
      %run_scoped3A = tpu.sem_alloc : memref<!tpu.dma_semaphore, #tpu.memory_space<semaphore_mem>>
      %dma_start3A = arith.constant 0 : i32
      %dma_start3A_55 = tpu.memref_slice %arg4[%add3A_49, %dma_start3A] : memref<20480x16xf32, #tpu.memory_space<hbm>> -> memref<128x16xf32, #tpu.memory_space<hbm>>
      %dma_start3A_56 = arith.constant 0 : i32
      %dma_start3A_57 = tpu.memref_slice %arg4[%add3A_49, %dma_start3A_56] : memref<20480x16xf32, #tpu.memory_space<hbm>> -> memref<128x16xf32, #tpu.memory_space<hbm>>
      tpu.enqueue_dma source(%arg8 : memref<128x16xf32, #tpu.memory_space<vmem>>) target(%dma_start3A_57 : memref<128x16xf32, #tpu.memory_space<hbm>>) target_semaphore(%run_scoped3A : memref<!tpu.dma_semaphore, #tpu.memory_space<semaphore_mem>>)
      %dma_wait3A = arith.constant 0 : i32
      %dma_wait3A_58 = tpu.memref_slice %arg4[%add3A_49, %dma_wait3A] : memref<20480x16xf32, #tpu.memory_space<hbm>> -> memref<128x16xf32, #tpu.memory_space<hbm>>
      %dma_wait3A_59 = arith.constant 0 : i32
      %dma_wait3A_60 = tpu.memref_slice %arg4[%add3A_49, %dma_wait3A_59] : memref<20480x16xf32, #tpu.memory_space<hbm>> -> memref<128x16xf32, #tpu.memory_space<hbm>>
      tpu.wait_dma2 semaphore(%run_scoped3A : memref<!tpu.dma_semaphore, #tpu.memory_space<semaphore_mem>>) src(%arg8 : memref<128x16xf32, #tpu.memory_space<vmem>>) dst(%dma_wait3A_60 : memref<128x16xf32, #tpu.memory_space<hbm>>)
      tpu.yield
    }) : () -> ()
    %add3A_50 = arith.constant 512 : i32
    %add3A_51 = arith.addi %mul3A_2, %add3A_50 : i32
    "tpu.region"() ({
      %run_scoped3A = tpu.sem_alloc : memref<!tpu.dma_semaphore, #tpu.memory_space<semaphore_mem>>
      %dma_start3A = arith.constant 0 : i32
      %dma_start3A_55 = tpu.memref_slice %arg9[%add3A_51, %dma_start3A] : memref<10240x16xf32, #tpu.memory_space<vmem_shared>> -> memref<128x16xf32, #tpu.memory_space<vmem_shared>>
      %dma_start3A_56 = arith.constant 0 : i32
      %dma_start3A_57 = tpu.memref_slice %arg9[%add3A_51, %dma_start3A_56] : memref<10240x16xf32, #tpu.memory_space<vmem_shared>> -> memref<128x16xf32, #tpu.memory_space<vmem_shared>>
      tpu.enqueue_dma source(%dma_start3A_57 : memref<128x16xf32, #tpu.memory_space<vmem_shared>>) target(%arg8 : memref<128x16xf32, #tpu.memory_space<vmem>>) target_semaphore(%run_scoped3A : memref<!tpu.dma_semaphore, #tpu.memory_space<semaphore_mem>>)
      %dma_wait3A = arith.constant 0 : i32
      %dma_wait3A_58 = tpu.memref_slice %arg9[%add3A_51, %dma_wait3A] : memref<10240x16xf32, #tpu.memory_space<vmem_shared>> -> memref<128x16xf32, #tpu.memory_space<vmem_shared>>
      %dma_wait3A_59 = arith.constant 0 : i32
      %dma_wait3A_60 = tpu.memref_slice %arg9[%add3A_51, %dma_wait3A_59] : memref<10240x16xf32, #tpu.memory_space<vmem_shared>> -> memref<128x16xf32, #tpu.memory_space<vmem_shared>>
      tpu.wait_dma2 semaphore(%run_scoped3A : memref<!tpu.dma_semaphore, #tpu.memory_space<semaphore_mem>>) src(%dma_wait3A_60 : memref<128x16xf32, #tpu.memory_space<vmem_shared>>) dst(%arg8 : memref<128x16xf32, #tpu.memory_space<vmem>>)
      tpu.yield
    }) : () -> ()
    %add3A_52 = arith.addi %mul3A_4, %mul3A_2 : i32
    %add3A_53 = arith.constant 512 : i32
    %add3A_54 = arith.addi %add3A_52, %add3A_53 : i32
    "tpu.region"() ({
      %run_scoped3A = tpu.sem_alloc : memref<!tpu.dma_semaphore, #tpu.memory_space<semaphore_mem>>
      %dma_start3A = arith.constant 0 : i32
      %dma_start3A_55 = tpu.memref_slice %arg4[%add3A_54, %dma_start3A] : memref<20480x16xf32, #tpu.memory_space<hbm>> -> memref<128x16xf32, #tpu.memory_space<hbm>>
      %dma_start3A_56 = arith.constant 0 : i32
      %dma_start3A_57 = tpu.memref_slice %arg4[%add3A_54, %dma_start3A_56] : memref<20480x16xf32, #tpu.memory_space<hbm>> -> memref<128x16xf32, #tpu.memory_space<hbm>>
      tpu.enqueue_dma source(%arg8 : memref<128x16xf32, #tpu.memory_space<vmem>>) target(%dma_start3A_57 : memref<128x16xf32, #tpu.memory_space<hbm>>) target_semaphore(%run_scoped3A : memref<!tpu.dma_semaphore, #tpu.memory_space<semaphore_mem>>)
      %dma_wait3A = arith.constant 0 : i32
      %dma_wait3A_58 = tpu.memref_slice %arg4[%add3A_54, %dma_wait3A] : memref<20480x16xf32, #tpu.memory_space<hbm>> -> memref<128x16xf32, #tpu.memory_space<hbm>>
      %dma_wait3A_59 = arith.constant 0 : i32
      %dma_wait3A_60 = tpu.memref_slice %arg4[%add3A_54, %dma_wait3A_59] : memref<20480x16xf32, #tpu.memory_space<hbm>> -> memref<128x16xf32, #tpu.memory_space<hbm>>
      tpu.wait_dma2 semaphore(%run_scoped3A : memref<!tpu.dma_semaphore, #tpu.memory_space<semaphore_mem>>) src(%arg8 : memref<128x16xf32, #tpu.memory_space<vmem>>) dst(%dma_wait3A_60 : memref<128x16xf32, #tpu.memory_space<hbm>>)
      tpu.yield
    }) : () -> ()
    return
  }
}

module attributes {stable_mosaic.version = 14 : i64} {
  func.func @_lin_body(%arg0: i32, %arg1: memref<1000x128xf32, #tpu.memory_space<vmem>>, %arg2: memref<128x128xf32, #tpu.memory_space<vmem>>, %arg3: memref<1x128xf32, #tpu.memory_space<vmem>>, %arg4: memref<1000x128xf32, #tpu.memory_space<vmem>>) attributes {dimension_semantics = [#tpu.dimension_semantics<arbitrary>], iteration_bounds = array<i64: 10>, scalar_prefetch = 0 : i64, scratch_operands = 0 : i64, tpu.core_type = #tpu.core_type<tc>, window_params = [{transform_indices = @transform_0, window_bounds = array<i64: 1000, 128>}, {pipeline_mode = #tpu.pipeline_mode<synchronous>, transform_indices = @transform_1, window_bounds = array<i64: 128, 128>}, {pipeline_mode = #tpu.pipeline_mode<synchronous>, transform_indices = @transform_2, window_bounds = array<i64: 1, 128>}, {transform_indices = @transform_3, window_bounds = array<i64: 1000, 128>}]} {
    %get3A = arith.constant 0 : index
    %get3A_0 = arith.constant 0 : index
    %get3A_1 = vector.load %arg1[%get3A, %get3A_0] : memref<1000x128xf32, #tpu.memory_space<vmem>>, vector<1000x128xf32>
    %get3A_2 = arith.constant 0 : index
    %get3A_3 = arith.constant 0 : index
    %get3A_4 = vector.load %arg2[%get3A_2, %get3A_3] : memref<128x128xf32, #tpu.memory_space<vmem>>, vector<128x128xf32>
    %dot_general3A = arith.constant dense<0.000000e+00> : vector<1000x128xf32>
    %dot_general3A_5 = tpu.matmul %get3A_1, %get3A_4, %dot_general3A {dimension_numbers = #tpu.dot_dimension_numbers<[1], [0], [0], [1], [0, 0, 1, 1], [], []>, transpose_lhs_hint = false} : vector<1000x128xf32>, vector<128x128xf32>, vector<1000x128xf32> -> vector<1000x128xf32>
    %get3A_6 = arith.constant 0 : index
    %get3A_7 = arith.constant 0 : index
    %get3A_8 = vector.load %arg3[%get3A_6, %get3A_7] : memref<1x128xf32, #tpu.memory_space<vmem>>, vector<1x128xf32>
    %add3A = vector.broadcast %get3A_8 : vector<1x128xf32> to vector<1000x128xf32>
    %add3A_9 = arith.addf %dot_general3A_5, %add3A : vector<1000x128xf32>
    %max3A = arith.constant 0.000000e+00 : f32
    %max3A_10 = vector.broadcast %max3A : f32 to vector<1000x128xf32>
    %max3A_11 = arith.maximumf %add3A_9, %max3A_10 : vector<1000x128xf32>
    %swap3A = arith.constant 0 : index
    %swap3A_12 = arith.constant 0 : index
    %swap3A_13 = vector.load %arg4[%swap3A, %swap3A_12] : memref<1000x128xf32, #tpu.memory_space<vmem>>, vector<1000x128xf32>
    tpu.vector_store %arg4[%swap3A, %swap3A_12], %max3A_11 {strides = array<i32>} : memref<1000x128xf32, #tpu.memory_space<vmem>>, vector<1000x128xf32>,
    return
  }
  func.func @transform_0(%arg0: i32) -> (i32, i32) {
    %c0_i32 = arith.constant 0 : i32
    %c0_i32_0 = arith.constant 0 : i32
    return %arg0, %c0_i32 : i32, i32
  }
  func.func @transform_1(%arg0: i32) -> (i32, i32) {
    %c0_i32 = arith.constant 0 : i32
    %c0_i32_0 = arith.constant 0 : i32
    %c0_i32_1 = arith.constant 0 : i32
    return %c0_i32, %c0_i32_0 : i32, i32
  }
  func.func @transform_2(%arg0: i32) -> (i32, i32) {
    %c0_i32 = arith.constant 0 : i32
    %c0_i32_0 = arith.constant 0 : i32
    %c0_i32_1 = arith.constant 0 : i32
    return %c0_i32, %c0_i32_0 : i32, i32
  }
  func.func @transform_3(%arg0: i32) -> (i32, i32) {
    %c0_i32 = arith.constant 0 : i32
    %c0_i32_0 = arith.constant 0 : i32
    return %arg0, %c0_i32 : i32, i32
  }
}

</mosaic_0001>

<sc_bundles>
// kernel: kernel.5.cloned.1.call-start
scs
__scs_entry_jumppad:
0x0: {  	(pc) =	sbr.rel $0x88, $3  }
0x1: {  	(tag) =	ssettag $0x0;
	lr =	simm.s32 $0x1  }
0x2: {  	[smem:$0x3F9D] =	sst lr;
	_ =	strace $0xD0000000  }
0x3: {  	_ = 	snop  }
0x4: {  	_ = 	snop  }
0x5: {  	_ = 	snop  }
0x6: {  	_ = 	snop  }
0x7: {  	_ = 	snop  }
__scs_overlays_trampoline_lowered:
0x8: {  	[smem:$0x3FAC] =	sst s0  }
0x9: {  	[smem:$0x3FAD] =	sst s1  }
0xa: {  	[smem:$0x3FAE] =	sst s2  }
0xb: {  	[smem:$0x3FAF] =	sst s3  }
0xc: {  	[smem:$0x3FB0] =	sst s4  }
0xd: {  	[smem:$0x3FB1] =	sst s5  }
0xe: {  	[smem:$0x3FB2] =	sst s6  }
0xf: {  	[smem:$0x3FB3] =	sst s7  }
0x10: {  	[smem:$0x3FB4] =	sst s8  }
0x11: {  	[smem:$0x3FB5] =	sst s9;
	s0 =	simm.s32 @!p0 $0x0  }
0x12: {  	s1 =	sld [smem:$0x3F9B];
	s0 =	simm.s32 @p0 $0x1  }
0x13: {  	[smem:$0x3FB6] =	sst s0;
	s0 =	simm.s32 @!p1 $0x0  }
0x14: {  	s2 =	sld [smem:$0x3F9A];
	s0 =	simm.s32 @p1 $0x1  }
0x15: {  	[smem:$0x3FB7] =	sst s0;
	s0 =	simm.s32 @!p2 $0x0  }
0x16: {  	s3 =	sld [smem:$0x3FDB];
	s0 =	simm.s32 @p2 $0x1  }
0x17: {  	s4 =	simm.s32 $0x1BF5;
	[smem:$0x3FB9] =	sst s0  }
0x18: {  	s0 =	sld [smem:$0x3F9C];
	_ =	swait.ge [sflag:s4], $0x0  }
0x19: {  	s7 =	sld [smem:$0x3F9D]  }
0x1a: {  	s8 =	sadd.s32 $0xFFFFE003, lr  }
0x1b: {  	s9 =	sadd.s32 $0xFFFFFEF7, lr;
	s5 =	simm.s32 $0xFFFFFFFF;
	p2 =	slt.u32 s8, $0xFFFFF086  }
0x1c: {  	p1 =	slt.u32 s9, $0xF7A;
	s5 =	simm.s32 @!p2 $0x0  }
0x1d: {  	s5 =	simm.s32 @p1 $0x1;
	p0 =	seq.s32 s7, s2  }
0x1e: {  	s7 =	smul.u32 @!p0 $0xF7A, s2;
	p2 =	seq.s32 @!p0 s5, $0x0  }
0x1f: {  	s9 =	smul.u32 $0xF7A, s1;
	s8 =	simm.s32 @!p0 $0x1BF5;
	p2 =	por !p2, p0  }
0x20: {  	[sflag:s8] =	ssyncset.s32 @!p0 $0xFFFFF086;
	s6 =	sadd.s32 @!p0 s3, s7;
	s7 =	simm.s32 @!p0 $0x108  }
0x21: {  	s3 =	sadd.s32 s3, s9;
	s6 =	sadd.s32 @!p0 $0x88, s6;
	s7 =	simm.s32 @p2 $0x1082  }
0x22: {  	[simem:s7], [sflag:s8] =	dma.local @!p0 [hbm:s6], $0xF7A  }
0x23: {  	s9 =	sor.u32 $0xD0000000, s2;
	s6 =	simm.s32 $0x108;
	_ =	swait.ge @!p0 [sflag:s8], $0x0  }
0x24: {  	s3 =	sadd.s32 $0x88, s3;
	s6 =	simm.s32 @!p1 $0x1082;
	[sflag:s4] =	ssyncset.s32 $0xFFFFF086  }
0x25: {  	[simem:s6], [sflag:s4] =	dma.local [hbm:s3], $0xF7A  }
0x26: {  	[smem:$0x3F9D] =	sst s1;
	(tag) =	ssettag s2;
	_ =	strace s9  }
0x27: {  	s1 =	sld [smem:$0x3FAD]  }
0x28: {  	s2 =	sld [smem:$0x3FAE]  }
0x29: {  	s4 =	sld [smem:$0x3FB0]  }
0x2a: {  	p0 =	seq.s32 s5, $0x0;
	s5 =	sld [smem:$0x3FB1]  }
0x2b: {  	s6 =	sld [smem:$0x3FB2]  }
0x2c: {  	s7 =	sld [smem:$0x3FB3]  }
0x2d: {  	s3 =	simm.s32 $0x108;
	s8 =	sld [smem:$0x3FB4]  }
0x2e: {  	s3 =	simm.s32 @!p0 $0x1082;
	s9 =	sld [smem:$0x3FB5]  }
0x2f: {  	lr =	sadd.s32 s0, s3;
	s0 =	sld [smem:$0x3FAC]  }
0x30: {  	s3 =	sld [smem:$0x3FAF]  }
0x31: {  	[smem:$0x3FB8] =	sst s10  }
0x32: {  	s10 =	sld [smem:$0x3FB6];
	_ =	sdelay $0x3  }
0x33: {  	p0 =	seq.s32 s10, $0x1;
	s10 =	sld [smem:$0x3FB8];
	_ =	sdelay $0x3  }
0x34: {  	[smem:$0x3FB8] =	sst s10  }
0x35: {  	s10 =	sld [smem:$0x3FB7];
	_ =	sdelay $0x3  }
0x36: {  	p1 =	seq.s32 s10, $0x1;
	s10 =	sld [smem:$0x3FB8];
	_ =	sdelay $0x3  }
0x37: {  	[smem:$0x3FB8] =	sst s10  }
0x38: {  	s10 =	sld [smem:$0x3FB9]  }
0x39: {  	_ = 	snop;
	(pc) =	sbr.ind lr, $3  }
0x3a: {  	_ = 	snop  }
0x3b: {  	_ = 	snop  }
0x3c: {  	p2 =	seq.s32 s10, $0x1;
	s10 =	sld [smem:$0x3FB8]  }
0x3d: {  	_ =	shalt  }
0x3e: {  	_ =	shalt  }
0x3f: {  	_ =	shalt  }
0x40: {  	_ =	shalt  }
0x41: {  	_ =	shalt  }
0x42: {  	_ =	shalt  }
0x43: {  	_ =	shalt  }
0x44: {  	_ =	shalt  }
0x45: {  	_ =	shalt  }
0x46: {  	_ =	shalt  }
0x47: {  	_ =	shalt  }
0x48: {  	_ =	shalt  }
0x49: {  	_ =	shalt  }
0x4a: {  	_ =	shalt  }
0x4b: {  	_ =	shalt  }
0x4c: {  	_ =	shalt  }
0x4d: {  	_ =	shalt  }
0x4e: {  	_ =	shalt  }
0x4f: {  	_ =	shalt  }
0x50: {  	_ =	shalt  }
0x51: {  	_ =	shalt  }
0x52: {  	_ =	shalt  }
0x53: {  	_ =	shalt  }
0x54: {  	_ =	shalt  }
0x55: {  	_ =	shalt  }
0x56: {  	_ =	shalt  }
0x57: {  	_ =	shalt  }
0x58: {  	_ =	shalt  }
0x59: {  	_ =	shalt  }
0x5a: {  	_ =	shalt  }
0x5b: {  	_ =	shalt  }
0x5c: {  	_ =	shalt  }
0x5d: {  	_ =	shalt  }
0x5e: {  	_ =	shalt  }
0x5f: {  	_ =	shalt  }
0x60: {  	_ =	shalt  }
0x61: {  	_ =	shalt  }
0x62: {  	_ =	shalt  }
0x63: {  	_ =	shalt  }
0x64: {  	_ =	shalt  }
0x65: {  	_ =	shalt  }
0x66: {  	_ =	shalt  }
0x67: {  	_ =	shalt  }
0x68: {  	_ =	shalt  }
0x69: {  	_ =	shalt  }
0x6a: {  	_ =	shalt  }
0x6b: {  	_ =	shalt  }
0x6c: {  	_ =	shalt  }
0x6d: {  	_ =	shalt  }
0x6e: {  	_ =	shalt  }
0x6f: {  	_ =	shalt  }
0x70: {  	_ =	shalt  }
0x71: {  	_ =	shalt  }
0x72: {  	_ =	shalt  }
0x73: {  	_ =	shalt  }
0x74: {  	_ =	shalt  }
0x75: {  	_ =	shalt  }
0x76: {  	_ =	shalt  }
0x77: {  	_ =	shalt  }
0x78: {  	_ =	shalt  }
0x79: {  	_ =	shalt  }
0x7a: {  	_ =	shalt  }
0x7b: {  	_ =	shalt  }
0x7c: {  	_ =	shalt  }
0x7d: {  	_ =	shalt  }
0x7e: {  	_ =	shalt  }
0x7f: {  	_ =	shalt  }
0x80: {  	_ =	shalt  }
0x81: {  	_ =	shalt  }
0x82: {  	_ =	shalt  }
0x83: {  	_ =	shalt  }
0x84: {  	_ =	shalt  }
0x85: {  	_ =	shalt  }
0x86: {  	_ =	shalt  }
0x87: {  	_ =	shalt  }
.Lfunc_end0:
.L_simem_size_0:
called_computation_lowered:
.L_overlay_start_0:
0x88: {  	s2 =	sld [smem:$0x3FD9]  }
0x89: {  	s3 =	sld [smem:$0x3FFE];
	_ =	sdelay $0x1  }
0x8a: {  	s1 =	srdreg.scid  }
0x8b: {  	s0 =	sand.u32 $0x1, s1  }
0x8c: {  	s16 =	sshll.u32 s0, $0xA;
	s2 =	sadd.s32 s3, s2  }
0x8d: {  	s2 =	sadd.s32 s2, s16  }
0x8e: {  	[smem:$0x3FC4] =	sst s2  }
0x8f: {  	_ = 	snop  }
0x90: {  	(tm) =	ssettm $0x1  }
0x91: {  	s17 =	sld [smem:$0x3FFB];
	_ =	sdelay $0x3  }
0x92: {  	_ =	strace s17  }
0x93: {  	s2 =	sld [smem:$0x3FFC];
	_ =	sdelay $0x3  }
0x94: {  	_ =	strace s2  }
0x95: {  	s2 =	sld [smem:$0x3FFD];
	_ =	sdelay $0x3  }
0x96: {  	_ =	strace s2  }
0x97: {  	_ =	strace $0x8FFFFFFF  }
0x98: {  	s18 =	sld [smem:$0x3FDB];
	_ =	sdelay $0x1  }
0x99: {  	s19 =	simm.s32 $_scs_section_size  }
0x9a: {  	s4 =	simm.s32 $_size__tile_overlayer_lowered;
	s5 =	simm.s32 $_tile_overlayer_lowered  }
0x9b: {  	s22 =	simm.s32 $0x1BFF;
	s21 =	sshll.u32 s5, $0x1;
	s2 =	sadd.s32 s19, s18  }
0x9c: {  	s6 =	simm.s32 $0x0;
	s20 =	sshll.u32 s4, $0x1;
	s4 =	sadd.s32 s21, s2  }
0x9d: {  	[timem:s6], [sflag:s22] =	dma.local [hbm:s4], s20  }
0x9e: {  	_ =	swait.ge [sflag:s22], s20  }
0x9f: {  	s3 =	ssub.s32 $0x0, s20;
	[sflag:s22] =	ssyncset.done $0x0  }
0xa0: {  	[sflag:s22] =	ssyncadd.s32 s3;
	_ =	sdelay $0x1  }
0xa1: {  	s23 =	simm.s32 $0x1B8B  }
0xa2: {  	_ =	swait.ge [sflag:s23], $0x1  }
0xa3: {  	[sflag:s23] =	ssyncset.done $0x0  }
0xa4: {  	s25 =	simm.s32 $0x1B8E;
	s24 =	sld [smem:$0x3FFE];
	[sflag:s23] =	ssyncadd.s32 $0xFFFFFFFF  }
0xa5: {  	s26 =	simm.s32 $execute0_lowered;
	[smem:$0x3FD2] =	sst s25  }
0xa6: {  	s4 =	sshll.u32 s26, $0x1;
	_ =	strace $0x80000046;
	[dreg:$0x1] =	wrdreg $0xFFFFFFFF  }
0xa7: {  	s28 =	simm.s32 $_size_execute0_lowered;
	s2 =	sadd.s32 s2, s4;
	[dreg:$0x0] =	wrdreg $0x0  }
0xa8: {  	s4 =	sshll.u32 s28, $0x1;
	[dreg:$0x2] =	wrdreg s2  }
0xa9: {  	[dreg:$0x3] =	wrdreg s4  }
0xaa: {  	[dreg:$0x4] =	wrdreg $0xC0  }
0xab: {  	_ =	task [dreg:s6], $0x5FFFF  }
0xac: {  	[dreg:$0x1] =	wrdreg $0xFFFFFFFF  }
0xad: {  	[dreg:$0x0] =	wrdreg $0x60  }
0xae: {  	[dreg:$0x2] =	wrdreg s24  }
0xaf: {  	[dreg:$0x3] =	wrdreg $0x40000  }
0xb0: {  	[dreg:$0x4] =	wrdreg $0x9  }
0xb1: {  	_ =	task.clear_ibuf [dreg:s6], $0x5FFFF;
	_ =	strace $0x90000046  }
0xb2: {  	s29 =	simm.s32 $0x9;
	_ =	strace $0x80000048  }
0xb3: {  	_ =	swait.ge [sflag:s29], $0x1  }
0xb4: {  	[sflag:s29] =	ssyncadd.s32 $0xFFFFFFFF  }
0xb5: {  	_ =	strace $0x90000048  }
0xb6: {  	_ =	sfence  }
0xb7: {  	s30 =	sld [smem:$0x0];
	_ =	sdelay $0x2  }
0xb8: {  	s31 =	sshll.u32 s1, $0xD;
	s1 =	sshrl.u32 s1, $0x2  }
0xb9: {  	s3 =	sand.u32 $0x4000, s31;
	s1 =	sadd.s32 s1, s30  }
0xba: {  	s0 =	sor.u32 s3, s0;
	s1 =	sshll.u32 s1, $0x11  }
0xbb: {  	s0 =	sor.u32 s1, s0  }
0xbc: {  	s0 =	sadd.s32 $0x8F2B, s0  }
0xbd: {  	[sflag:s0] =	ssyncadd.remote.s32 $0x1  }
0xbe: {  	_ =	sfence.sel $0xFFFF  }
0xbf: {  	[dreg:$0x0] =	wrdreg $0xFFFFFFFF;
	(pc) =	sbr.abs _section_cstart, $3  }
0xc0: {  	[dreg:$0x1] =	wrdreg $0xFFFFFFFF  }
0xc1: {  	_ =	task.clear_ibuf [dreg:s6], $0x2FFFF;
	_ =	strace $0x9FFFFFFF  }
0xc2: {  	(tm) =	ssettm $0x7FFFFFFF  }
0xc3: {  	_ =	shalt  }
tec
execute0_lowered:
.L_overlay_start_1:
0x0: {  	(tag) =	ssettag $0x1  }
0x1: {  	s6 =	rddreg [dreg:$0x0]  }
0x2: {  	s2 =	rddreg [dreg:$0x1]  }
0x3: {  	s0 =	rddreg [dreg:$0x2]  }
0x4: {  	s4 =	srdreg.scid;
	s1 =	stileid.u32  }
0x5: {  	s3 =	simm.s32 $0x0;
	s17 =	simm.s32 $0x1;
	s18 =	simm.s32 $0x2800  }
0x6: {  	s19 =	simm.s32 $0x3000;
	s20 =	simm.s32 $0x80;
	s21 =	simm.s32 $0x3800  }
0x7: {  	s22 =	simm.s32 $0x0;
	s5 =	sand.u32 $0x1, s4;
	s29 =	smul.u32 $0x280, s1  }
0x8: {  	[smem:$0x7FF] =	sst s3;
	s9 =	smul.u32 $0xA000, s1;
	s4 =	sadd.s32 $0xA000, s6  }
0x9: {  	s7 =	smul.u32 $0x2800, s5;
	_ =	strace $0x80000047;
	s8 =	sshll.u32 s5, $0x4  }
0xa: {  	s10 =	ssub.s32 $0x2, s5;
	s8 =	sor.u32 s1, s8;
	s30 =	sshrl.u32 s9, $0x2  }
0xb: {  	s31 =	sshrl.u32 s10, $0x1;
	s7 =	sadd.s32 s29, s7;
	s8 =	smul.u32 $0x500, s8  }
0xc: {  	s5 =	sadd.s32 s30, s2;
	s16 =	ssub.s32 s10, s31;
	s7 =	sshll.u32 s7, $0x1  }
0xd: {  	s9 =	sadd.s32 $0x1800, s5;
	s10 =	sadd.s32 $0x2000, s5;
	s16 =	smax.u32 s16, $0x1  }
0xe: {  	s15 =	sadd.s32 s7, s6;
	s6 =	sadd.s32 s6, s8;
	s7 =	sadd.s32 $0x800, s5  }
0xf: {  	s8 =	sadd.s32 $0x1000, s5;
	s11 =	sadd.s32 $0xA200, s15;
	s12 =	sadd.s32 $0xA300, s15  }
0x10: {  	v0 =	vimm.f32 $0.0e+00;
	s13 =	sadd.s32 $0xA400, s15;
	s14 =	sadd.s32 $0xA500, s15;
	s15 =	sadd.s32 $0xA600, s15  }
.LBB2_1:
0x11: {  	[tilespmem:s3], [sflag:$0x1] =	stream.linear.gather [hbm4b:s6+s3], $0x2800, $0x38;
	[tilespmem:$0x6800] =	vst v63  }
0x12: {  	_ =	swait.ge [sflag:s17], $0x2800  }
0x13: {  	[sflag:s17] =	ssyncset.done $0x0  }
0x14: {  	[sflag:s17] =	ssyncadd.s32 $0xFFFFD800  }
0x15: {  	[tilespmem:s18], [sflag:$0x1] =	stream.linear.gather [hbm4b:s4+s3], $0x800, $0x38;
	[tilespmem:$0x6800] =	vst v63  }
0x16: {  	_ =	swait.ge [sflag:s17], $0x800  }
0x17: {  	[sflag:s17] =	ssyncset.done $0x0  }
0x18: {  	s23 =	simm.s32 $0x40;
	s24 =	simm.s32 $0x0;
	[sflag:s17] =	ssyncadd.s32 $0xFFFFF800  }
.LBB2_2:
0x19: {  	p0 =	sne.s32 s23, $0x1FC0;
	[tilespmem:s24+$0x3000] =	vst v0;
	s24 =	smov.u32 s23;
	s23 =	sadd.s32 $0x40, s23  }
.Ltmp0:
0x1a: {  	(pc) =	sbr.rel @p0 .LBB2_2-.Ltmp0, $2  }
0x1b: {  	_ =	sdelay $0x2  }
0x1c: {  	s24 =	sshra.s32 s24, $0x2  }
0x1d: {  	[tilespmem:s24+$0x3000] =	vst v0  }
0x1e: {  	[spmem:s5] =	stream.linear.scatter [tilespmem:s19], [sflag:$0x1], $0x800, $0x38;
	[tilespmem:$0x6800] =	vst v63  }
0x1f: {  	_ =	swait.ge [sflag:s17], $0x800  }
0x20: {  	[sflag:s17] =	ssyncset.done $0x0  }
0x21: {  	[sflag:s17] =	ssyncadd.s32 $0xFFFFF800  }
0x22: {  	[spmem:s7] =	stream.linear.scatter [tilespmem:s19], [sflag:$0x1], $0x800, $0x38;
	[tilespmem:$0x6800] =	vst v63  }
0x23: {  	_ =	swait.ge [sflag:s17], $0x800  }
0x24: {  	[sflag:s17] =	ssyncset.done $0x0  }
0x25: {  	[sflag:s17] =	ssyncadd.s32 $0xFFFFF800  }
0x26: {  	[spmem:s8] =	stream.linear.scatter [tilespmem:s19], [sflag:$0x1], $0x800, $0x38;
	[tilespmem:$0x6800] =	vst v63  }
0x27: {  	_ =	swait.ge [sflag:s17], $0x800  }
0x28: {  	[sflag:s17] =	ssyncset.done $0x0  }
0x29: {  	[sflag:s17] =	ssyncadd.s32 $0xFFFFF800  }
0x2a: {  	[spmem:s9] =	stream.linear.scatter [tilespmem:s19], [sflag:$0x1], $0x800, $0x38;
	[tilespmem:$0x6800] =	vst v63  }
0x2b: {  	_ =	swait.ge [sflag:s17], $0x800  }
0x2c: {  	[sflag:s17] =	ssyncset.done $0x0  }
0x2d: {  	[sflag:s17] =	ssyncadd.s32 $0xFFFFF800  }
0x2e: {  	[spmem:s10] =	stream.linear.scatter [tilespmem:s19], [sflag:$0x1], $0x800, $0x38;
	[tilespmem:$0x6800] =	vst v63  }
0x2f: {  	_ =	swait.ge [sflag:s17], $0x800  }
0x30: {  	[sflag:s17] =	ssyncset.done $0x0  }
0x31: {  	[sflag:s17] =	ssyncadd.s32 $0xFFFFF800  }
0x32: {  	s23 =	simm.s32 $0x0;
	[bflag:$0x0] =	sbarrier.arrive $0xFFFF  }
0x33: {  	[spmem:s2] =	stream.indirect.scatter.add.f32 [tilespmem:s18], [sflag:$0x1], $0x10, s23, s20, $0xb8;
	[tilespmem:$0x6800] =	vst v63  }
0x34: {  	_ =	swait.ge [sflag:s17], $0x800  }
0x35: {  	s23 =	simm.s32 $0x200;
	[sflag:s17] =	ssyncset.done $0x0  }
.LBB2_4:
0x36: {  	s24 =	sshra.s32 s23, $0x2;
	[sflag:s17] =	ssyncadd.s32 $0xFFFFF800;
	p0 =	sne.s32 s23, $0x9E00  }
0x37: {  	[spmem:s2] =	stream.indirect.scatter.add.f32 [tilespmem:s18], [sflag:$0x1], $0x10, s24, s20, $0xb8;
	[tilespmem:$0x6800] =	vst v63  }
.Ltmp1:
0x38: {  	_ = 	snop;
	(pc) =	sbr.rel @p0 .LBB2_4-.Ltmp1, $4  }
0x39: {  	_ = 	snop  }
0x3a: {  	s23 =	sadd.s32 $0x200, s23  }
0x3b: {  	_ =	swait.ge [sflag:s17], $0x800  }
0x3c: {  	[sflag:s17] =	ssyncset.done $0x0  }
0x3d: {  	[sflag:s17] =	ssyncadd.s32 $0xFFFFF800  }
0x3e: {  	[bflag:$0x0] =	sbarrier.arrive $0xFFFF  }
0x3f: {  	[tilespmem:s21], [sflag:$0x1] =	stream.linear.gather [spmem:s5], $0x800, $0x38;
	[tilespmem:$0x6800] =	vst v63  }
0x40: {  	_ =	swait.ge [sflag:s17], $0x800  }
0x41: {  	[sflag:s17] =	ssyncset.done $0x0  }
0x42: {  	[sflag:s17] =	ssyncadd.s32 $0xFFFFF800  }
0x43: {  	[hbm4b:s11+s3] =	stream.linear.scatter [tilespmem:s21], [sflag:$0x1], $0x800, $0x38;
	[tilespmem:$0x6800] =	vst v63  }
0x44: {  	_ =	swait.ge [sflag:s17], $0x800  }
0x45: {  	[sflag:s17] =	ssyncset.done $0x0  }
0x46: {  	[sflag:s17] =	ssyncadd.s32 $0xFFFFF800  }
0x47: {  	[tilespmem:s21], [sflag:$0x1] =	stream.linear.gather [spmem:s7], $0x800, $0x38;
	[tilespmem:$0x6800] =	vst v63  }
0x48: {  	_ =	swait.ge [sflag:s17], $0x800  }
0x49: {  	[sflag:s17] =	ssyncset.done $0x0  }
0x4a: {  	[sflag:s17] =	ssyncadd.s32 $0xFFFFF800  }
0x4b: {  	[hbm4b:s12+s3] =	stream.linear.scatter [tilespmem:s21], [sflag:$0x1], $0x800, $0x38;
	[tilespmem:$0x6800] =	vst v63  }
0x4c: {  	_ =	swait.ge [sflag:s17], $0x800  }
0x4d: {  	[sflag:s17] =	ssyncset.done $0x0  }
0x4e: {  	[sflag:s17] =	ssyncadd.s32 $0xFFFFF800  }
0x4f: {  	[tilespmem:s21], [sflag:$0x1] =	stream.linear.gather [spmem:s8], $0x800, $0x38;
	[tilespmem:$0x6800] =	vst v63  }
0x50: {  	_ =	swait.ge [sflag:s17], $0x800  }
0x51: {  	[sflag:s17] =	ssyncset.done $0x0  }
0x52: {  	[sflag:s17] =	ssyncadd.s32 $0xFFFFF800  }
0x53: {  	[hbm4b:s13+s3] =	stream.linear.scatter [tilespmem:s21], [sflag:$0x1], $0x800, $0x38;
	[tilespmem:$0x6800] =	vst v63  }
0x54: {  	_ =	swait.ge [sflag:s17], $0x800  }
0x55: {  	[sflag:s17] =	ssyncset.done $0x0  }
0x56: {  	[sflag:s17] =	ssyncadd.s32 $0xFFFFF800  }
0x57: {  	[tilespmem:s21], [sflag:$0x1] =	stream.linear.gather [spmem:s9], $0x800, $0x38;
	[tilespmem:$0x6800] =	vst v63  }
0x58: {  	_ =	swait.ge [sflag:s17], $0x800  }
0x59: {  	[sflag:s17] =	ssyncset.done $0x0  }
0x5a: {  	[sflag:s17] =	ssyncadd.s32 $0xFFFFF800  }
0x5b: {  	[hbm4b:s14+s3] =	stream.linear.scatter [tilespmem:s21], [sflag:$0x1], $0x800, $0x38;
	[tilespmem:$0x6800] =	vst v63  }
0x5c: {  	_ =	swait.ge [sflag:s17], $0x800  }
0x5d: {  	[sflag:s17] =	ssyncset.done $0x0  }
0x5e: {  	[sflag:s17] =	ssyncadd.s32 $0xFFFFF800  }
0x5f: {  	[tilespmem:s21], [sflag:$0x1] =	stream.linear.gather [spmem:s10], $0x800, $0x38;
	[tilespmem:$0x6800] =	vst v63  }
0x60: {  	s22 =	sadd.s32 $0x1, s22;
	_ =	swait.ge [sflag:s17], $0x800  }
0x61: {  	p0 =	sne.s32 s22, s16;
	[sflag:s17] =	ssyncset.done $0x0  }
.Ltmp2:
0x62: {  	[sflag:s17] =	ssyncadd.s32 $0xFFFFF800;
	(pc) =	sbr.rel @p0 .LBB2_1-.Ltmp2, $4  }
0x63: {  	[hbm4b:s15+s3] =	stream.linear.scatter [tilespmem:s21], [sflag:$0x1], $0x800, $0x38;
	[tilespmem:$0x6800] =	vst v63  }
0x64: {  	_ =	swait.ge [sflag:s17], $0x800  }
0x65: {  	[sflag:s17] =	ssyncset.done $0x0  }
0x66: {  	[sflag:s17] =	ssyncadd.s32 $0xFFFFF800  }
0x67: {  	_ =	sfence.sel $0x180000  }
0x68: {  	[bflag:$0x0] =	sbarrier.arrive $0xFFFF  }
0x69: {  	p0 =	sne.s32 s1, $0x0;
	_ =	strace $0x90000047  }
0x6a: {  	s0 =	sadd.s32 @!p0 $0x100000, s0;
	[bflag:$0x2] =	sbarrier.arrive $0xFFFF  }
0x6b: {  	[sflag:s0] =	ssyncadd.tile.s32 @!p0 $0x1;
	_ =	shalt  }
.Lfunc_end2:
_tile_overlayer_lowered:
.L_overlay_start_2:
0x6c: {  	(tag) =	ssettag $0x2  }
0x6d: {  	s0 =	rddreg [dreg:$0x0];
	s2 =	stileid.u32  }
0x6e: {  	s1 =	rddreg [dreg:$0x1];
	p0 =	sne.s32 s2, $0x0  }
0x6f: {  	s3 =	rddreg [dreg:$0x2];
	[bflag:$0x3] =	sbarrier.arrive $0xFFFF;
	s2 =	simm.s32 @!p0 $0x1C01  }
0x70: {  	[timem:s3], [sflag:s2] =	dma.local @!p0 [hbm:s0], s1  }
0x71: {  	s0 =	simm.s32 @!p0 $0x1  }
0x72: {  	_ =	swait.ge @!p0 [sflag:s0], s1  }
0x73: {  	s1 =	ssub.s32 @!p0 $0x0, s1;
	[sflag:s0] =	ssyncset.done @!p0 $0x0  }
0x74: {  	[sflag:s0] =	ssyncadd.s32 @!p0 s1  }
0x75: {  	[bflag:$0x3] =	sbarrier.arrive $0xFFFF  }
0x76: {  	_ =	shalt  }

// kernel: kernel.8.cloned.1.call-start
scs
__scs_entry_jumppad:
0x0: {  	(pc) =	sbr.rel $0x88, $3  }
0x1: {  	(tag) =	ssettag $0x0;
	lr =	simm.s32 $0x1  }
0x2: {  	[smem:$0x3F9D] =	sst lr;
	_ =	strace $0xD0000000  }
0x3: {  	_ = 	snop  }
0x4: {  	_ = 	snop  }
0x5: {  	_ = 	snop  }
0x6: {  	_ = 	snop  }
0x7: {  	_ = 	snop  }
__scs_overlays_trampoline_lowered:
0x8: {  	[smem:$0x3FAC] =	sst s0  }
0x9: {  	[smem:$0x3FAD] =	sst s1  }
0xa: {  	[smem:$0x3FAE] =	sst s2  }
0xb: {  	[smem:$0x3FAF] =	sst s3  }
0xc: {  	[smem:$0x3FB0] =	sst s4  }
0xd: {  	[smem:$0x3FB1] =	sst s5  }
0xe: {  	[smem:$0x3FB2] =	sst s6  }
0xf: {  	[smem:$0x3FB3] =	sst s7  }
0x10: {  	[smem:$0x3FB4] =	sst s8  }
0x11: {  	[smem:$0x3FB5] =	sst s9;
	s0 =	simm.s32 @!p0 $0x0  }
0x12: {  	s1 =	sld [smem:$0x3F9B];
	s0 =	simm.s32 @p0 $0x1  }
0x13: {  	[smem:$0x3FB6] =	sst s0;
	s0 =	simm.s32 @!p1 $0x0  }
0x14: {  	s2 =	sld [smem:$0x3F9A];
	s0 =	simm.s32 @p1 $0x1  }
0x15: {  	[smem:$0x3FB7] =	sst s0;
	s0 =	simm.s32 @!p2 $0x0  }
0x16: {  	s3 =	sld [smem:$0x3FDB];
	s0 =	simm.s32 @p2 $0x1  }
0x17: {  	s4 =	simm.s32 $0x1BF5;
	[smem:$0x3FB9] =	sst s0  }
0x18: {  	s0 =	sld [smem:$0x3F9C];
	_ =	swait.ge [sflag:s4], $0x0  }
0x19: {  	s7 =	sld [smem:$0x3F9D]  }
0x1a: {  	s8 =	sadd.s32 $0xFFFFE003, lr  }
0x1b: {  	s9 =	sadd.s32 $0xFFFFFEF7, lr;
	s5 =	simm.s32 $0xFFFFFFFF;
	p2 =	slt.u32 s8, $0xFFFFF086  }
0x1c: {  	p1 =	slt.u32 s9, $0xF7A;
	s5 =	simm.s32 @!p2 $0x0  }
0x1d: {  	s5 =	simm.s32 @p1 $0x1;
	p0 =	seq.s32 s7, s2  }
0x1e: {  	s7 =	smul.u32 @!p0 $0xF7A, s2;
	p2 =	seq.s32 @!p0 s5, $0x0  }
0x1f: {  	s9 =	smul.u32 $0xF7A, s1;
	s8 =	simm.s32 @!p0 $0x1BF5;
	p2 =	por !p2, p0  }
0x20: {  	[sflag:s8] =	ssyncset.s32 @!p0 $0xFFFFF086;
	s6 =	sadd.s32 @!p0 s3, s7;
	s7 =	simm.s32 @!p0 $0x108  }
0x21: {  	s3 =	sadd.s32 s3, s9;
	s6 =	sadd.s32 @!p0 $0x88, s6;
	s7 =	simm.s32 @p2 $0x1082  }
0x22: {  	[simem:s7], [sflag:s8] =	dma.local @!p0 [hbm:s6], $0xF7A  }
0x23: {  	s9 =	sor.u32 $0xD0000000, s2;
	s6 =	simm.s32 $0x108;
	_ =	swait.ge @!p0 [sflag:s8], $0x0  }
0x24: {  	s3 =	sadd.s32 $0x88, s3;
	s6 =	simm.s32 @!p1 $0x1082;
	[sflag:s4] =	ssyncset.s32 $0xFFFFF086  }
0x25: {  	[simem:s6], [sflag:s4] =	dma.local [hbm:s3], $0xF7A  }
0x26: {  	[smem:$0x3F9D] =	sst s1;
	(tag) =	ssettag s2;
	_ =	strace s9  }
0x27: {  	s1 =	sld [smem:$0x3FAD]  }
0x28: {  	s2 =	sld [smem:$0x3FAE]  }
0x29: {  	s4 =	sld [smem:$0x3FB0]  }
0x2a: {  	p0 =	seq.s32 s5, $0x0;
	s5 =	sld [smem:$0x3FB1]  }
0x2b: {  	s6 =	sld [smem:$0x3FB2]  }
0x2c: {  	s7 =	sld [smem:$0x3FB3]  }
0x2d: {  	s3 =	simm.s32 $0x108;
	s8 =	sld [smem:$0x3FB4]  }
0x2e: {  	s3 =	simm.s32 @!p0 $0x1082;
	s9 =	sld [smem:$0x3FB5]  }
0x2f: {  	lr =	sadd.s32 s0, s3;
	s0 =	sld [smem:$0x3FAC]  }
0x30: {  	s3 =	sld [smem:$0x3FAF]  }
0x31: {  	[smem:$0x3FB8] =	sst s10  }
0x32: {  	s10 =	sld [smem:$0x3FB6];
	_ =	sdelay $0x3  }
0x33: {  	p0 =	seq.s32 s10, $0x1;
	s10 =	sld [smem:$0x3FB8];
	_ =	sdelay $0x3  }
0x34: {  	[smem:$0x3FB8] =	sst s10  }
0x35: {  	s10 =	sld [smem:$0x3FB7];
	_ =	sdelay $0x3  }
0x36: {  	p1 =	seq.s32 s10, $0x1;
	s10 =	sld [smem:$0x3FB8];
	_ =	sdelay $0x3  }
0x37: {  	[smem:$0x3FB8] =	sst s10  }
0x38: {  	s10 =	sld [smem:$0x3FB9]  }
0x39: {  	_ = 	snop;
	(pc) =	sbr.ind lr, $3  }
0x3a: {  	_ = 	snop  }
0x3b: {  	_ = 	snop  }
0x3c: {  	p2 =	seq.s32 s10, $0x1;
	s10 =	sld [smem:$0x3FB8]  }
0x3d: {  	_ =	shalt  }
0x3e: {  	_ =	shalt  }
0x3f: {  	_ =	shalt  }
0x40: {  	_ =	shalt  }
0x41: {  	_ =	shalt  }
0x42: {  	_ =	shalt  }
0x43: {  	_ =	shalt  }
0x44: {  	_ =	shalt  }
0x45: {  	_ =	shalt  }
0x46: {  	_ =	shalt  }
0x47: {  	_ =	shalt  }
0x48: {  	_ =	shalt  }
0x49: {  	_ =	shalt  }
0x4a: {  	_ =	shalt  }
0x4b: {  	_ =	shalt  }
0x4c: {  	_ =	shalt  }
0x4d: {  	_ =	shalt  }
0x4e: {  	_ =	shalt  }
0x4f: {  	_ =	shalt  }
0x50: {  	_ =	shalt  }
0x51: {  	_ =	shalt  }
0x52: {  	_ =	shalt  }
0x53: {  	_ =	shalt  }
0x54: {  	_ =	shalt  }
0x55: {  	_ =	shalt  }
0x56: {  	_ =	shalt  }
0x57: {  	_ =	shalt  }
0x58: {  	_ =	shalt  }
0x59: {  	_ =	shalt  }
0x5a: {  	_ =	shalt  }
0x5b: {  	_ =	shalt  }
0x5c: {  	_ =	shalt  }
0x5d: {  	_ =	shalt  }
0x5e: {  	_ =	shalt  }
0x5f: {  	_ =	shalt  }
0x60: {  	_ =	shalt  }
0x61: {  	_ =	shalt  }
0x62: {  	_ =	shalt  }
0x63: {  	_ =	shalt  }
0x64: {  	_ =	shalt  }
0x65: {  	_ =	shalt  }
0x66: {  	_ =	shalt  }
0x67: {  	_ =	shalt  }
0x68: {  	_ =	shalt  }
0x69: {  	_ =	shalt  }
0x6a: {  	_ =	shalt  }
0x6b: {  	_ =	shalt  }
0x6c: {  	_ =	shalt  }
0x6d: {  	_ =	shalt  }
0x6e: {  	_ =	shalt  }
0x6f: {  	_ =	shalt  }
0x70: {  	_ =	shalt  }
0x71: {  	_ =	shalt  }
0x72: {  	_ =	shalt  }
0x73: {  	_ =	shalt  }
0x74: {  	_ =	shalt  }
0x75: {  	_ =	shalt  }
0x76: {  	_ =	shalt  }
0x77: {  	_ =	shalt  }
0x78: {  	_ =	shalt  }
0x79: {  	_ =	shalt  }
0x7a: {  	_ =	shalt  }
0x7b: {  	_ =	shalt  }
0x7c: {  	_ =	shalt  }
0x7d: {  	_ =	shalt  }
0x7e: {  	_ =	shalt  }
0x7f: {  	_ =	shalt  }
0x80: {  	_ =	shalt  }
0x81: {  	_ =	shalt  }
0x82: {  	_ =	shalt  }
0x83: {  	_ =	shalt  }
0x84: {  	_ =	shalt  }
0x85: {  	_ =	shalt  }
0x86: {  	_ =	shalt  }
0x87: {  	_ =	shalt  }
.Lfunc_end0:
.L_simem_size_0:
called_computation.1_lowered:
.L_overlay_start_0:
0x88: {  	s2 =	sld [smem:$0x3FD9]  }
0x89: {  	s3 =	sld [smem:$0x3FFE];
	_ =	sdelay $0x1  }
0x8a: {  	s1 =	srdreg.scid  }
0x8b: {  	s0 =	sand.u32 $0x1, s1  }
0x8c: {  	s17 =	sshll.u32 s0, $0xA;
	s2 =	sadd.s32 s3, s2  }
0x8d: {  	s2 =	sadd.s32 s2, s17  }
0x8e: {  	[smem:$0x3FC4] =	sst s2  }
0x8f: {  	_ = 	snop  }
0x90: {  	s2 =	sld [smem:$0x3FD0];
	(tm) =	ssettm $0x1  }
0x91: {  	s18 =	sld [smem:$0x3FFB];
	_ =	sdelay $0x3  }
0x92: {  	_ =	strace s18  }
0x93: {  	s3 =	sld [smem:$0x3FFC];
	_ =	sdelay $0x3  }
0x94: {  	_ =	strace s3  }
0x95: {  	s3 =	sld [smem:$0x3FFD];
	_ =	sdelay $0x3  }
0x96: {  	_ =	strace s3  }
0x97: {  	_ =	strace $0x8FFFFFFF  }
0x98: {  	s19 =	sld [smem:$0x3FDB];
	_ =	sdelay $0x1  }
0x99: {  	s4 =	simm.s32 $_scs_section_size  }
0x9a: {  	s5 =	simm.s32 $_size__tile_overlayer_lowered;
	s6 =	simm.s32 $_tile_overlayer_lowered  }
0x9b: {  	s22 =	simm.s32 $0x1BFF;
	s21 =	sshll.u32 s6, $0x1;
	s3 =	sadd.s32 s4, s19  }
0x9c: {  	s7 =	simm.s32 $0x0;
	s20 =	sshll.u32 s5, $0x1;
	s5 =	sadd.s32 s21, s3  }
0x9d: {  	[timem:s7], [sflag:s22] =	dma.local [hbm:s5], s20  }
0x9e: {  	_ =	swait.ge [sflag:s22], s20  }
0x9f: {  	s4 =	ssub.s32 $0x0, s20;
	[sflag:s22] =	ssyncset.done $0x0  }
0xa0: {  	[sflag:s22] =	ssyncadd.s32 s4;
	_ =	sdelay $0x1  }
0xa1: {  	s23 =	simm.s32 $0x1B8B  }
0xa2: {  	_ =	swait.ge [sflag:s23], $0x1  }
0xa3: {  	[sflag:s23] =	ssyncset.done $0x0  }
0xa4: {  	s25 =	simm.s32 $0x1B8E;
	s24 =	sld [smem:$0x3FFE];
	[sflag:s23] =	ssyncadd.s32 $0xFFFFFFFF  }
0xa5: {  	s26 =	simm.s32 $execute0_lowered;
	[smem:$0x3FD2] =	sst s25  }
0xa6: {  	s5 =	sshll.u32 s26, $0x1;
	_ =	strace $0x80000049;
	[dreg:$0x1] =	wrdreg $0xFFFFFFFF  }
0xa7: {  	s28 =	simm.s32 $_size_execute0_lowered;
	s3 =	sadd.s32 s3, s5;
	[dreg:$0x0] =	wrdreg $0x0  }
0xa8: {  	s5 =	sshll.u32 s28, $0x1;
	[dreg:$0x2] =	wrdreg s3  }
0xa9: {  	[dreg:$0x3] =	wrdreg s5  }
0xaa: {  	[dreg:$0x4] =	wrdreg $0xC0  }
0xab: {  	_ =	task [dreg:s7], $0x5FFFF  }
0xac: {  	[dreg:$0x1] =	wrdreg $0xFFFFFFFF  }
0xad: {  	[dreg:$0x0] =	wrdreg $0x60  }
0xae: {  	[dreg:$0x2] =	wrdreg s24  }
0xaf: {  	[dreg:$0x3] =	wrdreg s2  }
0xb0: {  	[dreg:$0x4] =	wrdreg $0xAA000  }
0xb1: {  	[dreg:$0x5] =	wrdreg $0x14A000  }
0xb2: {  	[dreg:$0x6] =	wrdreg $0x9  }
0xb3: {  	_ =	task.clear_ibuf [dreg:s7], $0x7FFFF;
	_ =	strace $0x90000049  }
0xb4: {  	s29 =	simm.s32 $0x9;
	_ =	strace $0x8000004B  }
0xb5: {  	_ =	swait.ge [sflag:s29], $0x1  }
0xb6: {  	[sflag:s29] =	ssyncadd.s32 $0xFFFFFFFF  }
0xb7: {  	_ =	strace $0x9000004B  }
0xb8: {  	_ =	sfence  }
0xb9: {  	s30 =	sld [smem:$0x0];
	_ =	sdelay $0x2  }
0xba: {  	s31 =	sshll.u32 s1, $0xD;
	s1 =	sshrl.u32 s1, $0x2  }
0xbb: {  	s3 =	sand.u32 $0x4000, s31;
	s1 =	sadd.s32 s1, s30  }
0xbc: {  	s0 =	sor.u32 s3, s0;
	s1 =	sshll.u32 s1, $0x11  }
0xbd: {  	s0 =	sor.u32 s1, s0  }
0xbe: {  	s0 =	sadd.s32 $0x8F2B, s0  }
0xbf: {  	[sflag:s0] =	ssyncadd.remote.s32 $0x1  }
0xc0: {  	_ =	sfence.sel $0xFFFF  }
0xc1: {  	[dreg:$0x0] =	wrdreg $0xFFFFFFFF;
	(pc) =	sbr.abs _section_cstart, $3  }
0xc2: {  	[dreg:$0x1] =	wrdreg $0xFFFFFFFF  }
0xc3: {  	_ =	task.clear_ibuf [dreg:s7], $0x2FFFF;
	_ =	strace $0x9FFFFFFF  }
0xc4: {  	(tm) =	ssettm $0x7FFFFFFF  }
0xc5: {  	_ =	shalt  }
tec
execute0_lowered:
.L_overlay_start_1:
0x0: {  	(tag) =	ssettag $0x1  }
0x1: {  	s0 =	rddreg [dreg:$0x0]  }
0x2: {  	s7 =	rddreg [dreg:$0x1]  }
0x3: {  	s1 =	rddreg [dreg:$0x2]  }
0x4: {  	s2 =	rddreg [dreg:$0x3];
	s3 =	simm.s32 $0x0;
	s5 =	srdreg.scid  }
0x5: {  	s13 =	stileid.u32;
	s21 =	simm.s32 $0x100;
	s22 =	simm.s32 $0x180  }
0x6: {  	s24 =	simm.s32 $0x200;
	[smem:$0x7FF] =	sst s3;
	s6 =	sadd.s32 $0x6EA00, s0  }
0x7: {  	s4 =	sadd.s32 $0x46A00, s0;
	_ =	strace $0x8000004A;
	[dreg:$0x17] =	wrdreg s6  }
0x8: {  	s17 =	sadd.s32 $0x1EA00, s0;
	s5 =	sand.u32 $0x1, s5;
	[dreg:$0x7] =	wrdreg s21  }
0x9: {  	s14 =	smul.u32 $0x280, s13;
	s9 =	sadd.s32 $0x14200, s0;
	[dreg:$0x8] =	wrdreg s22  }
0xa: {  	s11 =	smul.u32 $0xA80, s13;
	[dreg:$0x9] =	wrdreg s24;
	s21 =	simm.s32 $0x300  }
0xb: {  	s26 =	smul.u32 $0xA000, s13;
	s25 =	ssub.s32 $0x2, s5;
	[dreg:$0xe] =	wrdreg s21  }
0xc: {  	s15 =	smul.u32 $0x2800, s5;
	s18 =	sadd.s32 s11, s9;
	[dreg:$0x18] =	wrdreg s14  }
0xd: {  	s5 =	sadd.s32 $0x96A00, s0;
	s11 =	sadd.s32 s11, s7;
	[dreg:$0x5] =	wrdreg s18  }
0xe: {  	s8 =	sshrl.u32 s25, $0x1;
	s21 =	simm.s32 $0x980;
	[dreg:$0x6] =	wrdreg s11  }
0xf: {  	s10 =	sadd.s32 $0x80, s14;
	s20 =	sadd.s32 s26, s1;
	[dreg:$0x15] =	wrdreg s21  }
0x10: {  	s23 =	sadd.s32 $0x100, s14;
	s0 =	ssub.s32 s25, s8;
	[dreg:$0x19] =	wrdreg s15  }
0x11: {  	s12 =	sadd.s32 s15, s10;
	s8 =	sadd.s32 s26, s2;
	[dreg:$0x1a] =	wrdreg s20  }
0x12: {  	s10 =	sshll.u32 s10, $0x6;
	s26 =	simm.s32 $0x580;
	[dreg:$0x1b] =	wrdreg s8  }
0x13: {  	s25 =	sadd.s32 s15, s23;
	s18 =	simm.s32 $0x680;
	[dreg:$0xa] =	wrdreg s26  }
0x14: {  	s11 =	sshll.u32 s23, $0x6;
	s23 =	simm.s32 $0x380;
	[dreg:$0xc] =	wrdreg s18  }
0x15: {  	s16 =	sadd.s32 s14, s15;
	s19 =	sadd.s32 s10, s1;
	[dreg:$0xf] =	wrdreg s23  }
0x16: {  	s6 =	sshll.u32 s16, $0x3;
	s10 =	sadd.s32 s10, s2;
	[dreg:$0x1c] =	wrdreg s19  }
0x17: {  	s8 =	sshll.u32 s12, $0x3;
	s16 =	simm.s32 $0x600;
	[dreg:$0x1d] =	wrdreg s10  }
0x18: {  	s12 =	sshll.u32 s25, $0x3;
	s25 =	simm.s32 $0x400;
	[dreg:$0xb] =	wrdreg s16  }
0x19: {  	s26 =	simm.s32 $0x480;
	[dreg:$0x10] =	wrdreg s25  }
0x1a: {  	s0 =	smax.u32 s0, $0x1;
	[dreg:$0x11] =	wrdreg s26  }
0x1b: {  	s28 =	simm.s32 $0x6A00;
	s16 =	sadd.s32 s11, s1;
	[smem:$0x7FC] =	sst s0  }
0x1c: {  	s29 =	simm.s32 $0x8A00;
	s11 =	sadd.s32 s11, s2;
	[dreg:$0x1e] =	wrdreg s16  }
0x1d: {  	s30 =	simm.s32 $0x1;
	s19 =	simm.s32 $0x700;
	[dreg:$0x1f] =	wrdreg s11  }
0x1e: {  	s31 =	simm.s32 $0x2;
	s10 =	simm.s32 $0x800;
	[dreg:$0xd] =	wrdreg s19  }
0x1f: {  	s22 =	smul.u32 $0x5400, s13;
	s26 =	sadd.s32 s4, s6;
	[dreg:$0x12] =	wrdreg s10  }
0x20: {  	s24 =	sadd.s32 $0x180, s14;
	s13 =	sadd.s32 s4, s8;
	[smem:$0x7EC] =	sst s26  }
0x21: {  	s23 =	sadd.s32 $0x200, s14;
	s14 =	sadd.s32 s4, s12;
	[smem:$0x7ED] =	sst s13  }
0x22: {  	s18 =	sadd.s32 s15, s24;
	s21 =	sadd.s32 s5, s8;
	[smem:$0x7EE] =	sst s14  }
0x23: {  	s25 =	sadd.s32 s15, s23;
	s16 =	simm.s32 $0x880;
	[smem:$0x7F4] =	sst s21  }
0x24: {  	s11 =	sshrl.u32 s22, $0x3;
	s19 =	simm.s32 $0x900;
	[dreg:$0x13] =	wrdreg s16  }
0x25: {  	s0 =	simm.s32 $0x3;
	s7 =	sadd.s32 s7, s11;
	[dreg:$0x14] =	wrdreg s19  }
0x26: {  	s22 =	sshll.u32 s24, $0x6;
	s9 =	sadd.s32 s9, s11;
	[smem:$0x7E8] =	sst s7  }
0x27: {  	s21 =	simm.s32 $0x2A00;
	s24 =	sadd.s32 s22, s1;
	[smem:$0x7E9] =	sst s9  }
0x28: {  	s14 =	simm.s32 $0x6;
	s10 =	sadd.s32 s22, s2;
	[smem:$0x7EA] =	sst s24  }
0x29: {  	s13 =	simm.s32 $0xA;
	s19 =	sadd.s32 s17, s8;
	[smem:$0x7EB] =	sst s10  }
0x2a: {  	s16 =	sshll.u32 s23, $0x6;
	s22 =	sadd.s32 s17, s12;
	[smem:$0x7F3] =	sst s19  }
0x2b: {  	s23 =	sadd.s32 s5, s12;
	s11 =	simm.s32 $0x9;
	[smem:$0x7F5] =	sst s22  }
0x2c: {  	s9 =	sshll.u32 s18, $0x3;
	s18 =	sadd.s32 s17, s6;
	[smem:$0x7F6] =	sst s23  }
0x2d: {  	s12 =	simm.s32 $0xC;
	s6 =	sadd.s32 s5, s6;
	[smem:$0x7F1] =	sst s18  }
0x2e: {  	s10 =	sshll.u32 s25, $0x3;
	s8 =	sadd.s32 s16, s1;
	[smem:$0x7F2] =	sst s6  }
0x2f: {  	s19 =	simm.s32 $0xA00;
	s15 =	sadd.s32 s4, s9;
	[smem:$0x7FD] =	sst s8  }
0x30: {  	s7 =	simm.s32 $0xF;
	s4 =	sadd.s32 s4, s10;
	[smem:$0x7EF] =	sst s15  }
0x31: {  	s22 =	simm.s32 $0x4A00;
	s24 =	sadd.s32 s17, s9;
	[smem:$0x7F0] =	sst s4  }
0x32: {  	s25 =	sadd.s32 s5, s9;
	s5 =	sadd.s32 s5, s10;
	[smem:$0x7F7] =	sst s24  }
0x33: {  	s26 =	sadd.s32 s17, s10;
	s10 =	simm.s32 $0x5;
	[smem:$0x7F8] =	sst s25  }
0x34: {  	s18 =	simm.s32 $0x7;
	s9 =	simm.s32 $0x8;
	[smem:$0x7F9] =	sst s5  }
0x35: {  	s6 =	simm.s32 $0x0;
	s24 =	smov.u32 s17;
	[smem:$0x7FA] =	sst s26  }
0x36: {  	s4 =	sadd.s32 s16, s2;
	s25 =	simm.s32 $0x780;
	s26 =	simm.s32 $0x80  }
0x37: {  	s17 =	simm.s32 $0xB;
	s15 =	simm.s32 $0xD;
	[smem:$0x7FB] =	sst s4  }
0x38: {  	s16 =	simm.s32 $0xE;
	s4 =	simm.s32 $0x4;
	[dreg:$0x16] =	wrdreg s24  }
.LBB2_1:
0x39: {  	s5 =	sld [smem:$0x7EC];
	_ =	sdelay $0x1  }
0x3a: {  	[smem:$0x7E7] =	sst s6  }
0x3b: {  	[tilespmem:s19], [sflag:$0xF] =	stream.linear.gather [hbm4b:s5+s3], $0x2000, $0x38;
	[tilespmem:$0x1EA00] =	vst v63  }
0x3c: {  	_ =	swait.ge [sflag:s7], $0x2000  }
0x3d: {  	[sflag:s7] =	ssyncset.done $0x0  }
0x3e: {  	[sflag:s7] =	ssyncadd.s32 $0xFFFFE000  }
0x3f: {  	[spmem:s20] =	stream.linear.scatter [tilespmem:s19], [sflag:$0xF], $0x2000, $0x38;
	[tilespmem:$0x1EA00] =	vst v63  }
0x40: {  	_ =	swait.ge [sflag:s7], $0x2000  }
0x41: {  	s24 =	sld [smem:$0x7F1]  }
0x42: {  	[sflag:s7] =	ssyncset.done $0x0  }
0x43: {  	[sflag:s7] =	ssyncadd.s32 $0xFFFFE000  }
0x44: {  	[tilespmem:s21], [sflag:$0xF] =	stream.linear.gather [hbm4b:s24+s3], $0x2000, $0x38;
	[tilespmem:$0x1EA00] =	vst v63  }
0x45: {  	_ =	swait.ge [sflag:s7], $0x2000  }
0x46: {  	[sflag:s7] =	ssyncset.done $0x0  }
0x47: {  	s5 =	simm.s32 $0x0;
	[sflag:s7] =	ssyncadd.s32 $0xFFFFE000  }
0x48: {  	v2 =	vld [tilespmem:s5+$0xA30]  }
0x49: {  	v4 =	vld [tilespmem:s5+$0x2A30]  }
0x4a: {  	v5 =	vld [tilespmem:s5+$0xA00]  }
0x4b: {  	v6 =	vld [tilespmem:s5+$0x2A00]  }
0x4c: {  	v1 =	vld [tilespmem:s5+$0xA10]  }
0x4d: {  	v3 =	vld [tilespmem:s5+$0x2A10]  }
0x4e: {  	v0 =	vld [tilespmem:s5+$0xA20];
	v7 =	vadd.f32 v4, v2  }
0x4f: {  	s6 =	simm.s32 $0x40;
	v4 =	vld [tilespmem:s5+$0x2A20]  }
0x50: {  	s7 =	simm.s32 $0x200;
	v2 =	vld [tilespmem:s6+$0xA30];
	v5 =	vadd.f32 v6, v5;
	[tilespmem:s5+$0x4A30] =	vst v7  }
.LBB2_2:
0x51: {  	p0 =	sne.s32 s7, $0x7F00;
	v6 =	vld [tilespmem:s6+$0x2A30]  }
0x52: {  	v7 =	vld [tilespmem:s6+$0xA00];
	[tilespmem:s5+$0x4A00] =	vst v5;
	v3 =	vadd.f32 v3, v1  }
0x53: {  	v5 =	vld [tilespmem:s6+$0x2A00]  }
.Ltmp0:
0x54: {  	v1 =	vld [tilespmem:s6+$0xA10];
	[tilespmem:s5+$0x4A10] =	vst v3;
	v4 =	vadd.f32 v4, v0;
	(pc) =	sbr.rel @p0 .LBB2_2-.Ltmp0, $4  }
0x55: {  	v3 =	vld [tilespmem:s6+$0x2A10]  }
0x56: {  	v0 =	vld [tilespmem:s6+$0xA20];
	v6 =	vadd.f32 v6, v2;
	[tilespmem:s5+$0x4A20] =	vst v4;
	s5 =	smov.u32 s6  }
0x57: {  	s6 =	sshra.s32 s7, $0x2;
	v4 =	vld [tilespmem:s5+$0x2A20]  }
0x58: {  	s7 =	sadd.s32 $0x100, s7;
	v2 =	vld [tilespmem:s6+$0xA30];
	v5 =	vadd.f32 v5, v7;
	[tilespmem:s5+$0x4A30] =	vst v6  }
0x59: {  	v6 =	vld [tilespmem:s6+$0x2A30]  }
0x5a: {  	v7 =	vld [tilespmem:s6+$0xA00];
	[tilespmem:s5+$0x4A00] =	vst v5;
	v1 =	vadd.f32 v3, v1  }
0x5b: {  	v3 =	vld [tilespmem:s6+$0x2A00]  }
0x5c: {  	v5 =	vld [tilespmem:s6+$0xA10];
	[tilespmem:s5+$0x4A10] =	vst v1;
	v0 =	vadd.f32 v4, v0  }
0x5d: {  	v1 =	vld [tilespmem:s6+$0x2A10]  }
0x5e: {  	v4 =	vld [tilespmem:s6+$0xA20];
	[tilespmem:s5+$0x4A20] =	vst v0  }
0x5f: {  	v0 =	vld [tilespmem:s6+$0x2A20];
	_ =	sdelay $0x1  }
0x60: {  	v2 =	vadd.f32 v6, v2  }
0x61: {  	v3 =	vadd.f32 v3, v7  }
0x62: {  	[tilespmem:s6+$0x4A30] =	vst v2;
	v1 =	vadd.f32 v1, v5  }
0x63: {  	[tilespmem:s6+$0x4A00] =	vst v3;
	v0 =	vadd.f32 v0, v4  }
0x64: {  	[tilespmem:s6+$0x4A10] =	vst v1  }
0x65: {  	s7 =	rddreg [dreg:$0x1b];
	[tilespmem:s6+$0x4A20] =	vst v0  }
0x66: {  	[spmem:s7] =	stream.linear.scatter [tilespmem:s22], [sflag:$0xF], $0x2000, $0x38;
	[tilespmem:$0x1EA00] =	vst v63  }
0x67: {  	s7 =	simm.s32 $0xF  }
0x68: {  	_ =	swait.ge [sflag:s7], $0x2000  }
0x69: {  	s20 =	sld [smem:$0x7ED]  }
0x6a: {  	[sflag:s7] =	ssyncset.done $0x0  }
0x6b: {  	s5 =	simm.s32 $0x0;
	[sflag:s7] =	ssyncadd.s32 $0xFFFFE000  }
0x6c: {  	[tilespmem:s19], [sflag:$0xF] =	stream.linear.gather [hbm4b:s20+s5], $0x2000, $0x38;
	[tilespmem:$0x1EA00] =	vst v63  }
0x6d: {  	_ =	swait.ge [sflag:s7], $0x2000  }
0x6e: {  	[sflag:s7] =	ssyncset.done $0x0  }
0x6f: {  	s23 =	rddreg [dreg:$0x1c];
	[sflag:s7] =	ssyncadd.s32 $0xFFFFE000  }
0x70: {  	[spmem:s23] =	stream.linear.scatter [tilespmem:s19], [sflag:$0xF], $0x2000, $0x38;
	[tilespmem:$0x1EA00] =	vst v63  }
0x71: {  	_ =	swait.ge [sflag:s7], $0x2000  }
0x72: {  	s24 =	sld [smem:$0x7F3]  }
0x73: {  	[sflag:s7] =	ssyncset.done $0x0  }
0x74: {  	[sflag:s7] =	ssyncadd.s32 $0xFFFFE000  }
0x75: {  	[tilespmem:s21], [sflag:$0xF] =	stream.linear.gather [hbm4b:s24+s5], $0x2000, $0x38;
	[tilespmem:$0x1EA00] =	vst v63  }
0x76: {  	_ =	swait.ge [sflag:s7], $0x2000  }
0x77: {  	[sflag:s7] =	ssyncset.done $0x0  }
0x78: {  	s5 =	simm.s32 $0x0;
	[sflag:s7] =	ssyncadd.s32 $0xFFFFE000  }
0x79: {  	v2 =	vld [tilespmem:s5+$0xA30]  }
0x7a: {  	v4 =	vld [tilespmem:s5+$0x2A30]  }
0x7b: {  	v5 =	vld [tilespmem:s5+$0xA00]  }
0x7c: {  	v6 =	vld [tilespmem:s5+$0x2A00]  }
0x7d: {  	v1 =	vld [tilespmem:s5+$0xA10]  }
0x7e: {  	v3 =	vld [tilespmem:s5+$0x2A10]  }
0x7f: {  	v0 =	vld [tilespmem:s5+$0xA20];
	v7 =	vadd.f32 v4, v2  }
0x80: {  	s6 =	simm.s32 $0x40;
	v4 =	vld [tilespmem:s5+$0x2A20]  }
0x81: {  	s7 =	simm.s32 $0x200;
	v2 =	vld [tilespmem:s6+$0xA30];
	v5 =	vadd.f32 v6, v5;
	[tilespmem:s5+$0x4A30] =	vst v7  }
.LBB2_4:
0x82: {  	p0 =	sne.s32 s7, $0x7F00;
	v6 =	vld [tilespmem:s6+$0x2A30]  }
0x83: {  	v7 =	vld [tilespmem:s6+$0xA00];
	[tilespmem:s5+$0x4A00] =	vst v5;
	v3 =	vadd.f32 v3, v1  }
0x84: {  	v5 =	vld [tilespmem:s6+$0x2A00]  }
.Ltmp1:
0x85: {  	v1 =	vld [tilespmem:s6+$0xA10];
	[tilespmem:s5+$0x4A10] =	vst v3;
	v4 =	vadd.f32 v4, v0;
	(pc) =	sbr.rel @p0 .LBB2_4-.Ltmp1, $4  }
0x86: {  	v3 =	vld [tilespmem:s6+$0x2A10]  }
0x87: {  	v0 =	vld [tilespmem:s6+$0xA20];
	v6 =	vadd.f32 v6, v2;
	[tilespmem:s5+$0x4A20] =	vst v4;
	s5 =	smov.u32 s6  }
0x88: {  	s6 =	sshra.s32 s7, $0x2;
	v4 =	vld [tilespmem:s5+$0x2A20]  }
0x89: {  	s7 =	sadd.s32 $0x100, s7;
	v2 =	vld [tilespmem:s6+$0xA30];
	v5 =	vadd.f32 v5, v7;
	[tilespmem:s5+$0x4A30] =	vst v6  }
0x8a: {  	v6 =	vld [tilespmem:s6+$0x2A30]  }
0x8b: {  	v7 =	vld [tilespmem:s6+$0xA00];
	[tilespmem:s5+$0x4A00] =	vst v5;
	v1 =	vadd.f32 v3, v1  }
0x8c: {  	v3 =	vld [tilespmem:s6+$0x2A00]  }
0x8d: {  	v5 =	vld [tilespmem:s6+$0xA10];
	[tilespmem:s5+$0x4A10] =	vst v1;
	v0 =	vadd.f32 v4, v0  }
0x8e: {  	v1 =	vld [tilespmem:s6+$0x2A10]  }
0x8f: {  	v4 =	vld [tilespmem:s6+$0xA20];
	[tilespmem:s5+$0x4A20] =	vst v0  }
0x90: {  	v0 =	vld [tilespmem:s6+$0x2A20];
	_ =	sdelay $0x1  }
0x91: {  	v2 =	vadd.f32 v6, v2  }
0x92: {  	v3 =	vadd.f32 v3, v7  }
0x93: {  	[tilespmem:s6+$0x4A30] =	vst v2;
	v1 =	vadd.f32 v1, v5  }
0x94: {  	[tilespmem:s6+$0x4A00] =	vst v3;
	v0 =	vadd.f32 v0, v4  }
0x95: {  	[tilespmem:s6+$0x4A10] =	vst v1  }
0x96: {  	s7 =	rddreg [dreg:$0x1d];
	[tilespmem:s6+$0x4A20] =	vst v0  }
0x97: {  	[spmem:s7] =	stream.linear.scatter [tilespmem:s22], [sflag:$0xF], $0x2000, $0x38;
	[tilespmem:$0x1EA00] =	vst v63  }
0x98: {  	s7 =	simm.s32 $0xF  }
0x99: {  	_ =	swait.ge [sflag:s7], $0x2000  }
0x9a: {  	s20 =	sld [smem:$0x7EE]  }
0x9b: {  	[sflag:s7] =	ssyncset.done $0x0  }
0x9c: {  	s5 =	simm.s32 $0x0;
	[sflag:s7] =	ssyncadd.s32 $0xFFFFE000  }
0x9d: {  	[tilespmem:s19], [sflag:$0xF] =	stream.linear.gather [hbm4b:s20+s5], $0x2000, $0x38;
	[tilespmem:$0x1EA00] =	vst v63  }
0x9e: {  	_ =	swait.ge [sflag:s7], $0x2000  }
0x9f: {  	[sflag:s7] =	ssyncset.done $0x0  }
0xa0: {  	s23 =	rddreg [dreg:$0x1e];
	[sflag:s7] =	ssyncadd.s32 $0xFFFFE000  }
0xa1: {  	[spmem:s23] =	stream.linear.scatter [tilespmem:s19], [sflag:$0xF], $0x2000, $0x38;
	[tilespmem:$0x1EA00] =	vst v63  }
0xa2: {  	_ =	swait.ge [sflag:s7], $0x2000  }
0xa3: {  	s24 =	sld [smem:$0x7F5]  }
0xa4: {  	[sflag:s7] =	ssyncset.done $0x0  }
0xa5: {  	[sflag:s7] =	ssyncadd.s32 $0xFFFFE000  }
0xa6: {  	[tilespmem:s21], [sflag:$0xF] =	stream.linear.gather [hbm4b:s24+s5], $0x2000, $0x38;
	[tilespmem:$0x1EA00] =	vst v63  }
0xa7: {  	_ =	swait.ge [sflag:s7], $0x2000  }
0xa8: {  	[sflag:s7] =	ssyncset.done $0x0  }
0xa9: {  	s5 =	simm.s32 $0x0;
	[sflag:s7] =	ssyncadd.s32 $0xFFFFE000  }
0xaa: {  	v2 =	vld [tilespmem:s5+$0xA30]  }
0xab: {  	v4 =	vld [tilespmem:s5+$0x2A30]  }
0xac: {  	v5 =	vld [tilespmem:s5+$0xA00]  }
0xad: {  	v6 =	vld [tilespmem:s5+$0x2A00]  }
0xae: {  	v1 =	vld [tilespmem:s5+$0xA10]  }
0xaf: {  	v3 =	vld [tilespmem:s5+$0x2A10]  }
0xb0: {  	v0 =	vld [tilespmem:s5+$0xA20];
	v7 =	vadd.f32 v4, v2  }
0xb1: {  	s6 =	simm.s32 $0x40;
	v4 =	vld [tilespmem:s5+$0x2A20]  }
0xb2: {  	s7 =	simm.s32 $0x200;
	v2 =	vld [tilespmem:s6+$0xA30];
	v5 =	vadd.f32 v6, v5;
	[tilespmem:s5+$0x4A30] =	vst v7  }
.LBB2_6:
0xb3: {  	p0 =	sne.s32 s7, $0x7F00;
	v6 =	vld [tilespmem:s6+$0x2A30]  }
0xb4: {  	v7 =	vld [tilespmem:s6+$0xA00];
	[tilespmem:s5+$0x4A00] =	vst v5;
	v3 =	vadd.f32 v3, v1  }
0xb5: {  	v5 =	vld [tilespmem:s6+$0x2A00]  }
.Ltmp2:
0xb6: {  	v1 =	vld [tilespmem:s6+$0xA10];
	[tilespmem:s5+$0x4A10] =	vst v3;
	v4 =	vadd.f32 v4, v0;
	(pc) =	sbr.rel @p0 .LBB2_6-.Ltmp2, $4  }
0xb7: {  	v3 =	vld [tilespmem:s6+$0x2A10]  }
0xb8: {  	v0 =	vld [tilespmem:s6+$0xA20];
	v6 =	vadd.f32 v6, v2;
	[tilespmem:s5+$0x4A20] =	vst v4;
	s5 =	smov.u32 s6  }
0xb9: {  	s6 =	sshra.s32 s7, $0x2;
	v4 =	vld [tilespmem:s5+$0x2A20]  }
0xba: {  	s7 =	sadd.s32 $0x100, s7;
	v2 =	vld [tilespmem:s6+$0xA30];
	v5 =	vadd.f32 v5, v7;
	[tilespmem:s5+$0x4A30] =	vst v6  }
0xbb: {  	v6 =	vld [tilespmem:s6+$0x2A30]  }
0xbc: {  	v7 =	vld [tilespmem:s6+$0xA00];
	[tilespmem:s5+$0x4A00] =	vst v5;
	v1 =	vadd.f32 v3, v1  }
0xbd: {  	v3 =	vld [tilespmem:s6+$0x2A00]  }
0xbe: {  	v5 =	vld [tilespmem:s6+$0xA10];
	[tilespmem:s5+$0x4A10] =	vst v1;
	v0 =	vadd.f32 v4, v0  }
0xbf: {  	v1 =	vld [tilespmem:s6+$0x2A10]  }
0xc0: {  	v4 =	vld [tilespmem:s6+$0xA20];
	[tilespmem:s5+$0x4A20] =	vst v0  }
0xc1: {  	v0 =	vld [tilespmem:s6+$0x2A20];
	_ =	sdelay $0x1  }
0xc2: {  	v2 =	vadd.f32 v6, v2  }
0xc3: {  	v3 =	vadd.f32 v3, v7  }
0xc4: {  	[tilespmem:s6+$0x4A30] =	vst v2;
	v1 =	vadd.f32 v1, v5  }
0xc5: {  	[tilespmem:s6+$0x4A00] =	vst v3;
	v0 =	vadd.f32 v0, v4  }
0xc6: {  	[tilespmem:s6+$0x4A10] =	vst v1  }
0xc7: {  	s7 =	rddreg [dreg:$0x1f];
	[tilespmem:s6+$0x4A20] =	vst v0  }
0xc8: {  	[spmem:s7] =	stream.linear.scatter [tilespmem:s22], [sflag:$0xF], $0x2000, $0x38;
	[tilespmem:$0x1EA00] =	vst v63  }
0xc9: {  	s7 =	simm.s32 $0xF  }
0xca: {  	_ =	swait.ge [sflag:s7], $0x2000  }
0xcb: {  	s20 =	sld [smem:$0x7EF]  }
0xcc: {  	[sflag:s7] =	ssyncset.done $0x0  }
0xcd: {  	s5 =	simm.s32 $0x0;
	[sflag:s7] =	ssyncadd.s32 $0xFFFFE000  }
0xce: {  	[tilespmem:s19], [sflag:$0xF] =	stream.linear.gather [hbm4b:s20+s5], $0x2000, $0x38;
	[tilespmem:$0x1EA00] =	vst v63  }
0xcf: {  	_ =	swait.ge [sflag:s7], $0x2000  }
0xd0: {  	s23 =	sld [smem:$0x7EA]  }
0xd1: {  	[sflag:s7] =	ssyncset.done $0x0  }
0xd2: {  	[sflag:s7] =	ssyncadd.s32 $0xFFFFE000  }
0xd3: {  	[spmem:s23] =	stream.linear.scatter [tilespmem:s19], [sflag:$0xF], $0x2000, $0x38;
	[tilespmem:$0x1EA00] =	vst v63  }
0xd4: {  	_ =	swait.ge [sflag:s7], $0x2000  }
0xd5: {  	s24 =	sld [smem:$0x7F7]  }
0xd6: {  	[sflag:s7] =	ssyncset.done $0x0  }
0xd7: {  	[sflag:s7] =	ssyncadd.s32 $0xFFFFE000  }
0xd8: {  	[tilespmem:s21], [sflag:$0xF] =	stream.linear.gather [hbm4b:s24+s5], $0x2000, $0x38;
	[tilespmem:$0x1EA00] =	vst v63  }
0xd9: {  	_ =	swait.ge [sflag:s7], $0x2000  }
0xda: {  	[sflag:s7] =	ssyncset.done $0x0  }
0xdb: {  	s5 =	simm.s32 $0x0;
	[sflag:s7] =	ssyncadd.s32 $0xFFFFE000  }
0xdc: {  	v2 =	vld [tilespmem:s5+$0xA30]  }
0xdd: {  	v4 =	vld [tilespmem:s5+$0x2A30]  }
0xde: {  	v5 =	vld [tilespmem:s5+$0xA00]  }
0xdf: {  	v6 =	vld [tilespmem:s5+$0x2A00]  }
0xe0: {  	v1 =	vld [tilespmem:s5+$0xA10]  }
0xe1: {  	v3 =	vld [tilespmem:s5+$0x2A10]  }
0xe2: {  	v0 =	vld [tilespmem:s5+$0xA20];
	v7 =	vadd.f32 v4, v2  }
0xe3: {  	s6 =	simm.s32 $0x40;
	v4 =	vld [tilespmem:s5+$0x2A20]  }
0xe4: {  	s7 =	simm.s32 $0x200;
	v2 =	vld [tilespmem:s6+$0xA30];
	v5 =	vadd.f32 v6, v5;
	[tilespmem:s5+$0x4A30] =	vst v7  }
.LBB2_8:
0xe5: {  	p0 =	sne.s32 s7, $0x7F00;
	v6 =	vld [tilespmem:s6+$0x2A30]  }
0xe6: {  	v7 =	vld [tilespmem:s6+$0xA00];
	[tilespmem:s5+$0x4A00] =	vst v5;
	v3 =	vadd.f32 v3, v1  }
0xe7: {  	v5 =	vld [tilespmem:s6+$0x2A00]  }
.Ltmp3:
0xe8: {  	v1 =	vld [tilespmem:s6+$0xA10];
	[tilespmem:s5+$0x4A10] =	vst v3;
	v4 =	vadd.f32 v4, v0;
	(pc) =	sbr.rel @p0 .LBB2_8-.Ltmp3, $4  }
0xe9: {  	v3 =	vld [tilespmem:s6+$0x2A10]  }
0xea: {  	v0 =	vld [tilespmem:s6+$0xA20];
	v6 =	vadd.f32 v6, v2;
	[tilespmem:s5+$0x4A20] =	vst v4;
	s5 =	smov.u32 s6  }
0xeb: {  	s6 =	sshra.s32 s7, $0x2;
	v4 =	vld [tilespmem:s5+$0x2A20]  }
0xec: {  	s7 =	sadd.s32 $0x100, s7;
	v2 =	vld [tilespmem:s6+$0xA30];
	v5 =	vadd.f32 v5, v7;
	[tilespmem:s5+$0x4A30] =	vst v6  }
0xed: {  	v6 =	vld [tilespmem:s6+$0x2A30]  }
0xee: {  	v7 =	vld [tilespmem:s6+$0xA00];
	[tilespmem:s5+$0x4A00] =	vst v5;
	v1 =	vadd.f32 v3, v1  }
0xef: {  	v3 =	vld [tilespmem:s6+$0x2A00]  }
0xf0: {  	v5 =	vld [tilespmem:s6+$0xA10];
	[tilespmem:s5+$0x4A10] =	vst v1;
	v0 =	vadd.f32 v4, v0  }
0xf1: {  	v1 =	vld [tilespmem:s6+$0x2A10]  }
0xf2: {  	v4 =	vld [tilespmem:s6+$0xA20];
	[tilespmem:s5+$0x4A20] =	vst v0  }
0xf3: {  	v0 =	vld [tilespmem:s6+$0x2A20];
	_ =	sdelay $0x1  }
0xf4: {  	v2 =	vadd.f32 v6, v2  }
0xf5: {  	v3 =	vadd.f32 v3, v7  }
0xf6: {  	[tilespmem:s6+$0x4A30] =	vst v2;
	v1 =	vadd.f32 v1, v5  }
0xf7: {  	s7 =	sld [smem:$0x7EB];
	[tilespmem:s6+$0x4A00] =	vst v3;
	v0 =	vadd.f32 v0, v4  }
0xf8: {  	[tilespmem:s6+$0x4A10] =	vst v1  }
0xf9: {  	[tilespmem:s6+$0x4A20] =	vst v0  }
0xfa: {  	[spmem:s7] =	stream.linear.scatter [tilespmem:s22], [sflag:$0xF], $0x2000, $0x38;
	[tilespmem:$0x1EA00] =	vst v63  }
0xfb: {  	s7 =	simm.s32 $0xF  }
0xfc: {  	_ =	swait.ge [sflag:s7], $0x2000  }
0xfd: {  	s23 =	sld [smem:$0x7F0]  }
0xfe: {  	[sflag:s7] =	ssyncset.done $0x0  }
0xff: {  	s20 =	simm.s32 $0x0;
	[sflag:s7] =	ssyncadd.s32 $0xFFFFE000  }
0x100: {  	[tilespmem:s19], [sflag:$0xF] =	stream.linear.gather [hbm4b:s23+s20], $0x2000, $0x38;
	[tilespmem:$0x1EA00] =	vst v63  }
0x101: {  	_ =	swait.ge [sflag:s7], $0x2000  }
0x102: {  	[sflag:s7] =	ssyncset.done $0x0  }
0x103: {  	[sflag:s7] =	ssyncadd.s32 $0xFFFFE000  }
0x104: {  	[spmem:s8] =	stream.linear.scatter [tilespmem:s19], [sflag:$0xF], $0x2000, $0x38;
	[tilespmem:$0x1EA00] =	vst v63  }
0x105: {  	_ =	swait.ge [sflag:s7], $0x2000  }
0x106: {  	s24 =	sld [smem:$0x7FA]  }
0x107: {  	[sflag:s7] =	ssyncset.done $0x0  }
0x108: {  	[sflag:s7] =	ssyncadd.s32 $0xFFFFE000  }
0x109: {  	[tilespmem:s21], [sflag:$0xF] =	stream.linear.gather [hbm4b:s24+s20], $0x2000, $0x38;
	[tilespmem:$0x1EA00] =	vst v63  }
0x10a: {  	_ =	swait.ge [sflag:s7], $0x2000  }
0x10b: {  	[sflag:s7] =	ssyncset.done $0x0  }
0x10c: {  	s5 =	simm.s32 $0x0;
	[sflag:s7] =	ssyncadd.s32 $0xFFFFE000  }
0x10d: {  	v2 =	vld [tilespmem:s5+$0xA30]  }
0x10e: {  	v4 =	vld [tilespmem:s5+$0x2A30]  }
0x10f: {  	v5 =	vld [tilespmem:s5+$0xA00]  }
0x110: {  	v6 =	vld [tilespmem:s5+$0x2A00]  }
0x111: {  	v1 =	vld [tilespmem:s5+$0xA10]  }
0x112: {  	v3 =	vld [tilespmem:s5+$0x2A10]  }
0x113: {  	v0 =	vld [tilespmem:s5+$0xA20];
	v7 =	vadd.f32 v4, v2  }
0x114: {  	s6 =	simm.s32 $0x40;
	v4 =	vld [tilespmem:s5+$0x2A20]  }
0x115: {  	s7 =	simm.s32 $0x200;
	v2 =	vld [tilespmem:s6+$0xA30];
	v5 =	vadd.f32 v6, v5;
	[tilespmem:s5+$0x4A30] =	vst v7  }
.LBB2_10:
0x116: {  	p0 =	sne.s32 s7, $0x7F00;
	v6 =	vld [tilespmem:s6+$0x2A30]  }
0x117: {  	v7 =	vld [tilespmem:s6+$0xA00];
	[tilespmem:s5+$0x4A00] =	vst v5;
	v3 =	vadd.f32 v3, v1  }
0x118: {  	v5 =	vld [tilespmem:s6+$0x2A00]  }
.Ltmp4:
0x119: {  	v1 =	vld [tilespmem:s6+$0xA10];
	[tilespmem:s5+$0x4A10] =	vst v3;
	v4 =	vadd.f32 v4, v0;
	(pc) =	sbr.rel @p0 .LBB2_10-.Ltmp4, $4  }
0x11a: {  	v3 =	vld [tilespmem:s6+$0x2A10]  }
0x11b: {  	v0 =	vld [tilespmem:s6+$0xA20];
	v6 =	vadd.f32 v6, v2;
	[tilespmem:s5+$0x4A20] =	vst v4;
	s5 =	smov.u32 s6  }
0x11c: {  	s6 =	sshra.s32 s7, $0x2;
	v4 =	vld [tilespmem:s5+$0x2A20]  }
0x11d: {  	s7 =	sadd.s32 $0x100, s7;
	v2 =	vld [tilespmem:s6+$0xA30];
	v5 =	vadd.f32 v5, v7;
	[tilespmem:s5+$0x4A30] =	vst v6  }
0x11e: {  	v6 =	vld [tilespmem:s6+$0x2A30]  }
0x11f: {  	v7 =	vld [tilespmem:s6+$0xA00];
	[tilespmem:s5+$0x4A00] =	vst v5;
	v1 =	vadd.f32 v3, v1  }
0x120: {  	v62 =	vld [tilespmem:s6+$0x2A00]  }
0x121: {  	v5 =	vld [tilespmem:s6+$0xA10];
	[tilespmem:s5+$0x4A10] =	vst v1;
	v0 =	vadd.f32 v4, v0  }
0x122: {  	v1 =	vld [tilespmem:s6+$0x2A10]  }
0x123: {  	v63 =	vld [tilespmem:s6+$0xA20];
	[tilespmem:s5+$0x4A20] =	vst v0  }
0x124: {  	v0 =	vld [tilespmem:s6+$0x2A20];
	_ =	sdelay $0x1  }
0x125: {  	v2 =	vadd.f32 v6, v2  }
0x126: {  	v3 =	vadd.f32 v62, v7  }
0x127: {  	[tilespmem:s6+$0x4A30] =	vst v2;
	v1 =	vadd.f32 v1, v5  }
0x128: {  	s24 =	sld [smem:$0x7FB];
	[tilespmem:s6+$0x4A00] =	vst v3;
	v0 =	vadd.f32 v0, v63  }
0x129: {  	[tilespmem:s6+$0x4A10] =	vst v1  }
0x12a: {  	s7 =	simm.s32 $0xF;
	[tilespmem:s6+$0x4A20] =	vst v0  }
0x12b: {  	[spmem:s24] =	stream.linear.scatter [tilespmem:s22], [sflag:$0xF], $0x2000, $0x38;
	[tilespmem:$0x1EA00] =	vst v63  }
0x12c: {  	_ =	swait.ge [sflag:s7], $0x2000  }
0x12d: {  	[sflag:s7] =	ssyncset.done $0x0  }
0x12e: {  	[sflag:s7] =	ssyncadd.s32 $0xFFFFE000  }
0x12f: {  	s5 =	simm.s32 $0x0;
	[bflag:$0x0] =	sbarrier.arrive $0xFFFF  }
.LBB2_12:
0x130: {  	s24 =	sld [smem:$0x7E8];
	_ =	sdelay $0x1  }
0x131: {  	[smem:$0x7E6] =	sst s5  }
0x132: {  	[tilespmem:s3], [sflag:$0xF] =	stream.linear.gather [hbm4b:s24+s3], $0x280, $0x38;
	[tilespmem:$0x1EA00] =	vst v63  }
0x133: {  	_ =	swait.ge [sflag:s7], $0x280  }
0x134: {  	s6 =	sld [smem:$0x7E9]  }
0x135: {  	[sflag:s7] =	ssyncset.done $0x0  }
0x136: {  	s20 =	simm.s32 $0x500;
	[sflag:s7] =	ssyncadd.s32 $0xFFFFFD80  }
0x137: {  	[tilespmem:s20], [sflag:$0xF] =	stream.linear.gather [hbm4b:s6+s3], $0x280, $0x38;
	[tilespmem:$0x1EA00] =	vst v63  }
0x138: {  	_ =	swait.ge [sflag:s7], $0x280  }
0x139: {  	s24 =	simm.s32 $0x280;
	s8 =	rddreg [dreg:$0x6]  }
0x13a: {  	s6 =	rddreg [dreg:$0x5];
	[sflag:s7] =	ssyncset.done $0x0;
	s5 =	sadd.s32 $0xFFFFF600, s8  }
0x13b: {  	[sflag:s7] =	ssyncadd.s32 $0xFFFFFD80;
	s6 =	sadd.s32 $0xFFFFF600, s6;
	s23 =	sadd.s32 $0xA50, s5  }
0x13c: {  	[tilespmem:s24], [sflag:$0xB] =	stream.linear.gather [hbm4b:s23+s3], $0x280, $0x38;
	[tilespmem:$0x1EA00] =	vst v63  }
0x13d: {  	s8 =	sadd.s32 $0xA50, s6  }
0x13e: {  	[tilespmem:s25], [sflag:$0xC] =	stream.linear.gather [hbm4b:s8+s3], $0x280, $0x38;
	[tilespmem:$0x1EA00] =	vst v63  }
0x13f: {  	_ = 	snop  }
0x140: {  	[tilespmem:s19], [sflag:$0x1] =	stream.indirect.gather [spmem:s1], $0x40, s3, s26, $0xb8;
	[tilespmem:$0x1EA00] =	vst v63  }
0x141: {  	_ = 	snop  }
0x142: {  	[tilespmem:s21], [sflag:$0x2] =	stream.indirect.gather [spmem:s1], $0x40, s26, s26, $0xb8;
	[tilespmem:$0x1EA00] =	vst v63  }
0x143: {  	s23 =	rddreg [dreg:$0x7]  }
0x144: {  	[tilespmem:s22], [sflag:$0x3] =	stream.indirect.gather [spmem:s1], $0x40, s23, s26, $0xb8;
	[tilespmem:$0x1EA00] =	vst v63  }
0x145: {  	s8 =	rddreg [dreg:$0x8]  }
0x146: {  	[tilespmem:s28], [sflag:$0x4] =	stream.indirect.gather [spmem:s1], $0x40, s8, s26, $0xb8;
	[tilespmem:$0x1EA00] =	vst v63  }
0x147: {  	s23 =	rddreg [dreg:$0x9]  }
0x148: {  	[tilespmem:s29], [sflag:$0x5] =	stream.indirect.gather [spmem:s1], $0x40, s23, s26, $0xb8;
	[tilespmem:$0x1EA00] =	vst v63  }
0x149: {  	_ =	swait.ge [sflag:s30], $0x2000  }
0x14a: {  	[sflag:s30] =	ssyncset.done $0x0  }
0x14b: {  	[sflag:s30] =	ssyncadd.s32 $0xFFFFE000  }
0x14c: {  	[spmem:s2] =	stream.indirect.scatter.add.f32 [tilespmem:s19], [sflag:$0x6], $0x40, s20, s26, $0xb8;
	[tilespmem:$0x1EA00] =	vst v63  }
0x14d: {  	_ =	swait.ge [sflag:s31], $0x2000  }
0x14e: {  	[sflag:s31] =	ssyncset.done $0x0  }
0x14f: {  	s8 =	rddreg [dreg:$0xa];
	[sflag:s31] =	ssyncadd.s32 $0xFFFFE000  }
0x150: {  	[spmem:s2] =	stream.indirect.scatter.add.f32 [tilespmem:s21], [sflag:$0x7], $0x40, s8, s26, $0xb8;
	[tilespmem:$0x1EA00] =	vst v63  }
0x151: {  	_ =	swait.ge [sflag:s0], $0x2000  }
0x152: {  	[sflag:s0] =	ssyncset.done $0x0  }
0x153: {  	s23 =	rddreg [dreg:$0xb];
	[sflag:s0] =	ssyncadd.s32 $0xFFFFE000  }
0x154: {  	[spmem:s2] =	stream.indirect.scatter.add.f32 [tilespmem:s22], [sflag:$0x8], $0x40, s23, s26, $0xb8;
	[tilespmem:$0x1EA00] =	vst v63  }
0x155: {  	_ =	swait.ge [sflag:s4], $0x2000  }
0x156: {  	[sflag:s4] =	ssyncset.done $0x0  }
0x157: {  	s8 =	rddreg [dreg:$0xc];
	[sflag:s4] =	ssyncadd.s32 $0xFFFFE000  }
0x158: {  	[spmem:s2] =	stream.indirect.scatter.add.f32 [tilespmem:s28], [sflag:$0x9], $0x40, s8, s26, $0xb8;
	[tilespmem:$0x1EA00] =	vst v63  }
0x159: {  	_ =	swait.ge [sflag:s10], $0x2000  }
0x15a: {  	[sflag:s10] =	ssyncset.done $0x0  }
0x15b: {  	s23 =	rddreg [dreg:$0xd];
	[sflag:s10] =	ssyncadd.s32 $0xFFFFE000  }
0x15c: {  	[spmem:s2] =	stream.indirect.scatter.add.f32 [tilespmem:s29], [sflag:$0xA], $0x40, s23, s26, $0xb8;
	[tilespmem:$0x1EA00] =	vst v63  }
0x15d: {  	_ =	swait.ge [sflag:s14], $0x2000  }
0x15e: {  	[sflag:s14] =	ssyncset.done $0x0  }
0x15f: {  	[sflag:s14] =	ssyncadd.s32 $0xFFFFE000  }
0x160: {  	_ =	swait.ge [sflag:s18], $0x2000  }
0x161: {  	[sflag:s18] =	ssyncset.done $0x0  }
0x162: {  	[sflag:s18] =	ssyncadd.s32 $0xFFFFE000  }
0x163: {  	_ =	swait.ge [sflag:s9], $0x2000  }
0x164: {  	[sflag:s9] =	ssyncset.done $0x0  }
0x165: {  	[sflag:s9] =	ssyncadd.s32 $0xFFFFE000  }
0x166: {  	_ =	swait.ge [sflag:s11], $0x2000  }
0x167: {  	[sflag:s11] =	ssyncset.done $0x0  }
0x168: {  	[sflag:s11] =	ssyncadd.s32 $0xFFFFE000  }
0x169: {  	_ =	swait.ge [sflag:s13], $0x2000  }
0x16a: {  	[sflag:s13] =	ssyncset.done $0x0  }
0x16b: {  	[sflag:s13] =	ssyncadd.s32 $0xFFFFE000  }
0x16c: {  	_ =	swait.ge [sflag:s17], $0x280  }
0x16d: {  	[sflag:s17] =	ssyncset.done $0x0  }
0x16e: {  	[sflag:s17] =	ssyncadd.s32 $0xFFFFFD80  }
0x16f: {  	_ =	swait.ge [sflag:s12], $0x280  }
0x170: {  	[sflag:s12] =	ssyncset.done $0x0  }
0x171: {  	s5 =	sadd.s32 $0xAA0, s5;
	[sflag:s12] =	ssyncadd.s32 $0xFFFFFD80  }
0x172: {  	[tilespmem:s3], [sflag:$0xD] =	stream.linear.gather [hbm4b:s5+s3], $0x280, $0x38;
	[tilespmem:$0x1EA00] =	vst v63  }
0x173: {  	s6 =	sadd.s32 $0xAA0, s6  }
0x174: {  	[tilespmem:s20], [sflag:$0xE] =	stream.linear.gather [hbm4b:s6+s3], $0x280, $0x38;
	[tilespmem:$0x1EA00] =	vst v63  }
0x175: {  	_ = 	snop  }
0x176: {  	[tilespmem:s19], [sflag:$0x1] =	stream.indirect.gather [spmem:s1], $0x40, s24, s26, $0xb8;
	[tilespmem:$0x1EA00] =	vst v63  }
0x177: {  	s7 =	rddreg [dreg:$0xe]  }
0x178: {  	[tilespmem:s21], [sflag:$0x2] =	stream.indirect.gather [spmem:s1], $0x40, s7, s26, $0xb8;
	[tilespmem:$0x1EA00] =	vst v63  }
0x179: {  	s8 =	rddreg [dreg:$0xf]  }
0x17a: {  	[tilespmem:s22], [sflag:$0x3] =	stream.indirect.gather [spmem:s1], $0x40, s8, s26, $0xb8;
	[tilespmem:$0x1EA00] =	vst v63  }
0x17b: {  	s20 =	rddreg [dreg:$0x10]  }
0x17c: {  	[tilespmem:s28], [sflag:$0x4] =	stream.indirect.gather [spmem:s1], $0x40, s20, s26, $0xb8;
	[tilespmem:$0x1EA00] =	vst v63  }
0x17d: {  	s23 =	rddreg [dreg:$0x11]  }
0x17e: {  	[tilespmem:s29], [sflag:$0x5] =	stream.indirect.gather [spmem:s1], $0x40, s23, s26, $0xb8;
	[tilespmem:$0x1EA00] =	vst v63  }
0x17f: {  	_ =	swait.ge [sflag:s30], $0x2000  }
0x180: {  	[sflag:s30] =	ssyncset.done $0x0  }
0x181: {  	[sflag:s30] =	ssyncadd.s32 $0xFFFFE000  }
0x182: {  	[spmem:s2] =	stream.indirect.scatter.add.f32 [tilespmem:s19], [sflag:$0x6], $0x40, s25, s26, $0xb8;
	[tilespmem:$0x1EA00] =	vst v63  }
0x183: {  	_ =	swait.ge [sflag:s31], $0x2000  }
0x184: {  	[sflag:s31] =	ssyncset.done $0x0  }
0x185: {  	s7 =	rddreg [dreg:$0x12];
	[sflag:s31] =	ssyncadd.s32 $0xFFFFE000  }
0x186: {  	[spmem:s2] =	stream.indirect.scatter.add.f32 [tilespmem:s21], [sflag:$0x7], $0x40, s7, s26, $0xb8;
	[tilespmem:$0x1EA00] =	vst v63  }
0x187: {  	_ =	swait.ge [sflag:s0], $0x2000  }
0x188: {  	[sflag:s0] =	ssyncset.done $0x0  }
0x189: {  	s8 =	rddreg [dreg:$0x13];
	[sflag:s0] =	ssyncadd.s32 $0xFFFFE000  }
0x18a: {  	[spmem:s2] =	stream.indirect.scatter.add.f32 [tilespmem:s22], [sflag:$0x8], $0x40, s8, s26, $0xb8;
	[tilespmem:$0x1EA00] =	vst v63  }
0x18b: {  	_ =	swait.ge [sflag:s4], $0x2000  }
0x18c: {  	[sflag:s4] =	ssyncset.done $0x0  }
0x18d: {  	s20 =	rddreg [dreg:$0x14];
	[sflag:s4] =	ssyncadd.s32 $0xFFFFE000  }
0x18e: {  	[spmem:s2] =	stream.indirect.scatter.add.f32 [tilespmem:s28], [sflag:$0x9], $0x40, s20, s26, $0xb8;
	[tilespmem:$0x1EA00] =	vst v63  }
0x18f: {  	_ =	swait.ge [sflag:s10], $0x2000  }
0x190: {  	[sflag:s10] =	ssyncset.done $0x0  }
0x191: {  	s23 =	rddreg [dreg:$0x15];
	[sflag:s10] =	ssyncadd.s32 $0xFFFFE000  }
0x192: {  	[spmem:s2] =	stream.indirect.scatter.add.f32 [tilespmem:s29], [sflag:$0xA], $0x40, s23, s26, $0xb8;
	[tilespmem:$0x1EA00] =	vst v63  }
0x193: {  	_ =	swait.ge [sflag:s14], $0x2000  }
0x194: {  	[sflag:s14] =	ssyncset.done $0x0  }
0x195: {  	[sflag:s14] =	ssyncadd.s32 $0xFFFFE000  }
0x196: {  	_ =	swait.ge [sflag:s18], $0x2000  }
0x197: {  	[sflag:s18] =	ssyncset.done $0x0  }
0x198: {  	[sflag:s18] =	ssyncadd.s32 $0xFFFFE000  }
0x199: {  	_ =	swait.ge [sflag:s9], $0x2000  }
0x19a: {  	[sflag:s9] =	ssyncset.done $0x0  }
0x19b: {  	[sflag:s9] =	ssyncadd.s32 $0xFFFFE000  }
0x19c: {  	_ =	swait.ge [sflag:s11], $0x2000  }
0x19d: {  	[sflag:s11] =	ssyncset.done $0x0  }
0x19e: {  	[sflag:s11] =	ssyncadd.s32 $0xFFFFE000  }
0x19f: {  	_ =	swait.ge [sflag:s13], $0x2000  }
0x1a0: {  	[sflag:s13] =	ssyncset.done $0x0  }
0x1a1: {  	[sflag:s13] =	ssyncadd.s32 $0xFFFFE000  }
0x1a2: {  	_ =	swait.ge [sflag:s15], $0x280  }
0x1a3: {  	[sflag:s15] =	ssyncset.done $0x0  }
0x1a4: {  	[sflag:s15] =	ssyncadd.s32 $0xFFFFFD80  }
0x1a5: {  	s5 =	simm.s32 $0xFFFFF740;
	s20 =	simm.s32 $0xFFFFF6A0;
	_ =	swait.ge [sflag:s16], $0x280  }
.LBB2_13:
0x1a6: {  	s6 =	rddreg [dreg:$0x6]  }
0x1a7: {  	[sflag:s16] =	ssyncset.done $0x0;
	s7 =	rddreg [dreg:$0x5];
	s6 =	sadd.s32 s20, s6  }
0x1a8: {  	[sflag:s16] =	ssyncadd.s32 $0xFFFFFD80;
	s7 =	sadd.s32 s20, s7;
	s23 =	sadd.s32 $0xA50, s6  }
0x1a9: {  	[tilespmem:s24], [sflag:$0xB] =	stream.linear.gather [hbm4b:s23+s3], $0x280, $0x38;
	[tilespmem:$0x1EA00] =	vst v63  }
0x1aa: {  	s24 =	sadd.s32 $0xA50, s7  }
0x1ab: {  	[tilespmem:s25], [sflag:$0xC] =	stream.linear.gather [hbm4b:s24+s3], $0x280, $0x38;
	[tilespmem:$0x1EA00] =	vst v63  }
0x1ac: {  	_ = 	snop  }
0x1ad: {  	[tilespmem:s19], [sflag:$0x1] =	stream.indirect.gather [spmem:s1], $0x40, s3, s26, $0xb8;
	[tilespmem:$0x1EA00] =	vst v63  }
0x1ae: {  	s8 =	smov.u32 s5  }
0x1af: {  	[tilespmem:s21], [sflag:$0x2] =	stream.indirect.gather [spmem:s1], $0x40, s26, s26, $0xb8;
	[tilespmem:$0x1EA00] =	vst v63  }
0x1b0: {  	s20 =	smov.u32 s8;
	s8 =	rddreg [dreg:$0x7]  }
0x1b1: {  	[tilespmem:s22], [sflag:$0x3] =	stream.indirect.gather [spmem:s1], $0x40, s8, s26, $0xb8;
	[tilespmem:$0x1EA00] =	vst v63  }
0x1b2: {  	s23 =	rddreg [dreg:$0x8]  }
0x1b3: {  	[tilespmem:s28], [sflag:$0x4] =	stream.indirect.gather [spmem:s1], $0x40, s23, s26, $0xb8;
	[tilespmem:$0x1EA00] =	vst v63  }
0x1b4: {  	s24 =	rddreg [dreg:$0x9]  }
0x1b5: {  	[tilespmem:s29], [sflag:$0x5] =	stream.indirect.gather [spmem:s1], $0x40, s24, s26, $0xb8;
	[tilespmem:$0x1EA00] =	vst v63  }
0x1b6: {  	_ =	swait.ge [sflag:s30], $0x2000  }
0x1b7: {  	[sflag:s30] =	ssyncset.done $0x0  }
0x1b8: {  	s23 =	simm.s32 $0x500;
	[sflag:s30] =	ssyncadd.s32 $0xFFFFE000  }
0x1b9: {  	[spmem:s2] =	stream.indirect.scatter.add.f32 [tilespmem:s19], [sflag:$0x6], $0x40, s23, s26, $0xb8;
	[tilespmem:$0x1EA00] =	vst v63  }
0x1ba: {  	_ =	swait.ge [sflag:s31], $0x2000  }
0x1bb: {  	[sflag:s31] =	ssyncset.done $0x0  }
0x1bc: {  	s8 =	rddreg [dreg:$0xa];
	[sflag:s31] =	ssyncadd.s32 $0xFFFFE000  }
0x1bd: {  	[spmem:s2] =	stream.indirect.scatter.add.f32 [tilespmem:s21], [sflag:$0x7], $0x40, s8, s26, $0xb8;
	[tilespmem:$0x1EA00] =	vst v63  }
0x1be: {  	_ =	swait.ge [sflag:s0], $0x2000  }
0x1bf: {  	[sflag:s0] =	ssyncset.done $0x0  }
0x1c0: {  	s8 =	rddreg [dreg:$0xb];
	[sflag:s0] =	ssyncadd.s32 $0xFFFFE000  }
0x1c1: {  	[spmem:s2] =	stream.indirect.scatter.add.f32 [tilespmem:s22], [sflag:$0x8], $0x40, s8, s26, $0xb8;
	[tilespmem:$0x1EA00] =	vst v63  }
0x1c2: {  	_ =	swait.ge [sflag:s4], $0x2000  }
0x1c3: {  	[sflag:s4] =	ssyncset.done $0x0  }
0x1c4: {  	s8 =	rddreg [dreg:$0xc];
	[sflag:s4] =	ssyncadd.s32 $0xFFFFE000  }
0x1c5: {  	[spmem:s2] =	stream.indirect.scatter.add.f32 [tilespmem:s28], [sflag:$0x9], $0x40, s8, s26, $0xb8;
	[tilespmem:$0x1EA00] =	vst v63  }
0x1c6: {  	_ =	swait.ge [sflag:s10], $0x2000  }
0x1c7: {  	[sflag:s10] =	ssyncset.done $0x0  }
0x1c8: {  	s8 =	rddreg [dreg:$0xd];
	[sflag:s10] =	ssyncadd.s32 $0xFFFFE000  }
0x1c9: {  	[spmem:s2] =	stream.indirect.scatter.add.f32 [tilespmem:s29], [sflag:$0xA], $0x40, s8, s26, $0xb8;
	[tilespmem:$0x1EA00] =	vst v63  }
0x1ca: {  	_ =	swait.ge [sflag:s14], $0x2000  }
0x1cb: {  	[sflag:s14] =	ssyncset.done $0x0  }
0x1cc: {  	[sflag:s14] =	ssyncadd.s32 $0xFFFFE000  }
0x1cd: {  	_ =	swait.ge [sflag:s18], $0x2000  }
0x1ce: {  	[sflag:s18] =	ssyncset.done $0x0  }
0x1cf: {  	[sflag:s18] =	ssyncadd.s32 $0xFFFFE000  }
0x1d0: {  	_ =	swait.ge [sflag:s9], $0x2000  }
0x1d1: {  	[sflag:s9] =	ssyncset.done $0x0  }
0x1d2: {  	[sflag:s9] =	ssyncadd.s32 $0xFFFFE000  }
0x1d3: {  	_ =	swait.ge [sflag:s11], $0x2000  }
0x1d4: {  	[sflag:s11] =	ssyncset.done $0x0  }
0x1d5: {  	[sflag:s11] =	ssyncadd.s32 $0xFFFFE000  }
0x1d6: {  	_ =	swait.ge [sflag:s13], $0x2000  }
0x1d7: {  	[sflag:s13] =	ssyncset.done $0x0  }
0x1d8: {  	[sflag:s13] =	ssyncadd.s32 $0xFFFFE000  }
0x1d9: {  	_ =	swait.ge [sflag:s17], $0x280  }
0x1da: {  	[sflag:s17] =	ssyncset.done $0x0  }
0x1db: {  	[sflag:s17] =	ssyncadd.s32 $0xFFFFFD80  }
0x1dc: {  	_ =	swait.ge [sflag:s12], $0x280  }
0x1dd: {  	[sflag:s12] =	ssyncset.done $0x0  }
0x1de: {  	s6 =	sadd.s32 $0xAA0, s6;
	[sflag:s12] =	ssyncadd.s32 $0xFFFFFD80  }
0x1df: {  	[tilespmem:s3], [sflag:$0xD] =	stream.linear.gather [hbm4b:s6+s3], $0x280, $0x38;
	[tilespmem:$0x1EA00] =	vst v63  }
0x1e0: {  	s7 =	sadd.s32 $0xAA0, s7  }
0x1e1: {  	[tilespmem:s23], [sflag:$0xE] =	stream.linear.gather [hbm4b:s7+s3], $0x280, $0x38;
	[tilespmem:$0x1EA00] =	vst v63  }
0x1e2: {  	s24 =	simm.s32 $0x280  }
0x1e3: {  	[tilespmem:s19], [sflag:$0x1] =	stream.indirect.gather [spmem:s1], $0x40, s24, s26, $0xb8;
	[tilespmem:$0x1EA00] =	vst v63  }
0x1e4: {  	s6 =	rddreg [dreg:$0xe]  }
0x1e5: {  	[tilespmem:s21], [sflag:$0x2] =	stream.indirect.gather [spmem:s1], $0x40, s6, s26, $0xb8;
	[tilespmem:$0x1EA00] =	vst v63  }
0x1e6: {  	s7 =	rddreg [dreg:$0xf]  }
0x1e7: {  	[tilespmem:s22], [sflag:$0x3] =	stream.indirect.gather [spmem:s1], $0x40, s7, s26, $0xb8;
	[tilespmem:$0x1EA00] =	vst v63  }
0x1e8: {  	s8 =	rddreg [dreg:$0x10]  }
0x1e9: {  	[tilespmem:s28], [sflag:$0x4] =	stream.indirect.gather [spmem:s1], $0x40, s8, s26, $0xb8;
	[tilespmem:$0x1EA00] =	vst v63  }
0x1ea: {  	s6 =	rddreg [dreg:$0x11]  }
0x1eb: {  	[tilespmem:s29], [sflag:$0x5] =	stream.indirect.gather [spmem:s1], $0x40, s6, s26, $0xb8;
	[tilespmem:$0x1EA00] =	vst v63  }
0x1ec: {  	_ =	swait.ge [sflag:s30], $0x2000  }
0x1ed: {  	[sflag:s30] =	ssyncset.done $0x0  }
0x1ee: {  	[sflag:s30] =	ssyncadd.s32 $0xFFFFE000  }
0x1ef: {  	[spmem:s2] =	stream.indirect.scatter.add.f32 [tilespmem:s19], [sflag:$0x6], $0x40, s25, s26, $0xb8;
	[tilespmem:$0x1EA00] =	vst v63  }
0x1f0: {  	_ =	swait.ge [sflag:s31], $0x2000  }
0x1f1: {  	[sflag:s31] =	ssyncset.done $0x0  }
0x1f2: {  	s7 =	rddreg [dreg:$0x12];
	[sflag:s31] =	ssyncadd.s32 $0xFFFFE000  }
0x1f3: {  	[spmem:s2] =	stream.indirect.scatter.add.f32 [tilespmem:s21], [sflag:$0x7], $0x40, s7, s26, $0xb8;
	[tilespmem:$0x1EA00] =	vst v63  }
0x1f4: {  	_ =	swait.ge [sflag:s0], $0x2000  }
0x1f5: {  	[sflag:s0] =	ssyncset.done $0x0  }
0x1f6: {  	s8 =	rddreg [dreg:$0x13];
	[sflag:s0] =	ssyncadd.s32 $0xFFFFE000  }
0x1f7: {  	[spmem:s2] =	stream.indirect.scatter.add.f32 [tilespmem:s22], [sflag:$0x8], $0x40, s8, s26, $0xb8;
	[tilespmem:$0x1EA00] =	vst v63  }
0x1f8: {  	_ =	swait.ge [sflag:s4], $0x2000  }
0x1f9: {  	[sflag:s4] =	ssyncset.done $0x0  }
0x1fa: {  	s7 =	rddreg [dreg:$0x14];
	[sflag:s4] =	ssyncadd.s32 $0xFFFFE000  }
0x1fb: {  	[spmem:s2] =	stream.indirect.scatter.add.f32 [tilespmem:s28], [sflag:$0x9], $0x40, s7, s26, $0xb8;
	[tilespmem:$0x1EA00] =	vst v63  }
0x1fc: {  	_ =	swait.ge [sflag:s10], $0x2000  }
0x1fd: {  	[sflag:s10] =	ssyncset.done $0x0  }
0x1fe: {  	s8 =	rddreg [dreg:$0x15];
	[sflag:s10] =	ssyncadd.s32 $0xFFFFE000  }
0x1ff: {  	[spmem:s2] =	stream.indirect.scatter.add.f32 [tilespmem:s29], [sflag:$0xA], $0x40, s8, s26, $0xb8;
	[tilespmem:$0x1EA00] =	vst v63  }
0x200: {  	_ =	swait.ge [sflag:s14], $0x2000  }
0x201: {  	[sflag:s14] =	ssyncset.done $0x0  }
0x202: {  	[sflag:s14] =	ssyncadd.s32 $0xFFFFE000  }
0x203: {  	_ =	swait.ge [sflag:s18], $0x2000  }
0x204: {  	[sflag:s18] =	ssyncset.done $0x0  }
0x205: {  	[sflag:s18] =	ssyncadd.s32 $0xFFFFE000  }
0x206: {  	_ =	swait.ge [sflag:s9], $0x2000  }
0x207: {  	[sflag:s9] =	ssyncset.done $0x0  }
0x208: {  	[sflag:s9] =	ssyncadd.s32 $0xFFFFE000  }
0x209: {  	_ =	swait.ge [sflag:s11], $0x2000  }
0x20a: {  	[sflag:s11] =	ssyncset.done $0x0  }
0x20b: {  	[sflag:s11] =	ssyncadd.s32 $0xFFFFE000  }
0x20c: {  	_ =	swait.ge [sflag:s13], $0x2000  }
0x20d: {  	p0 =	sne.s32 s5, $0xFFFFFF60;
	[sflag:s13] =	ssyncset.done $0x0  }
.Ltmp5:
0x20e: {  	[sflag:s13] =	ssyncadd.s32 $0xFFFFE000;
	(pc) =	sbr.rel @p0 .LBB2_13-.Ltmp5, $4  }
0x20f: {  	_ =	swait.ge [sflag:s15], $0x280  }
0x210: {  	[sflag:s15] =	ssyncset.done $0x0  }
0x211: {  	[sflag:s15] =	ssyncadd.s32 $0xFFFFFD80  }
0x212: {  	s5 =	sadd.s32 $0xA0, s5;
	_ =	swait.ge [sflag:s16], $0x280  }
0x213: {  	s5 =	rddreg [dreg:$0x6]  }
0x214: {  	s6 =	rddreg [dreg:$0x5];
	[sflag:s16] =	ssyncset.done $0x0;
	s5 =	sadd.s32 s20, s5  }
0x215: {  	[sflag:s16] =	ssyncadd.s32 $0xFFFFFD80;
	s6 =	sadd.s32 s20, s6;
	s7 =	sadd.s32 $0xA50, s5  }
0x216: {  	[tilespmem:s24], [sflag:$0xB] =	stream.linear.gather [hbm4b:s7+s3], $0x280, $0x38;
	[tilespmem:$0x1EA00] =	vst v63  }
0x217: {  	s8 =	sadd.s32 $0xA50, s6  }
0x218: {  	[tilespmem:s25], [sflag:$0xC] =	stream.linear.gather [hbm4b:s8+s3], $0x280, $0x38;
	[tilespmem:$0x1EA00] =	vst v63  }
0x219: {  	_ = 	snop  }
0x21a: {  	[tilespmem:s19], [sflag:$0x1] =	stream.indirect.gather [spmem:s1], $0x40, s3, s26, $0xb8;
	[tilespmem:$0x1EA00] =	vst v63  }
0x21b: {  	_ = 	snop  }
0x21c: {  	[tilespmem:s21], [sflag:$0x2] =	stream.indirect.gather [spmem:s1], $0x40, s26, s26, $0xb8;
	[tilespmem:$0x1EA00] =	vst v63  }
0x21d: {  	s20 =	rddreg [dreg:$0x7]  }
0x21e: {  	[tilespmem:s22], [sflag:$0x3] =	stream.indirect.gather [spmem:s1], $0x40, s20, s26, $0xb8;
	[tilespmem:$0x1EA00] =	vst v63  }
0x21f: {  	s8 =	rddreg [dreg:$0x8]  }
0x220: {  	[tilespmem:s28], [sflag:$0x4] =	stream.indirect.gather [spmem:s1], $0x40, s8, s26, $0xb8;
	[tilespmem:$0x1EA00] =	vst v63  }
0x221: {  	s20 =	rddreg [dreg:$0x9]  }
0x222: {  	[tilespmem:s29], [sflag:$0x5] =	stream.indirect.gather [spmem:s1], $0x40, s20, s26, $0xb8;
	[tilespmem:$0x1EA00] =	vst v63  }
0x223: {  	_ =	swait.ge [sflag:s30], $0x2000  }
0x224: {  	[sflag:s30] =	ssyncset.done $0x0  }
0x225: {  	[sflag:s30] =	ssyncadd.s32 $0xFFFFE000  }
0x226: {  	[spmem:s2] =	stream.indirect.scatter.add.f32 [tilespmem:s19], [sflag:$0x6], $0x40, s23, s26, $0xb8;
	[tilespmem:$0x1EA00] =	vst v63  }
0x227: {  	_ =	swait.ge [sflag:s31], $0x2000  }
0x228: {  	[sflag:s31] =	ssyncset.done $0x0  }
0x229: {  	s8 =	rddreg [dreg:$0xa];
	[sflag:s31] =	ssyncadd.s32 $0xFFFFE000  }
0x22a: {  	[spmem:s2] =	stream.indirect.scatter.add.f32 [tilespmem:s21], [sflag:$0x7], $0x40, s8, s26, $0xb8;
	[tilespmem:$0x1EA00] =	vst v63  }
0x22b: {  	_ =	swait.ge [sflag:s0], $0x2000  }
0x22c: {  	[sflag:s0] =	ssyncset.done $0x0  }
0x22d: {  	s20 =	rddreg [dreg:$0xb];
	[sflag:s0] =	ssyncadd.s32 $0xFFFFE000  }
0x22e: {  	[spmem:s2] =	stream.indirect.scatter.add.f32 [tilespmem:s22], [sflag:$0x8], $0x40, s20, s26, $0xb8;
	[tilespmem:$0x1EA00] =	vst v63  }
0x22f: {  	_ =	swait.ge [sflag:s4], $0x2000  }
0x230: {  	[sflag:s4] =	ssyncset.done $0x0  }
0x231: {  	s8 =	rddreg [dreg:$0xc];
	[sflag:s4] =	ssyncadd.s32 $0xFFFFE000  }
0x232: {  	[spmem:s2] =	stream.indirect.scatter.add.f32 [tilespmem:s28], [sflag:$0x9], $0x40, s8, s26, $0xb8;
	[tilespmem:$0x1EA00] =	vst v63  }
0x233: {  	_ =	swait.ge [sflag:s10], $0x2000  }
0x234: {  	[sflag:s10] =	ssyncset.done $0x0  }
0x235: {  	s20 =	rddreg [dreg:$0xd];
	[sflag:s10] =	ssyncadd.s32 $0xFFFFE000  }
0x236: {  	[spmem:s2] =	stream.indirect.scatter.add.f32 [tilespmem:s29], [sflag:$0xA], $0x40, s20, s26, $0xb8;
	[tilespmem:$0x1EA00] =	vst v63  }
0x237: {  	_ =	swait.ge [sflag:s14], $0x2000  }
0x238: {  	[sflag:s14] =	ssyncset.done $0x0  }
0x239: {  	[sflag:s14] =	ssyncadd.s32 $0xFFFFE000  }
0x23a: {  	_ =	swait.ge [sflag:s18], $0x2000  }
0x23b: {  	[sflag:s18] =	ssyncset.done $0x0  }
0x23c: {  	[sflag:s18] =	ssyncadd.s32 $0xFFFFE000  }
0x23d: {  	_ =	swait.ge [sflag:s9], $0x2000  }
0x23e: {  	[sflag:s9] =	ssyncset.done $0x0  }
0x23f: {  	[sflag:s9] =	ssyncadd.s32 $0xFFFFE000  }
0x240: {  	_ =	swait.ge [sflag:s11], $0x2000  }
0x241: {  	[sflag:s11] =	ssyncset.done $0x0  }
0x242: {  	[sflag:s11] =	ssyncadd.s32 $0xFFFFE000  }
0x243: {  	_ =	swait.ge [sflag:s13], $0x2000  }
0x244: {  	[sflag:s13] =	ssyncset.done $0x0  }
0x245: {  	[sflag:s13] =	ssyncadd.s32 $0xFFFFE000  }
0x246: {  	_ =	swait.ge [sflag:s17], $0x280  }
0x247: {  	[sflag:s17] =	ssyncset.done $0x0  }
0x248: {  	[sflag:s17] =	ssyncadd.s32 $0xFFFFFD80  }
0x249: {  	_ =	swait.ge [sflag:s12], $0x280  }
0x24a: {  	[sflag:s12] =	ssyncset.done $0x0  }
0x24b: {  	s5 =	sadd.s32 $0xAA0, s5;
	[sflag:s12] =	ssyncadd.s32 $0xFFFFFD80  }
0x24c: {  	[tilespmem:s3], [sflag:$0xD] =	stream.linear.gather [hbm4b:s5+s3], $0x280, $0x38;
	[tilespmem:$0x1EA00] =	vst v63  }
0x24d: {  	s8 =	sadd.s32 $0xAA0, s6  }
0x24e: {  	[tilespmem:s23], [sflag:$0xE] =	stream.linear.gather [hbm4b:s8+s3], $0x280, $0x38;
	[tilespmem:$0x1EA00] =	vst v63  }
0x24f: {  	_ = 	snop  }
0x250: {  	[tilespmem:s19], [sflag:$0x1] =	stream.indirect.gather [spmem:s1], $0x40, s24, s26, $0xb8;
	[tilespmem:$0x1EA00] =	vst v63  }
0x251: {  	s20 =	rddreg [dreg:$0xe]  }
0x252: {  	[tilespmem:s21], [sflag:$0x2] =	stream.indirect.gather [spmem:s1], $0x40, s20, s26, $0xb8;
	[tilespmem:$0x1EA00] =	vst v63  }
0x253: {  	s23 =	rddreg [dreg:$0xf]  }
0x254: {  	[tilespmem:s22], [sflag:$0x3] =	stream.indirect.gather [spmem:s1], $0x40, s23, s26, $0xb8;
	[tilespmem:$0x1EA00] =	vst v63  }
0x255: {  	s24 =	rddreg [dreg:$0x10]  }
0x256: {  	[tilespmem:s28], [sflag:$0x4] =	stream.indirect.gather [spmem:s1], $0x40, s24, s26, $0xb8;
	[tilespmem:$0x1EA00] =	vst v63  }
0x257: {  	s7 =	rddreg [dreg:$0x11]  }
0x258: {  	[tilespmem:s29], [sflag:$0x5] =	stream.indirect.gather [spmem:s1], $0x40, s7, s26, $0xb8;
	[tilespmem:$0x1EA00] =	vst v63  }
0x259: {  	_ =	swait.ge [sflag:s30], $0x2000  }
0x25a: {  	[sflag:s30] =	ssyncset.done $0x0  }
0x25b: {  	[sflag:s30] =	ssyncadd.s32 $0xFFFFE000  }
0x25c: {  	[spmem:s2] =	stream.indirect.scatter.add.f32 [tilespmem:s19], [sflag:$0x6], $0x40, s25, s26, $0xb8;
	[tilespmem:$0x1EA00] =	vst v63  }
0x25d: {  	_ =	swait.ge [sflag:s31], $0x2000  }
0x25e: {  	[sflag:s31] =	ssyncset.done $0x0  }
0x25f: {  	s8 =	rddreg [dreg:$0x12];
	[sflag:s31] =	ssyncadd.s32 $0xFFFFE000  }
0x260: {  	[spmem:s2] =	stream.indirect.scatter.add.f32 [tilespmem:s21], [sflag:$0x7], $0x40, s8, s26, $0xb8;
	[tilespmem:$0x1EA00] =	vst v63  }
0x261: {  	_ =	swait.ge [sflag:s0], $0x2000  }
0x262: {  	[sflag:s0] =	ssyncset.done $0x0  }
0x263: {  	s20 =	rddreg [dreg:$0x13];
	[sflag:s0] =	ssyncadd.s32 $0xFFFFE000  }
0x264: {  	[spmem:s2] =	stream.indirect.scatter.add.f32 [tilespmem:s22], [sflag:$0x8], $0x40, s20, s26, $0xb8;
	[tilespmem:$0x1EA00] =	vst v63  }
0x265: {  	_ =	swait.ge [sflag:s4], $0x2000  }
0x266: {  	[sflag:s4] =	ssyncset.done $0x0  }
0x267: {  	s23 =	rddreg [dreg:$0x14];
	[sflag:s4] =	ssyncadd.s32 $0xFFFFE000  }
0x268: {  	[spmem:s2] =	stream.indirect.scatter.add.f32 [tilespmem:s28], [sflag:$0x9], $0x40, s23, s26, $0xb8;
	[tilespmem:$0x1EA00] =	vst v63  }
0x269: {  	_ =	swait.ge [sflag:s10], $0x2000  }
0x26a: {  	[sflag:s10] =	ssyncset.done $0x0  }
0x26b: {  	s24 =	rddreg [dreg:$0x15];
	[sflag:s10] =	ssyncadd.s32 $0xFFFFE000  }
0x26c: {  	[spmem:s2] =	stream.indirect.scatter.add.f32 [tilespmem:s29], [sflag:$0xA], $0x40, s24, s26, $0xb8;
	[tilespmem:$0x1EA00] =	vst v63  }
0x26d: {  	_ =	swait.ge [sflag:s14], $0x2000  }
0x26e: {  	[sflag:s14] =	ssyncset.done $0x0  }
0x26f: {  	[sflag:s14] =	ssyncadd.s32 $0xFFFFE000  }
0x270: {  	_ =	swait.ge [sflag:s18], $0x2000  }
0x271: {  	[sflag:s18] =	ssyncset.done $0x0  }
0x272: {  	[sflag:s18] =	ssyncadd.s32 $0xFFFFE000  }
0x273: {  	_ =	swait.ge [sflag:s9], $0x2000  }
0x274: {  	[sflag:s9] =	ssyncset.done $0x0  }
0x275: {  	[sflag:s9] =	ssyncadd.s32 $0xFFFFE000  }
0x276: {  	_ =	swait.ge [sflag:s11], $0x2000  }
0x277: {  	[sflag:s11] =	ssyncset.done $0x0  }
0x278: {  	[sflag:s11] =	ssyncadd.s32 $0xFFFFE000  }
0x279: {  	_ =	swait.ge [sflag:s13], $0x2000  }
0x27a: {  	[sflag:s13] =	ssyncset.done $0x0  }
0x27b: {  	[sflag:s13] =	ssyncadd.s32 $0xFFFFE000  }
0x27c: {  	_ =	swait.ge [sflag:s15], $0x280  }
0x27d: {  	[sflag:s15] =	ssyncset.done $0x0  }
0x27e: {  	[sflag:s15] =	ssyncadd.s32 $0xFFFFFD80  }
0x27f: {  	_ =	swait.ge [sflag:s16], $0x280  }
0x280: {  	[sflag:s16] =	ssyncset.done $0x0  }
0x281: {  	[sflag:s16] =	ssyncadd.s32 $0xFFFFFD80  }
0x282: {  	[bflag:$0x0] =	sbarrier.arrive $0xFFFF  }
0x283: {  	s20 =	simm.s32 $0x0;
	s24 =	rddreg [dreg:$0x16]  }
.LBB2_15:
0x284: {  	s5 =	sshll.u32 s20, $0x7;
	s6 =	rddreg [dreg:$0x18]  }
0x285: {  	s5 =	sadd.s32 s6, s5  }
0x286: {  	s7 =	sshll.u32 s5, $0x6  }
0x287: {  	s8 =	sadd.s32 s7, s2  }
0x288: {  	[tilespmem:s19], [sflag:$0x1] =	stream.linear.gather [spmem:s8], $0x2000, $0x38;
	[tilespmem:$0x1EA00] =	vst v63  }
0x289: {  	s23 =	smov.u32 s8;
	s8 =	rddreg [dreg:$0x19]  }
0x28a: {  	s5 =	sadd.s32 s8, s5  }
0x28b: {  	s8 =	rddreg [dreg:$0x17];
	s5 =	sshll.u32 s5, $0x3  }
0x28c: {  	s6 =	sadd.s32 s8, s5;
	s8 =	simm.s32 $0x0  }
0x28d: {  	[tilespmem:s21], [sflag:$0x2] =	stream.linear.gather [hbm4b:s6+s8], $0x2000, $0x38;
	[tilespmem:$0x1EA00] =	vst v63  }
0x28e: {  	s5 =	sadd.s32 s24, s5  }
0x28f: {  	[tilespmem:s22], [sflag:$0x3] =	stream.linear.gather [hbm4b:s5+s8], $0x2000, $0x38;
	[tilespmem:$0x1EA00] =	vst v63  }
0x290: {  	_ =	swait.ge [sflag:s30], $0x2000  }
0x291: {  	[sflag:s30] =	ssyncset.done $0x0  }
0x292: {  	[sflag:s30] =	ssyncadd.s32 $0xFFFFE000  }
0x293: {  	_ =	swait.ge [sflag:s31], $0x2000  }
0x294: {  	[sflag:s31] =	ssyncset.done $0x0  }
0x295: {  	[sflag:s31] =	ssyncadd.s32 $0xFFFFE000  }
0x296: {  	_ =	swait.ge [sflag:s0], $0x2000  }
0x297: {  	[sflag:s0] =	ssyncset.done $0x0  }
0x298: {  	s8 =	simm.s32 $0x0;
	[sflag:s0] =	ssyncadd.s32 $0xFFFFE000  }
0x299: {  	v0 =	vld [tilespmem:s8+$0xA30]  }
0x29a: {  	v1 =	vld [tilespmem:s8+$0x2A30]  }
0x29b: {  	v3 =	vld [tilespmem:s8+$0xA00]  }
0x29c: {  	v4 =	vld [tilespmem:s8+$0x4A30]  }
0x29d: {  	v6 =	vld [tilespmem:s8+$0x2A00]  }
0x29e: {  	v7 =	vld [tilespmem:s8+$0xA10]  }
0x29f: {  	v8 =	vld [tilespmem:s8+$0x2A10];
	v0 =	vmul.f32 v1, v0  }
0x2a0: {  	v2 =	vld [tilespmem:s8+$0x2A20]  }
0x2a1: {  	v1 =	vld [tilespmem:s8+$0xA20];
	[tilespmem:s8+$0x6A30] =	vst v0;
	v0 =	vadd.f32 v4, v0  }
0x2a2: {  	v5 =	vld [tilespmem:s8+$0x4A00];
	v4 =	vmul.f32 v6, v3  }
0x2a3: {  	v3 =	vld [tilespmem:s8+$0x4A10];
	[tilespmem:s8+$0x8A30] =	vst v0  }
0x2a4: {  	s5 =	simm.s32 $0x40;
	v7 =	vmul.f32 v8, v7;
	v6 =	vld [tilespmem:s8+$0x4A20];
	[tilespmem:s8+$0x6A00] =	vst v4  }
0x2a5: {  	s6 =	simm.s32 $0x200;
	v0 =	vld [tilespmem:s5+$0xA30]  }
.LBB2_16:
0x2a6: {  	p0 =	sne.s32 s6, $0x7F00;
	v8 =	vld [tilespmem:s5+$0x2A30];
	[tilespmem:s8+$0x6A10] =	vst v7;
	v1 =	vmul.f32 v2, v1  }
0x2a7: {  	v9 =	vld [tilespmem:s5+$0xA00];
	v2 =	vadd.f32 v5, v4  }
0x2a8: {  	v4 =	vld [tilespmem:s5+$0x4A30];
	v3 =	vadd.f32 v3, v7;
	[tilespmem:s8+$0x6A20] =	vst v1  }
0x2a9: {  	v5 =	vld [tilespmem:s5+$0x2A00];
	[tilespmem:s8+$0x8A00] =	vst v2;
	v1 =	vadd.f32 v6, v1  }
0x2aa: {  	v6 =	vld [tilespmem:s5+$0xA10];
	[tilespmem:s8+$0x8A10] =	vst v3  }
0x2ab: {  	v7 =	vld [tilespmem:s5+$0x2A10];
	v0 =	vmul.f32 v8, v0;
	[tilespmem:s8+$0x8A20] =	vst v1;
	s8 =	smov.u32 s5  }
0x2ac: {  	v1 =	vld [tilespmem:s8+$0xA20]  }
.Ltmp6:
0x2ad: {  	v2 =	vld [tilespmem:s8+$0x2A20];
	[tilespmem:s8+$0x6A30] =	vst v0;
	v0 =	vadd.f32 v4, v0;
	(pc) =	sbr.rel @p0 .LBB2_16-.Ltmp6, $4  }
0x2ae: {  	v4 =	vmul.f32 v5, v9;
	v5 =	vld [tilespmem:s8+$0x4A00]  }
0x2af: {  	v3 =	vld [tilespmem:s8+$0x4A10];
	[tilespmem:s8+$0x8A30] =	vst v0  }
0x2b0: {  	s5 =	sshra.s32 s6, $0x2;
	[tilespmem:s8+$0x6A00] =	vst v4;
	v7 =	vmul.f32 v7, v6;
	v6 =	vld [tilespmem:s8+$0x4A20]  }
0x2b1: {  	s6 =	sadd.s32 $0x100, s6;
	v0 =	vld [tilespmem:s5+$0xA30]  }
0x2b2: {  	v8 =	vld [tilespmem:s5+$0x2A30];
	[tilespmem:s8+$0x6A10] =	vst v7;
	v1 =	vmul.f32 v2, v1  }
0x2b3: {  	v58 =	vld [tilespmem:s5+$0xA00];
	v4 =	vadd.f32 v5, v4  }
0x2b4: {  	v9 =	vld [tilespmem:s5+$0x4A30];
	[tilespmem:s8+$0x6A20] =	vst v1;
	v3 =	vadd.f32 v3, v7  }
0x2b5: {  	v59 =	vld [tilespmem:s5+$0x2A00];
	[tilespmem:s8+$0x8A00] =	vst v4;
	v1 =	vadd.f32 v6, v1  }
0x2b6: {  	v4 =	vld [tilespmem:s5+$0xA10];
	[tilespmem:s8+$0x8A10] =	vst v3  }
0x2b7: {  	v3 =	vld [tilespmem:s5+$0x2A10];
	[tilespmem:s8+$0x8A20] =	vst v1  }
0x2b8: {  	v1 =	vld [tilespmem:s5+$0xA20]  }
0x2b9: {  	v0 =	vmul.f32 v8, v0;
	v60 =	vld [tilespmem:s5+$0x2A20]  }
0x2ba: {  	v61 =	vld [tilespmem:s5+$0x4A00]  }
0x2bb: {  	v62 =	vld [tilespmem:s5+$0x4A10];
	[tilespmem:s5+$0x6A30] =	vst v0;
	v0 =	vadd.f32 v9, v0  }
0x2bc: {  	v63 =	vld [tilespmem:s5+$0x4A20];
	v2 =	vmul.f32 v59, v58  }
0x2bd: {  	[tilespmem:s5+$0x8A30] =	vst v0;
	v3 =	vmul.f32 v3, v4  }
0x2be: {  	[tilespmem:s5+$0x6A00] =	vst v2;
	v1 =	vmul.f32 v60, v1  }
0x2bf: {  	v2 =	vadd.f32 v61, v2;
	[tilespmem:s5+$0x6A10] =	vst v3  }
0x2c0: {  	v3 =	vadd.f32 v62, v3;
	[tilespmem:s5+$0x6A20] =	vst v1  }
0x2c1: {  	[tilespmem:s5+$0x8A00] =	vst v2;
	v0 =	vadd.f32 v63, v1  }
0x2c2: {  	[tilespmem:s5+$0x8A10] =	vst v3  }
0x2c3: {  	s8 =	sadd.s32 s7, s1;
	[tilespmem:s5+$0x8A20] =	vst v0  }
0x2c4: {  	[spmem:s8] =	stream.linear.scatter [tilespmem:s28], [sflag:$0x6], $0x2000, $0x38;
	[tilespmem:$0x1EA00] =	vst v63  }
0x2c5: {  	s20 =	sadd.s32 $0x1, s20  }
0x2c6: {  	[spmem:s23] =	stream.linear.scatter [tilespmem:s29], [sflag:$0x7], $0x2000, $0x38;
	[tilespmem:$0x1EA00] =	vst v63  }
0x2c7: {  	p0 =	sne.s32 s20, $0x5;
	_ =	swait.ge [sflag:s14], $0x2000  }
.Ltmp7:
0x2c8: {  	[sflag:s14] =	ssyncset.done $0x0;
	(pc) =	sbr.rel @p0 .LBB2_15-.Ltmp7, $4  }
0x2c9: {  	[sflag:s14] =	ssyncadd.s32 $0xFFFFE000  }
0x2ca: {  	_ =	swait.ge [sflag:s18], $0x2000  }
0x2cb: {  	[sflag:s18] =	ssyncset.done $0x0  }
0x2cc: {  	[sflag:s18] =	ssyncadd.s32 $0xFFFFE000  }
0x2cd: {  	s5 =	sld [smem:$0x7E6];
	_ =	sdelay $0x2  }
0x2ce: {  	s5 =	sadd.s32 $0x1, s5  }
0x2cf: {  	p0 =	sne.s32 s5, $0x32  }
.Ltmp8:
0x2d0: {  	_ = 	snop;
	(pc) =	sbr.rel @p0 .LBB2_12-.Ltmp8, $3  }
0x2d1: {  	_ =	sdelay $0x1  }
0x2d2: {  	[bflag:$0x0] =	sbarrier.arrive $0xFFFF  }
0x2d3: {  	s7 =	simm.s32 $0xF  }
0x2d4: {  	s20 =	rddreg [dreg:$0x1a]  }
0x2d5: {  	[tilespmem:s19], [sflag:$0xF] =	stream.linear.gather [spmem:s20], $0x2000, $0x38;
	[tilespmem:$0x1EA00] =	vst v63  }
0x2d6: {  	_ =	swait.ge [sflag:s7], $0x2000  }
0x2d7: {  	s5 =	sld [smem:$0x7F2]  }
0x2d8: {  	[sflag:s7] =	ssyncset.done $0x0  }
0x2d9: {  	[sflag:s7] =	ssyncadd.s32 $0xFFFFE000  }
0x2da: {  	[hbm4b:s5+s3] =	stream.linear.scatter [tilespmem:s19], [sflag:$0xF], $0x2000, $0x38;
	[tilespmem:$0x1EA00] =	vst v63  }
0x2db: {  	_ =	swait.ge [sflag:s7], $0x2000  }
0x2dc: {  	[sflag:s7] =	ssyncset.done $0x0  }
0x2dd: {  	s6 =	rddreg [dreg:$0x1c];
	[sflag:s7] =	ssyncadd.s32 $0xFFFFE000  }
0x2de: {  	[tilespmem:s19], [sflag:$0xF] =	stream.linear.gather [spmem:s6], $0x2000, $0x38;
	[tilespmem:$0x1EA00] =	vst v63  }
0x2df: {  	_ =	swait.ge [sflag:s7], $0x2000  }
0x2e0: {  	s8 =	sld [smem:$0x7F4]  }
0x2e1: {  	[sflag:s7] =	ssyncset.done $0x0  }
0x2e2: {  	[sflag:s7] =	ssyncadd.s32 $0xFFFFE000  }
0x2e3: {  	[hbm4b:s8+s3] =	stream.linear.scatter [tilespmem:s19], [sflag:$0xF], $0x2000, $0x38;
	[tilespmem:$0x1EA00] =	vst v63  }
0x2e4: {  	_ =	swait.ge [sflag:s7], $0x2000  }
0x2e5: {  	[sflag:s7] =	ssyncset.done $0x0  }
0x2e6: {  	s23 =	rddreg [dreg:$0x1e];
	[sflag:s7] =	ssyncadd.s32 $0xFFFFE000  }
0x2e7: {  	[tilespmem:s19], [sflag:$0xF] =	stream.linear.gather [spmem:s23], $0x2000, $0x38;
	[tilespmem:$0x1EA00] =	vst v63  }
0x2e8: {  	_ =	swait.ge [sflag:s7], $0x2000  }
0x2e9: {  	s24 =	sld [smem:$0x7F6]  }
0x2ea: {  	[sflag:s7] =	ssyncset.done $0x0  }
0x2eb: {  	[sflag:s7] =	ssyncadd.s32 $0xFFFFE000  }
0x2ec: {  	[hbm4b:s24+s3] =	stream.linear.scatter [tilespmem:s19], [sflag:$0xF], $0x2000, $0x38;
	[tilespmem:$0x1EA00] =	vst v63  }
0x2ed: {  	_ =	swait.ge [sflag:s7], $0x2000  }
0x2ee: {  	s6 =	sld [smem:$0x7EA]  }
0x2ef: {  	[sflag:s7] =	ssyncset.done $0x0  }
0x2f0: {  	[sflag:s7] =	ssyncadd.s32 $0xFFFFE000  }
0x2f1: {  	[tilespmem:s19], [sflag:$0xF] =	stream.linear.gather [spmem:s6], $0x2000, $0x38;
	[tilespmem:$0x1EA00] =	vst v63  }
0x2f2: {  	_ =	swait.ge [sflag:s7], $0x2000  }
0x2f3: {  	s8 =	sld [smem:$0x7F8]  }
0x2f4: {  	[sflag:s7] =	ssyncset.done $0x0  }
0x2f5: {  	[sflag:s7] =	ssyncadd.s32 $0xFFFFE000  }
0x2f6: {  	[hbm4b:s8+s3] =	stream.linear.scatter [tilespmem:s19], [sflag:$0xF], $0x2000, $0x38;
	[tilespmem:$0x1EA00] =	vst v63  }
0x2f7: {  	_ =	swait.ge [sflag:s7], $0x2000  }
0x2f8: {  	s8 =	sld [smem:$0x7FD]  }
0x2f9: {  	[sflag:s7] =	ssyncset.done $0x0  }
0x2fa: {  	[sflag:s7] =	ssyncadd.s32 $0xFFFFE000  }
0x2fb: {  	[tilespmem:s19], [sflag:$0xF] =	stream.linear.gather [spmem:s8], $0x2000, $0x38;
	[tilespmem:$0x1EA00] =	vst v63  }
0x2fc: {  	_ =	swait.ge [sflag:s7], $0x2000  }
0x2fd: {  	s23 =	sld [smem:$0x7F9]  }
0x2fe: {  	[sflag:s7] =	ssyncset.done $0x0  }
0x2ff: {  	[sflag:s7] =	ssyncadd.s32 $0xFFFFE000  }
0x300: {  	[hbm4b:s23+s3] =	stream.linear.scatter [tilespmem:s19], [sflag:$0xF], $0x2000, $0x38;
	[tilespmem:$0x1EA00] =	vst v63  }
0x301: {  	_ =	swait.ge [sflag:s7], $0x2000  }
0x302: {  	s6 =	sld [smem:$0x7E7]  }
0x303: {  	s24 =	sld [smem:$0x7FC];
	_ =	sdelay $0x1  }
0x304: {  	s6 =	sadd.s32 $0x1, s6  }
0x305: {  	p0 =	sne.s32 s6, s24  }
.Ltmp9:
0x306: {  	_ = 	snop;
	(pc) =	sbr.rel @p0 .LBB2_1-.Ltmp9, $3  }
0x307: {  	_ =	sdelay $0x1  }
0x308: {  	[sflag:s7] =	ssyncset.done $0x0  }
0x309: {  	[sflag:s7] =	ssyncadd.s32 $0xFFFFE000  }
0x30a: {  	_ =	sfence.sel $0x180000  }
0x30b: {  	[bflag:$0x0] =	sbarrier.arrive $0xFFFF  }
0x30c: {  	_ =	strace $0x9000004A  }
0x30d: {  	s0 =	stileid.u32;
	[bflag:$0x2] =	sbarrier.arrive $0xFFFF  }
0x30e: {  	p0 =	sne.s32 s0, $0x0;
	s0 =	rddreg [dreg:$0x4]  }
0x30f: {  	s0 =	sadd.s32 @!p0 $0x100000, s0  }
0x310: {  	[sflag:s0] =	ssyncadd.tile.s32 @!p0 $0x1;
	_ =	shalt  }
.Lfunc_end2:
_tile_overlayer_lowered:
.L_overlay_start_2:
0x311: {  	(tag) =	ssettag $0x2  }
0x312: {  	s0 =	rddreg [dreg:$0x0];
	s2 =	stileid.u32  }
0x313: {  	s1 =	rddreg [dreg:$0x1];
	p0 =	sne.s32 s2, $0x0  }
0x314: {  	s3 =	rddreg [dreg:$0x2];
	[bflag:$0x3] =	sbarrier.arrive $0xFFFF;
	s2 =	simm.s32 @!p0 $0x1C0F  }
0x315: {  	[timem:s3], [sflag:s2] =	dma.local @!p0 [hbm:s0], s1  }
0x316: {  	s0 =	simm.s32 @!p0 $0xF  }
0x317: {  	_ =	swait.ge @!p0 [sflag:s0], s1  }
0x318: {  	s1 =	ssub.s32 @!p0 $0x0, s1;
	[sflag:s0] =	ssyncset.done @!p0 $0x0  }
0x319: {  	[sflag:s0] =	ssyncadd.s32 @!p0 s1  }
0x31a: {  	[bflag:$0x3] =	sbarrier.arrive $0xFFFF  }
0x31b: {  	_ =	shalt  }

</sc_bundles>
